<compile_context>
chip_gen: v7x
topology: tpu7x:2x2x1
jax: 0.10.2.dev20260603
libtpu: 0.0.44.dev20260713+nightly
codegen_flags: <defaults>
</compile_context>

<pallas_src>
import functools

import jax
import jax.numpy as jnp
from jax import lax
from jax.experimental import pallas as pl
from jax.experimental.pallas import tpu as pltpu
from jax.experimental.pallas import tpu_sc as plsc

_B = 1024
_D = 32
_N_DB = 100000
_NQ = 4096
_K = 10
_ALPHA = 1.0
_BETA = 1.0
_LAMB = 1e-4
_GAMMA = 0.1
_TAU = 1.0

_CHUNK = 2000
_NSTEP = _N_DB // _CHUNK
_KPAD = 16


def _sc_gather(table, idx):
  n, d = table.shape
  (bsz,) = idx.shape
  info = plsc.get_sparse_core_info()
  nw = info.num_cores * info.num_subcores
  b_per_w = bsz // nw
  mesh = plsc.VectorSubcoreMesh(core_axis_name="c", subcore_axis_name="s")

  @functools.partial(
      pl.kernel,
      mesh=mesh,
      compiler_params=pltpu.CompilerParams(use_tc_tiling_on_sc=False),
      out_type=jax.ShapeDtypeStruct((bsz, d), table.dtype),
      scratch_types=[
          pltpu.VMEM((b_per_w,), jnp.int32),
          pltpu.VMEM((b_per_w, d), table.dtype),
          pltpu.SemaphoreType.DMA,
      ],
  )
  def gk(table_hbm, idx_hbm, out_hbm, idx_v, rows_v, sem):
    wid = lax.axis_index("s") * info.num_cores + lax.axis_index("c")
    base = wid * b_per_w
    pltpu.sync_copy(idx_hbm.at[pl.ds(base, b_per_w)], idx_v)
    pltpu.async_copy(table_hbm.at[idx_v], rows_v, sem).wait()
    pltpu.sync_copy(rows_v, out_hbm.at[pl.ds(base, b_per_w)])

  return gk(table, idx)


def _knn_body(q_ref, w_ref, b_ref, x_ref, tq_out, idx_out, scal_out,
              tq_s, rund_s, runi_s, dch_s, rm_s):
  step = pl.program_id(0)

  @pl.when(step == 0)
  def _init():
    q = q_ref[...]
    w = w_ref[...]
    bvec = b_ref[...]
    tq = jnp.dot(q, w, preferred_element_type=jnp.float32) + bvec
    tq_s[...] = tq
    tq_out[...] = tq
    rund_s[...] = jnp.full((_B, _KPAD), jnp.inf, jnp.float32)
    runi_s[...] = jnp.zeros((_B, _KPAD), jnp.int32)
    diff = tq - q
    anchor = jnp.sum(diff * diff) / _B
    reg = (jnp.sum(w * w) + jnp.sum(bvec * bvec)) / 2.0
    lane = lax.broadcasted_iota(jnp.int32, (1, 128), 1)
    scal_out[...] = jnp.where(lane == 0, anchor,
                              jnp.where(lane == 1, reg, 0.0))

  tq = tq_s[...]
  xc = x_ref[...]
  qn = jnp.sum(tq * tq, axis=1, keepdims=True)
  g = lax.dot_general(tq, xc, (((1,), (1,)), ((), ())),
                      preferred_element_type=jnp.float32)
  xn = lax.dot_general(jnp.ones((1, _D), jnp.float32), xc * xc,
                       (((1,), (1,)), ((), ())),
                       precision=lax.Precision.HIGHEST,
                       preferred_element_type=jnp.float32)
  dmat = jnp.maximum(qn + xn - 2.0 * g, 0.0)
  dch_s[...] = dmat
  rm0 = jnp.min(dmat, axis=1, keepdims=True)

  colio = lax.broadcasted_iota(jnp.int32, (_B, _CHUNK), 1)
  slotio = lax.broadcasted_iota(jnp.int32, (_B, _KPAD), 1)
  base = step * _CHUNK

  def one_pass(go):
    del go
    d = dch_s[...]
    rm = rm_s[...]
    am = jnp.min(jnp.where(d == rm, colio, jnp.int32(2 ** 30)),
                 axis=1, keepdims=True)
    rund = rund_s[...]
    runi = runi_s[...]
    thresh = rund[:, _K - 1:_K]
    improve = rm < thresh
    gi = base + am
    pos = jnp.sum((rund <= rm).astype(jnp.int32), axis=1, keepdims=True)
    shift_d = jnp.concatenate([rund[:, :1], rund[:, :-1]], axis=1)
    shift_i = jnp.concatenate([runi[:, :1], runi[:, :-1]], axis=1)
    ins_d = jnp.where(slotio < pos, rund, jnp.where(slotio == pos, rm, shift_d))
    ins_i = jnp.where(slotio < pos, runi, jnp.where(slotio == pos, gi, shift_i))
    upd = improve & (slotio < _K)
    new_d = jnp.where(upd, ins_d, rund)
    rund_s[...] = new_d
    runi_s[...] = jnp.where(upd, ins_i, runi)
    dn = jnp.where((colio == am) & improve, jnp.inf, d)
    dch_s[...] = dn
    rm_n = jnp.min(dn, axis=1, keepdims=True)
    rm_s[...] = rm_n
    return jnp.any(rm_n < new_d[:, _K - 1:_K])

  rm_s[...] = rm0
  go0 = jnp.any(rm0 < rund_s[:, _K - 1:_K])
  lax.while_loop(lambda go: go, one_pass, go0)

  @pl.when(step == _NSTEP - 1)
  def _fin():
    idx_out[...] = runi_s[...]


def _knn_topk(q_batch, w, bvec, x):
  return functools.partial(
      pl.pallas_call,
      grid=(_NSTEP,),
      out_shape=[
          jax.ShapeDtypeStruct((_B, _D), jnp.float32),
          jax.ShapeDtypeStruct((_B, _KPAD), jnp.int32),
          jax.ShapeDtypeStruct((1, 128), jnp.float32),
      ],
      in_specs=[
          pl.BlockSpec((_B, _D), lambda i: (0, 0)),
          pl.BlockSpec((_D, _D), lambda i: (0, 0)),
          pl.BlockSpec((1, _D), lambda i: (0, 0)),
          pl.BlockSpec((_CHUNK, _D), lambda i: (i, 0)),
      ],
      out_specs=[
          pl.BlockSpec((_B, _D), lambda i: (0, 0)),
          pl.BlockSpec((_B, _KPAD), lambda i: (0, 0)),
          pl.BlockSpec((1, 128), lambda i: (0, 0)),
      ],
      scratch_shapes=[
          pltpu.VMEM((_B, _D), jnp.float32),
          pltpu.VMEM((_B, _KPAD), jnp.float32),
          pltpu.VMEM((_B, _KPAD), jnp.int32),
          pltpu.VMEM((_B, _CHUNK), jnp.float32),
          pltpu.VMEM((_B, 1), jnp.float32),
      ],
  )(_knn_body)(q_batch, w, bvec, x)


def _mmd_body(tq_ref, xb_ref, out_ref, d_s, dg_s):
  tq = tq_ref[...]
  xb = xb_ref[...]
  cmb = jnp.concatenate([tq, xb], axis=0)
  n_col = jnp.sum(cmb * cmb, axis=1, keepdims=True)
  n_row = lax.dot_general(jnp.ones((1, _D), jnp.float32), cmb * cmb,
                          (((1,), (1,)), ((), ())),
                          precision=lax.Precision.HIGHEST,
                          preferred_element_type=jnp.float32)
  m = 2 * _B
  nblk = 8
  rows = m // nblk

  dmin = jnp.inf
  dmax = -jnp.inf
  for t in range(nblk):
    lo, hi = t * rows, (t + 1) * rows
    g = lax.dot_general(cmb[lo:hi, :], cmb[lo:, :], (((1,), (1,)), ((), ())),
                        preferred_element_type=jnp.float32)
    blk = jnp.maximum(n_col[lo:hi, :] + n_row[:, lo:] - 2.0 * g, 0.0)
    d_s[lo:hi, lo:] = blk
    dmin = jnp.minimum(dmin, jnp.min(blk))
    dmax = jnp.maximum(dmax, jnp.max(blk))
    rio = lax.broadcasted_iota(jnp.int32, (rows, rows), 0)
    cio = lax.broadcasted_iota(jnp.int32, (rows, rows), 1)
    dg_s[lo:hi, :] = jnp.sum(
        jnp.where(rio == cio, blk[:, :rows], 0.0), axis=1, keepdims=True)

  tot = m * m

  def count_pair(t0, t1):
    dg = dg_s[...]
    c0 = jnp.sum((dg <= t0).astype(jnp.float32))
    c1 = jnp.sum((dg <= t1).astype(jnp.float32))
    for t in range(nblk):
      lo, hi = t * rows, (t + 1) * rows
      dgb = d_s[lo:hi, lo:hi]
      rio = lax.broadcasted_iota(jnp.int32, (rows, rows), 0)
      cio = lax.broadcasted_iota(jnp.int32, (rows, rows), 1)
      up = cio > rio
      c0 += 2.0 * jnp.sum(((dgb <= t0) & up).astype(jnp.float32))
      c1 += 2.0 * jnp.sum(((dgb <= t1) & up).astype(jnp.float32))
      if hi < m:
        rect = d_s[lo:hi, hi:]
        c0 += 2.0 * jnp.sum((rect <= t0).astype(jnp.float32))
        c1 += 2.0 * jnp.sum((rect <= t1).astype(jnp.float32))
    return c0, c1

  kplus = jnp.float32(tot // 2)

  def body(i, state):
    del i
    lo, hi = state
    r = hi - lo
    m1 = lo + r // 3
    m2 = lo + 2 * (r // 3)
    c1, c2 = count_pair(lax.bitcast_convert_type(m1, jnp.float32),
                        lax.bitcast_convert_type(m2, jnp.float32))
    p1 = c1 >= kplus
    p2 = c2 >= kplus
    newlo = jnp.where(p1, lo, jnp.where(p2, m1 + 1, m2 + 1))
    newhi = jnp.where(p1, m1, jnp.where(p2, m2, hi))
    return newlo, newhi

  blo = lax.bitcast_convert_type(dmin, jnp.int32)
  bhi = lax.bitcast_convert_type(dmax, jnp.int32)
  lo0, _ = lax.fori_loop(0, 23, body, (blo, bhi))
  v0 = lax.bitcast_convert_type(lo0, jnp.float32)

  cnt0 = jnp.sum((dg_s[...] <= v0).astype(jnp.float32))
  vn = jnp.min(jnp.where(dg_s[...] > v0, dg_s[...], jnp.inf))
  for t in range(nblk):
    lo, hi = t * rows, (t + 1) * rows
    dgb = d_s[lo:hi, lo:hi]
    rio = lax.broadcasted_iota(jnp.int32, (rows, rows), 0)
    cio = lax.broadcasted_iota(jnp.int32, (rows, rows), 1)
    up = cio > rio
    cnt0 += 2.0 * jnp.sum(((dgb <= v0) & up).astype(jnp.float32))
    vn = jnp.minimum(vn, jnp.min(jnp.where(up & (dgb > v0), dgb, jnp.inf)))
    if hi < m:
      rect = d_s[lo:hi, hi:]
      cnt0 += 2.0 * jnp.sum((rect <= v0).astype(jnp.float32))
      vn = jnp.minimum(vn, jnp.min(jnp.where(rect > v0, rect, jnp.inf)))
  v1 = jnp.where(cnt0 >= jnp.float32(tot // 2 + 1), v0, vn)
  med = (v0 + v1) * 0.5
  sigma_sq = med * 0.5
  sigma_sq = jnp.where(sigma_sq < 1e-6, jnp.float32(1.0), sigma_sq)
  gam = 1.0 / (sigma_sq + 1e-8)

  dg = dg_s[...]
  sxx = jnp.sum(jnp.exp(-gam * dg[:_B, :]))
  syy = jnp.sum(jnp.exp(-gam * dg[_B:, :]))
  sxy = jnp.sum(jnp.exp(-gam * d_s[:_B, _B:]))
  for t in range(nblk // 2):
    lo, hi = t * rows, (t + 1) * rows
    rio = lax.broadcasted_iota(jnp.int32, (rows, rows), 0)
    cio = lax.broadcasted_iota(jnp.int32, (rows, rows), 1)
    up = cio > rio
    sxx += 2.0 * jnp.sum(
        jnp.where(up, jnp.exp(-gam * d_s[lo:hi, lo:hi]), 0.0))
    if hi < _B:
      sxx += 2.0 * jnp.sum(jnp.exp(-gam * d_s[lo:hi, hi:_B]))
    lo2, hi2 = _B + lo, _B + hi
    syy += 2.0 * jnp.sum(
        jnp.where(up, jnp.exp(-gam * d_s[lo2:hi2, lo2:hi2]), 0.0))
    if hi2 < m:
      syy += 2.0 * jnp.sum(jnp.exp(-gam * d_s[lo2:hi2, hi2:]))
  loss = jnp.maximum((sxx + syy - 2.0 * sxy) / float(_B * _B), 0.0)
  lane = lax.broadcasted_iota(jnp.int32, (1, 128), 1)
  out_ref[...] = jnp.where(lane == 0, loss, 0.0)


def _mmd(tq, xb):
  return pl.pallas_call(
      _mmd_body,
      out_shape=jax.ShapeDtypeStruct((1, 128), jnp.float32),
      scratch_shapes=[pltpu.VMEM((2 * _B, 2 * _B), jnp.float32),
                      pltpu.VMEM((2 * _B, 1), jnp.float32)],
  )(tq, xb)


def _kl_body(tq_ref, xn_ref, pi_ref, pw_ref, qi_ref, out_ref):
  tq = tq_ref[...]
  cols = []
  for j in range(_K):
    xj = xn_ref[:, j * _D:(j + 1) * _D]
    dif = tq - xj
    cols.append(jnp.sum(dif * dif, axis=1, keepdims=True))
  l2 = jnp.concatenate(cols, axis=1)
  s = -l2 / _TAU
  smax = jnp.max(s, axis=1, keepdims=True)
  e = jnp.exp(s - smax)
  post_w = e / jnp.sum(e, axis=1, keepdims=True)

  pre_i = pi_ref[...][:, :_K]
  pre_w = pw_ref[...][:, :_K]
  post_i = qi_ref[...][:, :_K]
  c = jnp.concatenate([pre_i, post_i], axis=1)

  p_cols, q_cols, first_cols = [], [], []
  for j in range(2 * _K):
    cj = c[:, j:j + 1]
    p_cols.append(jnp.sum(jnp.where(cj == pre_i, pre_w, 0.0),
                          axis=1, keepdims=True))
    q_cols.append(jnp.sum(jnp.where(cj == post_i, post_w, 0.0),
                          axis=1, keepdims=True))
    if j == 0:
      first_cols.append(jnp.zeros((_B, 1), dtype=jnp.float32))
    else:
      first_cols.append(jnp.sum((c[:, :j] == cj).astype(jnp.float32),
                                axis=1, keepdims=True))
  p_raw = jnp.concatenate(p_cols, axis=1)
  q_raw = jnp.concatenate(q_cols, axis=1)
  first = jnp.concatenate(first_cols, axis=1) == 0.0

  p = jnp.where(first, jnp.maximum(p_raw, 1e-8), jnp.float32(1e-8))
  q = jnp.where(first, jnp.maximum(q_raw, 1e-8), jnp.float32(1e-8))
  p = p / jnp.sum(p, axis=1, keepdims=True)
  q = q / jnp.sum(q, axis=1, keepdims=True)
  kl = jnp.sum(p * (jnp.log(p) - jnp.log(q)), axis=1)
  loss_knn = jnp.sum(kl) / _B
  lane = lax.broadcasted_iota(jnp.int32, (1, 128), 1)
  out_ref[...] = jnp.where(lane == 0, loss_knn, 0.0)


def _kl(tq, xn_flat, pre_i, pre_w, post_i):
  return pl.pallas_call(
      _kl_body,
      out_shape=jax.ShapeDtypeStruct((1, 128), jnp.float32),
  )(tq, xn_flat, pre_i, pre_w, post_i)


def kernel(q_batch, q_indices, X, W, b, pre_indices, pre_weights):
  idx_mmd = jax.random.randint(jax.random.key(42), (_B,), 0, _N_DB)

  pad_w = jnp.zeros((_NQ, _KPAD - _K), jnp.float32)
  packed = jnp.concatenate([
      jnp.concatenate([pre_indices.astype(jnp.float32), pad_w], axis=1),
      jnp.concatenate([pre_weights, pad_w], axis=1),
  ], axis=1)

  x_batch = _sc_gather(X, idx_mmd.astype(jnp.int32))
  pre_rows = _sc_gather(packed, q_indices.astype(jnp.int32))
  pre_i = pre_rows[:, :_KPAD].astype(jnp.int32)
  pre_w = pre_rows[:, _KPAD:]

  tq, post_idx_pad, scal = _knn_topk(q_batch, W, b.reshape(1, _D), X)
  anchor = scal[0, 0]
  reg = scal[0, 1]

  flat_idx = post_idx_pad[:, :_K].reshape(_B * _K)
  xn_flat = _sc_gather(X, flat_idx).reshape(_B, _K * _D)

  loss_dist = _mmd(tq, x_batch)[0, 0]
  loss_knn = _kl(tq, xn_flat, pre_i, pre_w, post_idx_pad)[0, 0]

  total = (_ALPHA * loss_dist + _BETA * loss_knn
           + _LAMB * reg + _GAMMA * anchor)
  return (total, loss_dist, loss_knn, anchor)

# --- scband reference (transcript-rebuilt; emitter-appended) ---
"""Pipeline reference for scband-custom-loss-43834436223359 (READ-ONLY COPY).

The authoritative reference and input builder live on the scoring server;
editing this copy changes nothing except your own understanding.
"""

import jax, jax.numpy as jnp
import numpy as np

B = 1024
D = 32
N_DB = 100000
NQ = 4096
K = 10
ALPHA = 1.0
BETA = 1.0
LAMB = 1e-4
GAMMA = 0.1
TAU = 1.0


def _pairwise_dist_sq(X, Y):
    x_norm = jnp.sum(X ** 2, axis=1)[:, None]
    y_norm = jnp.sum(Y ** 2, axis=1)[None, :]
    d = x_norm + y_norm - 2.0 * (X @ Y.T)
    return jnp.maximum(d, 0.0)


def _rbf_kernel(X, Y, sigma_sq):
    d = _pairwise_dist_sq(X, Y)
    gamma = 1.0 / (sigma_sq + 1e-8)
    return jnp.exp(-gamma * d)


def _loss_mmd(source, target):
    combined = jnp.concatenate([source, target], axis=0)
    d = _pairwise_dist_sq(combined, combined)
    med = jnp.median(jax.lax.stop_gradient(d))
    sigma_sq = med / 2.0
    sigma_sq = jnp.where(sigma_sq < 1e-6, jnp.float32(1.0), sigma_sq)
    K_xx = _rbf_kernel(source, source, sigma_sq)
    K_yy = _rbf_kernel(target, target, sigma_sq)
    K_xy = _rbf_kernel(source, target, sigma_sq)
    loss = K_xx.mean() + K_yy.mean() - 2.0 * K_xy.mean()
    return jnp.maximum(loss, 0.0)


def _union_padded(cat):
    # sorted union with -1 padding in duplicate slots (no valid index is -1)
    s = jnp.sort(cat)
    keep = jnp.concatenate([jnp.array([True]), s[1:] != s[:-1]])
    return jnp.where(keep, s, -1)


def _kl_one(pre_i, pre_w, post_i, post_w):
    union = _union_padded(jnp.concatenate([pre_i, post_i], axis=0))
    pre_cmp = (union[:, None] == pre_i[None, :]).astype(jnp.float32)
    post_cmp = (union[:, None] == post_i[None, :]).astype(jnp.float32)
    p_m = pre_cmp @ pre_w
    q_m = post_cmp @ post_w
    p_m = jnp.maximum(p_m, 1e-8)
    p_m = p_m / jnp.sum(p_m)
    q_m = jnp.maximum(q_m, 1e-8)
    q_m = q_m / jnp.sum(q_m)
    # F.kl_div(q.log(), p, reduction='sum') == sum(p * (log p - log q))
    return jnp.sum(p_m * (jnp.log(p_m) - jnp.log(q_m)))


def setup_inputs(seed: int = 0):
    key = jax.random.key(seed)
    ks = jax.random.split(key, 7)
    q_batch = jax.random.normal(ks[0], (B, D), dtype=jnp.float32)
    q_indices = jax.random.randint(ks[1], (B,), 0, NQ)
    X = jax.random.normal(ks[2], (N_DB, D), dtype=jnp.float32)
    W = jax.random.normal(ks[3], (D, D), dtype=jnp.float32) * 0.05
    b = jnp.zeros((D,), dtype=jnp.float32)
    pre_indices = jax.random.randint(ks[4], (NQ, K), 0, N_DB)
    raw = jax.random.uniform(ks[5], (NQ, K), dtype=jnp.float32) + 0.1
    pre_weights = raw / jnp.sum(raw, axis=1, keepdims=True)
    return {"q_batch": q_batch, "q_indices": q_indices, "X": X, "W": W, "b": b,
            "pre_indices": pre_indices, "pre_weights": pre_weights}


def reference(q_batch, q_indices, X, W, b, pre_indices, pre_weights):
    # model(q_batch): linear projection (the 'model' argument of the torch forward)
    T_q = q_batch @ W + b
    # loss_dist: MMD against random database batch (alpha > 0 branch)
    idx = jax.random.randint(jax.random.key(42), (q_batch.shape[0],), 0, N_DB)
    X_batch = X[idx]
    loss_dist = _loss_mmd(T_q, X_batch)
    # faiss IndexFlatL2.search on detached embeddings -> brute-force exact L2 top-K
    Tq_d = jax.lax.stop_gradient(T_q)
    dist = _pairwise_dist_sq(Tq_d, X)
    _, post_indices = jax.lax.top_k(-dist, K)
    X_neighbors = X[post_indices]
    l2_dist_sq = jnp.sum((T_q[:, None, :] - X_neighbors) ** 2, axis=-1)
    post_weights = jax.nn.softmax(-l2_dist_sq / TAU, axis=1)
    pre_i = pre_indices[q_indices]
    pre_w = pre_weights[q_indices]
    loss_knn = jnp.mean(jax.vmap(_kl_one)(pre_i, pre_w, post_indices, post_weights))
    loss_reg = (jnp.sum(W ** 2) + jnp.sum(b ** 2)) / 2.0
    loss_anchor = jnp.mean(jnp.sum((T_q - q_batch) ** 2, axis=1))
    total_loss = ALPHA * loss_dist + BETA * loss_knn + LAMB * loss_reg + GAMMA * loss_anchor
    return (total_loss, loss_dist, loss_knn, loss_anchor)

if __name__ == "__main__":
    import jax
    _d = setup_inputs()
    print(jax.jit(kernel)(*tuple(_d.values())))

</pallas_src>

<mosaic_0001>
#map = affine_map<(d0, d1) -> (0, 0)>
#map1 = affine_map<(d0, d1) -> (0)>
module attributes {stable_mosaic.version = 14 : i64} {
  func.func @gk(%arg0: i32, %arg1: i32, %arg2: memref<100000x32xf32, #tpu.memory_space<hbm>>, %arg3: memref<1024xi32, #tpu.memory_space<hbm>>, %arg4: memref<1024x32xf32, #tpu.memory_space<hbm>>, %arg5: memref<32xi32, #tpu.memory_space<vmem>>, %arg6: memref<32x32xf32, #tpu.memory_space<vmem>>, %arg7: memref<!tpu.dma_semaphore, #tpu.memory_space<semaphore_mem>>) attributes {dimension_semantics = [#tpu.dimension_semantics<core_parallel>, #tpu.dimension_semantics<subcore_parallel>], iteration_bounds = array<i64: 2, 16>, scalar_prefetch = 0 : i64, scratch_operands = 3 : i64, tpu.core_type = #tpu.core_type<sc_vector_subcore>, window_params = [{transform_indices = #map}, {transform_indices = #map1}, {transform_indices = #map}]} {
    %mul3A = arith.constant 2 : i32
    %mul3A_0 = arith.muli %arg1, %mul3A : i32
    %add3A = arith.addi %mul3A_0, %arg0 : i32
    %mul3A_1 = arith.constant 32 : i32
    %mul3A_2 = arith.muli %add3A, %mul3A_1 : i32
    "tpu.region"() ({
      %run_scoped3A = tpu.sem_alloc : memref<!tpu.dma_semaphore, #tpu.memory_space<semaphore_mem>>
      %dma_start3A_7 = tpu.memref_slice %arg3[%mul3A_2] : memref<1024xi32, #tpu.memory_space<hbm>> -> memref<32xi32, #tpu.memory_space<hbm>>
      %dma_start3A_8 = tpu.memref_slice %arg3[%mul3A_2] : memref<1024xi32, #tpu.memory_space<hbm>> -> memref<32xi32, #tpu.memory_space<hbm>>
      tpu.enqueue_dma source(%dma_start3A_8 : memref<32xi32, #tpu.memory_space<hbm>>) target(%arg5 : memref<32xi32, #tpu.memory_space<vmem>>) target_semaphore(%run_scoped3A : memref<!tpu.dma_semaphore, #tpu.memory_space<semaphore_mem>>)
      %dma_wait3A_9 = tpu.memref_slice %arg3[%mul3A_2] : memref<1024xi32, #tpu.memory_space<hbm>> -> memref<32xi32, #tpu.memory_space<hbm>>
      %dma_wait3A_10 = tpu.memref_slice %arg3[%mul3A_2] : memref<1024xi32, #tpu.memory_space<hbm>> -> memref<32xi32, #tpu.memory_space<hbm>>
      tpu.wait_dma2 semaphore(%run_scoped3A : memref<!tpu.dma_semaphore, #tpu.memory_space<semaphore_mem>>) src(%dma_wait3A_10 : memref<32xi32, #tpu.memory_space<hbm>>) dst(%arg5 : memref<32xi32, #tpu.memory_space<vmem>>)
      tpu.yield
    }) : () -> ()
    %dma_start3A = arith.constant 0 : i32
    %dma_start3A_3 = arith.constant 0 : i32
    %dma_start3A_4 = tpu.memref_slice %arg2[%dma_start3A, %dma_start3A_3] : memref<100000x32xf32, #tpu.memory_space<hbm>> -> memref<100000x32xf32, #tpu.memory_space<hbm>>
    tpu.enqueue_indirect_dma source(%dma_start3A_4 : memref<100000x32xf32, #tpu.memory_space<hbm>>) target(%arg6 : memref<32x32xf32, #tpu.memory_space<vmem>>) offsets(%arg5 : memref<32xi32, #tpu.memory_space<vmem>>) semaphore(%arg7 : memref<!tpu.dma_semaphore, #tpu.memory_space<semaphore_mem>>)
    %dma_wait3A = arith.constant 0 : i32
    %dma_wait3A_5 = arith.constant 0 : i32
    %dma_wait3A_6 = tpu.memref_slice %arg2[%dma_wait3A, %dma_wait3A_5] : memref<100000x32xf32, #tpu.memory_space<hbm>> -> memref<100000x32xf32, #tpu.memory_space<hbm>>
    tpu.wait_indirect_dma semaphore(%arg7 : memref<!tpu.dma_semaphore, #tpu.memory_space<semaphore_mem>>) src(%dma_wait3A_6 : memref<100000x32xf32, #tpu.memory_space<hbm>>) dst(%arg6 : memref<32x32xf32, #tpu.memory_space<vmem>>)
    "tpu.region"() ({
      %run_scoped3A = tpu.sem_alloc : memref<!tpu.dma_semaphore, #tpu.memory_space<semaphore_mem>>
      %dma_start3A_7 = arith.constant 0 : i32
      %dma_start3A_8 = tpu.memref_slice %arg4[%mul3A_2, %dma_start3A_7] : memref<1024x32xf32, #tpu.memory_space<hbm>> -> memref<32x32xf32, #tpu.memory_space<hbm>>
      %dma_start3A_9 = arith.constant 0 : i32
      %dma_start3A_10 = tpu.memref_slice %arg4[%mul3A_2, %dma_start3A_9] : memref<1024x32xf32, #tpu.memory_space<hbm>> -> memref<32x32xf32, #tpu.memory_space<hbm>>
      tpu.enqueue_dma source(%arg6 : memref<32x32xf32, #tpu.memory_space<vmem>>) target(%dma_start3A_10 : memref<32x32xf32, #tpu.memory_space<hbm>>) target_semaphore(%run_scoped3A : memref<!tpu.dma_semaphore, #tpu.memory_space<semaphore_mem>>)
      %dma_wait3A_11 = arith.constant 0 : i32
      %dma_wait3A_12 = tpu.memref_slice %arg4[%mul3A_2, %dma_wait3A_11] : memref<1024x32xf32, #tpu.memory_space<hbm>> -> memref<32x32xf32, #tpu.memory_space<hbm>>
      %dma_wait3A_13 = arith.constant 0 : i32
      %dma_wait3A_14 = tpu.memref_slice %arg4[%mul3A_2, %dma_wait3A_13] : memref<1024x32xf32, #tpu.memory_space<hbm>> -> memref<32x32xf32, #tpu.memory_space<hbm>>
      tpu.wait_dma2 semaphore(%run_scoped3A : memref<!tpu.dma_semaphore, #tpu.memory_space<semaphore_mem>>) src(%arg6 : memref<32x32xf32, #tpu.memory_space<vmem>>) dst(%dma_wait3A_14 : memref<32x32xf32, #tpu.memory_space<hbm>>)
      tpu.yield
    }) : () -> ()
    return
  }
}

#map = affine_map<(d0, d1) -> (0, 0)>
#map1 = affine_map<(d0, d1) -> (0)>
module attributes {stable_mosaic.version = 14 : i64} {
  func.func @gk(%arg0: i32, %arg1: i32, %arg2: memref<100000x32xf32, #tpu.memory_space<hbm>>, %arg3: memref<10240xi32, #tpu.memory_space<hbm>>, %arg4: memref<10240x32xf32, #tpu.memory_space<hbm>>, %arg5: memref<320xi32, #tpu.memory_space<vmem>>, %arg6: memref<320x32xf32, #tpu.memory_space<vmem>>, %arg7: memref<!tpu.dma_semaphore, #tpu.memory_space<semaphore_mem>>) attributes {dimension_semantics = [#tpu.dimension_semantics<core_parallel>, #tpu.dimension_semantics<subcore_parallel>], iteration_bounds = array<i64: 2, 16>, scalar_prefetch = 0 : i64, scratch_operands = 3 : i64, tpu.core_type = #tpu.core_type<sc_vector_subcore>, window_params = [{transform_indices = #map}, {transform_indices = #map1}, {transform_indices = #map}]} {
    %mul3A = arith.constant 2 : i32
    %mul3A_0 = arith.muli %arg1, %mul3A : i32
    %add3A = arith.addi %mul3A_0, %arg0 : i32
    %mul3A_1 = arith.constant 320 : i32
    %mul3A_2 = arith.muli %add3A, %mul3A_1 : i32
    "tpu.region"() ({
      %run_scoped3A = tpu.sem_alloc : memref<!tpu.dma_semaphore, #tpu.memory_space<semaphore_mem>>
      %dma_start3A_7 = tpu.memref_slice %arg3[%mul3A_2] : memref<10240xi32, #tpu.memory_space<hbm>> -> memref<320xi32, #tpu.memory_space<hbm>>
      %dma_start3A_8 = tpu.memref_slice %arg3[%mul3A_2] : memref<10240xi32, #tpu.memory_space<hbm>> -> memref<320xi32, #tpu.memory_space<hbm>>
      tpu.enqueue_dma source(%dma_start3A_8 : memref<320xi32, #tpu.memory_space<hbm>>) target(%arg5 : memref<320xi32, #tpu.memory_space<vmem>>) target_semaphore(%run_scoped3A : memref<!tpu.dma_semaphore, #tpu.memory_space<semaphore_mem>>)
      %dma_wait3A_9 = tpu.memref_slice %arg3[%mul3A_2] : memref<10240xi32, #tpu.memory_space<hbm>> -> memref<320xi32, #tpu.memory_space<hbm>>
      %dma_wait3A_10 = tpu.memref_slice %arg3[%mul3A_2] : memref<10240xi32, #tpu.memory_space<hbm>> -> memref<320xi32, #tpu.memory_space<hbm>>
      tpu.wait_dma2 semaphore(%run_scoped3A : memref<!tpu.dma_semaphore, #tpu.memory_space<semaphore_mem>>) src(%dma_wait3A_10 : memref<320xi32, #tpu.memory_space<hbm>>) dst(%arg5 : memref<320xi32, #tpu.memory_space<vmem>>)
      tpu.yield
    }) : () -> ()
    %dma_start3A = arith.constant 0 : i32
    %dma_start3A_3 = arith.constant 0 : i32
    %dma_start3A_4 = tpu.memref_slice %arg2[%dma_start3A, %dma_start3A_3] : memref<100000x32xf32, #tpu.memory_space<hbm>> -> memref<100000x32xf32, #tpu.memory_space<hbm>>
    tpu.enqueue_indirect_dma source(%dma_start3A_4 : memref<100000x32xf32, #tpu.memory_space<hbm>>) target(%arg6 : memref<320x32xf32, #tpu.memory_space<vmem>>) offsets(%arg5 : memref<320xi32, #tpu.memory_space<vmem>>) semaphore(%arg7 : memref<!tpu.dma_semaphore, #tpu.memory_space<semaphore_mem>>)
    %dma_wait3A = arith.constant 0 : i32
    %dma_wait3A_5 = arith.constant 0 : i32
    %dma_wait3A_6 = tpu.memref_slice %arg2[%dma_wait3A, %dma_wait3A_5] : memref<100000x32xf32, #tpu.memory_space<hbm>> -> memref<100000x32xf32, #tpu.memory_space<hbm>>
    tpu.wait_indirect_dma semaphore(%arg7 : memref<!tpu.dma_semaphore, #tpu.memory_space<semaphore_mem>>) src(%dma_wait3A_6 : memref<100000x32xf32, #tpu.memory_space<hbm>>) dst(%arg6 : memref<320x32xf32, #tpu.memory_space<vmem>>)
    "tpu.region"() ({
      %run_scoped3A = tpu.sem_alloc : memref<!tpu.dma_semaphore, #tpu.memory_space<semaphore_mem>>
      %dma_start3A_7 = arith.constant 0 : i32
      %dma_start3A_8 = tpu.memref_slice %arg4[%mul3A_2, %dma_start3A_7] : memref<10240x32xf32, #tpu.memory_space<hbm>> -> memref<320x32xf32, #tpu.memory_space<hbm>>
      %dma_start3A_9 = arith.constant 0 : i32
      %dma_start3A_10 = tpu.memref_slice %arg4[%mul3A_2, %dma_start3A_9] : memref<10240x32xf32, #tpu.memory_space<hbm>> -> memref<320x32xf32, #tpu.memory_space<hbm>>
      tpu.enqueue_dma source(%arg6 : memref<320x32xf32, #tpu.memory_space<vmem>>) target(%dma_start3A_10 : memref<320x32xf32, #tpu.memory_space<hbm>>) target_semaphore(%run_scoped3A : memref<!tpu.dma_semaphore, #tpu.memory_space<semaphore_mem>>)
      %dma_wait3A_11 = arith.constant 0 : i32
      %dma_wait3A_12 = tpu.memref_slice %arg4[%mul3A_2, %dma_wait3A_11] : memref<10240x32xf32, #tpu.memory_space<hbm>> -> memref<320x32xf32, #tpu.memory_space<hbm>>
      %dma_wait3A_13 = arith.constant 0 : i32
      %dma_wait3A_14 = tpu.memref_slice %arg4[%mul3A_2, %dma_wait3A_13] : memref<10240x32xf32, #tpu.memory_space<hbm>> -> memref<320x32xf32, #tpu.memory_space<hbm>>
      tpu.wait_dma2 semaphore(%run_scoped3A : memref<!tpu.dma_semaphore, #tpu.memory_space<semaphore_mem>>) src(%arg6 : memref<320x32xf32, #tpu.memory_space<vmem>>) dst(%dma_wait3A_14 : memref<320x32xf32, #tpu.memory_space<hbm>>)
      tpu.yield
    }) : () -> ()
    return
  }
}

#map = affine_map<(d0, d1) -> (0, 0)>
#map1 = affine_map<(d0, d1) -> (0)>
module attributes {stable_mosaic.version = 14 : i64} {
  func.func @gk(%arg0: i32, %arg1: i32, %arg2: memref<4096x32xf32, #tpu.memory_space<hbm>>, %arg3: memref<1024xi32, #tpu.memory_space<hbm>>, %arg4: memref<1024x32xf32, #tpu.memory_space<hbm>>, %arg5: memref<32xi32, #tpu.memory_space<vmem>>, %arg6: memref<32x32xf32, #tpu.memory_space<vmem>>, %arg7: memref<!tpu.dma_semaphore, #tpu.memory_space<semaphore_mem>>) attributes {dimension_semantics = [#tpu.dimension_semantics<core_parallel>, #tpu.dimension_semantics<subcore_parallel>], iteration_bounds = array<i64: 2, 16>, scalar_prefetch = 0 : i64, scratch_operands = 3 : i64, tpu.core_type = #tpu.core_type<sc_vector_subcore>, window_params = [{transform_indices = #map}, {transform_indices = #map1}, {transform_indices = #map}]} {
    %mul3A = arith.constant 2 : i32
    %mul3A_0 = arith.muli %arg1, %mul3A : i32
    %add3A = arith.addi %mul3A_0, %arg0 : i32
    %mul3A_1 = arith.constant 32 : i32
    %mul3A_2 = arith.muli %add3A, %mul3A_1 : i32
    "tpu.region"() ({
      %run_scoped3A = tpu.sem_alloc : memref<!tpu.dma_semaphore, #tpu.memory_space<semaphore_mem>>
      %dma_start3A_7 = tpu.memref_slice %arg3[%mul3A_2] : memref<1024xi32, #tpu.memory_space<hbm>> -> memref<32xi32, #tpu.memory_space<hbm>>
      %dma_start3A_8 = tpu.memref_slice %arg3[%mul3A_2] : memref<1024xi32, #tpu.memory_space<hbm>> -> memref<32xi32, #tpu.memory_space<hbm>>
      tpu.enqueue_dma source(%dma_start3A_8 : memref<32xi32, #tpu.memory_space<hbm>>) target(%arg5 : memref<32xi32, #tpu.memory_space<vmem>>) target_semaphore(%run_scoped3A : memref<!tpu.dma_semaphore, #tpu.memory_space<semaphore_mem>>)
      %dma_wait3A_9 = tpu.memref_slice %arg3[%mul3A_2] : memref<1024xi32, #tpu.memory_space<hbm>> -> memref<32xi32, #tpu.memory_space<hbm>>
      %dma_wait3A_10 = tpu.memref_slice %arg3[%mul3A_2] : memref<1024xi32, #tpu.memory_space<hbm>> -> memref<32xi32, #tpu.memory_space<hbm>>
      tpu.wait_dma2 semaphore(%run_scoped3A : memref<!tpu.dma_semaphore, #tpu.memory_space<semaphore_mem>>) src(%dma_wait3A_10 : memref<32xi32, #tpu.memory_space<hbm>>) dst(%arg5 : memref<32xi32, #tpu.memory_space<vmem>>)
      tpu.yield
    }) : () -> ()
    %dma_start3A = arith.constant 0 : i32
    %dma_start3A_3 = arith.constant 0 : i32
    %dma_start3A_4 = tpu.memref_slice %arg2[%dma_start3A, %dma_start3A_3] : memref<4096x32xf32, #tpu.memory_space<hbm>> -> memref<4096x32xf32, #tpu.memory_space<hbm>>
    tpu.enqueue_indirect_dma source(%dma_start3A_4 : memref<4096x32xf32, #tpu.memory_space<hbm>>) target(%arg6 : memref<32x32xf32, #tpu.memory_space<vmem>>) offsets(%arg5 : memref<32xi32, #tpu.memory_space<vmem>>) semaphore(%arg7 : memref<!tpu.dma_semaphore, #tpu.memory_space<semaphore_mem>>)
    %dma_wait3A = arith.constant 0 : i32
    %dma_wait3A_5 = arith.constant 0 : i32
    %dma_wait3A_6 = tpu.memref_slice %arg2[%dma_wait3A, %dma_wait3A_5] : memref<4096x32xf32, #tpu.memory_space<hbm>> -> memref<4096x32xf32, #tpu.memory_space<hbm>>
    tpu.wait_indirect_dma semaphore(%arg7 : memref<!tpu.dma_semaphore, #tpu.memory_space<semaphore_mem>>) src(%dma_wait3A_6 : memref<4096x32xf32, #tpu.memory_space<hbm>>) dst(%arg6 : memref<32x32xf32, #tpu.memory_space<vmem>>)
    "tpu.region"() ({
      %run_scoped3A = tpu.sem_alloc : memref<!tpu.dma_semaphore, #tpu.memory_space<semaphore_mem>>
      %dma_start3A_7 = arith.constant 0 : i32
      %dma_start3A_8 = tpu.memref_slice %arg4[%mul3A_2, %dma_start3A_7] : memref<1024x32xf32, #tpu.memory_space<hbm>> -> memref<32x32xf32, #tpu.memory_space<hbm>>
      %dma_start3A_9 = arith.constant 0 : i32
      %dma_start3A_10 = tpu.memref_slice %arg4[%mul3A_2, %dma_start3A_9] : memref<1024x32xf32, #tpu.memory_space<hbm>> -> memref<32x32xf32, #tpu.memory_space<hbm>>
      tpu.enqueue_dma source(%arg6 : memref<32x32xf32, #tpu.memory_space<vmem>>) target(%dma_start3A_10 : memref<32x32xf32, #tpu.memory_space<hbm>>) target_semaphore(%run_scoped3A : memref<!tpu.dma_semaphore, #tpu.memory_space<semaphore_mem>>)
      %dma_wait3A_11 = arith.constant 0 : i32
      %dma_wait3A_12 = tpu.memref_slice %arg4[%mul3A_2, %dma_wait3A_11] : memref<1024x32xf32, #tpu.memory_space<hbm>> -> memref<32x32xf32, #tpu.memory_space<hbm>>
      %dma_wait3A_13 = arith.constant 0 : i32
      %dma_wait3A_14 = tpu.memref_slice %arg4[%mul3A_2, %dma_wait3A_13] : memref<1024x32xf32, #tpu.memory_space<hbm>> -> memref<32x32xf32, #tpu.memory_space<hbm>>
      tpu.wait_dma2 semaphore(%run_scoped3A : memref<!tpu.dma_semaphore, #tpu.memory_space<semaphore_mem>>) src(%arg6 : memref<32x32xf32, #tpu.memory_space<vmem>>) dst(%dma_wait3A_14 : memref<32x32xf32, #tpu.memory_space<hbm>>)
      tpu.yield
    }) : () -> ()
    return
  }
}

module attributes {stable_mosaic.version = 14 : i64} {
  func.func @_knn_body(%arg0: i32, %arg1: memref<1024x32xf32, #tpu.memory_space<vmem>>, %arg2: memref<32x32xf32, #tpu.memory_space<vmem>>, %arg3: memref<1x32xf32, #tpu.memory_space<vmem>>, %arg4: memref<2000x32xf32, #tpu.memory_space<vmem>>, %arg5: memref<1024x32xf32, #tpu.memory_space<vmem>>, %arg6: memref<1024x16xi32, #tpu.memory_space<vmem>>, %arg7: memref<1x128xf32, #tpu.memory_space<vmem>>, %arg8: memref<1024x32xf32, #tpu.memory_space<vmem>>, %arg9: memref<1024x16xf32, #tpu.memory_space<vmem>>, %arg10: memref<1024x16xi32, #tpu.memory_space<vmem>>, %arg11: memref<1024x2000xf32, #tpu.memory_space<vmem>>, %arg12: memref<1024x1xf32, #tpu.memory_space<vmem>>) attributes {dimension_semantics = [#tpu.dimension_semantics<arbitrary>], iteration_bounds = array<i64: 50>, scalar_prefetch = 0 : i64, scratch_operands = 5 : i64, tpu.core_type = #tpu.core_type<tc>, window_params = [{pipeline_mode = #tpu.pipeline_mode<synchronous>, transform_indices = @transform_0, window_bounds = array<i64: 1024, 32>}, {pipeline_mode = #tpu.pipeline_mode<synchronous>, transform_indices = @transform_1, window_bounds = array<i64: 32, 32>}, {pipeline_mode = #tpu.pipeline_mode<synchronous>, transform_indices = @transform_2, window_bounds = array<i64: 1, 32>}, {transform_indices = @transform_3, window_bounds = array<i64: 2000, 32>}, {pipeline_mode = #tpu.pipeline_mode<synchronous>, transform_indices = @transform_4, window_bounds = array<i64: 1024, 32>}, {pipeline_mode = #tpu.pipeline_mode<synchronous>, transform_indices = @transform_5, window_bounds = array<i64: 1024, 16>}, {pipeline_mode = #tpu.pipeline_mode<synchronous>, transform_indices = @transform_6, window_bounds = array<i64: 1, 128>}]} {
    %eq3A = arith.constant 0 : i32
    %eq3A_0 = arith.cmpi eq, %arg0, %eq3A : i32
    %convert_element_type3A = arith.extui %eq3A_0 : i1 to i32
    %cond3A = arith.constant 0 : i32
    %cond3A_1 = arith.cmpi ne, %convert_element_type3A, %cond3A : i32
    scf.if %cond3A_1 {
      %get3A_50 = arith.constant 0 : index
      %get3A_51 = arith.constant 0 : index
      %get3A_52 = vector.load %arg1[%get3A_50, %get3A_51] : memref<1024x32xf32, #tpu.memory_space<vmem>>, vector<1024x32xf32>
      %get3A_53 = arith.constant 0 : index
      %get3A_54 = arith.constant 0 : index
      %get3A_55 = vector.load %arg2[%get3A_53, %get3A_54] : memref<32x32xf32, #tpu.memory_space<vmem>>, vector<32x32xf32>
      %get3A_56 = arith.constant 0 : index
      %get3A_57 = arith.constant 0 : index
      %get3A_58 = vector.load %arg3[%get3A_56, %get3A_57] : memref<1x32xf32, #tpu.memory_space<vmem>>, vector<1x32xf32>
      %dot_general3A_59 = arith.constant dense<0.000000e+00> : vector<1024x32xf32>
      %dot_general3A_60 = tpu.matmul %get3A_52, %get3A_55, %dot_general3A_59 {dimension_numbers = #tpu.dot_dimension_numbers<[1], [0], [0], [1], [0, 0, 1, 1], [], []>, transpose_lhs_hint = false} : vector<1024x32xf32>, vector<32x32xf32>, vector<1024x32xf32> -> vector<1024x32xf32>
      %add3A_61 = vector.broadcast %get3A_58 : vector<1x32xf32> to vector<1024x32xf32>
      %add3A_62 = arith.addf %dot_general3A_60, %add3A_61 : vector<1024x32xf32>
      %swap3A_63 = arith.constant 0 : index
      %swap3A_64 = arith.constant 0 : index
      %swap3A_65 = vector.load %arg8[%swap3A_63, %swap3A_64] : memref<1024x32xf32, #tpu.memory_space<vmem>>, vector<1024x32xf32>
      tpu.vector_store %arg8[%swap3A_63, %swap3A_64], %add3A_62 {strides = array<i32>} : memref<1024x32xf32, #tpu.memory_space<vmem>>, vector<1024x32xf32>,
      %swap3A_66 = arith.constant 0 : index
      %swap3A_67 = arith.constant 0 : index
      %swap3A_68 = vector.load %arg5[%swap3A_66, %swap3A_67] : memref<1024x32xf32, #tpu.memory_space<vmem>>, vector<1024x32xf32>
      tpu.vector_store %arg5[%swap3A_66, %swap3A_67], %add3A_62 {strides = array<i32>} : memref<1024x32xf32, #tpu.memory_space<vmem>>, vector<1024x32xf32>,
      %broadcast_in_dim3A_69 = arith.constant 0x7F800000 : f32
      %broadcast_in_dim3A_70 = vector.broadcast %broadcast_in_dim3A_69 : f32 to vector<1024x16xf32>
      %swap3A_71 = arith.constant 0 : index
      %swap3A_72 = arith.constant 0 : index
      %swap3A_73 = vector.load %arg9[%swap3A_71, %swap3A_72] : memref<1024x16xf32, #tpu.memory_space<vmem>>, vector<1024x16xf32>
      tpu.vector_store %arg9[%swap3A_71, %swap3A_72], %broadcast_in_dim3A_70 {strides = array<i32>} : memref<1024x16xf32, #tpu.memory_space<vmem>>, vector<1024x16xf32>,
      %broadcast_in_dim3A_74 = arith.constant 0 : i32
      %broadcast_in_dim3A_75 = vector.broadcast %broadcast_in_dim3A_74 : i32 to vector<1024x16xi32>
      %swap3A_76 = arith.constant 0 : index
      %swap3A_77 = arith.constant 0 : index
      %swap3A_78 = vector.load %arg10[%swap3A_76, %swap3A_77] : memref<1024x16xi32, #tpu.memory_space<vmem>>, vector<1024x16xi32>
      tpu.vector_store %arg10[%swap3A_76, %swap3A_77], %broadcast_in_dim3A_75 {strides = array<i32>} : memref<1024x16xi32, #tpu.memory_space<vmem>>, vector<1024x16xi32>,
      %sub3A_79 = arith.subf %add3A_62, %get3A_52 : vector<1024x32xf32>
      %mul3A_80 = arith.mulf %sub3A_79, %sub3A_79 : vector<1024x32xf32>
      %reduce_sum3A_81 = vector.shape_cast %mul3A_80 : vector<1024x32xf32> to vector<1x1024x32xf32>
      %reduce_sum3A_82 = arith.constant dense<0.000000e+00> : vector<1xf32>
      %reduce_sum3A_83 = vector.multi_reduction <add>, %reduce_sum3A_81, %reduce_sum3A_82 [1, 2] : vector<1x1024x32xf32> to vector<1xf32>
      %reduce_sum3A_84 = vector.shape_cast %reduce_sum3A_83 : vector<1xf32> to vector<1x1x1xf32>
      %reduce_sum3A_85 = vector.extract %reduce_sum3A_84[0, 0, 0] : f32 from vector<1x1x1xf32>
      %div3A = arith.constant 1.024000e+03 : f32
      %div3A_86 = arith.divf %reduce_sum3A_85, %div3A : f32
      %mul3A_87 = arith.mulf %get3A_55, %get3A_55 : vector<32x32xf32>
      %reduce_sum3A_88 = vector.shape_cast %mul3A_87 : vector<32x32xf32> to vector<1x32x32xf32>
      %reduce_sum3A_89 = arith.constant dense<0.000000e+00> : vector<1xf32>
      %reduce_sum3A_90 = vector.multi_reduction <add>, %reduce_sum3A_88, %reduce_sum3A_89 [1, 2] : vector<1x32x32xf32> to vector<1xf32>
      %reduce_sum3A_91 = vector.shape_cast %reduce_sum3A_90 : vector<1xf32> to vector<1x1x1xf32>
      %reduce_sum3A_92 = vector.extract %reduce_sum3A_91[0, 0, 0] : f32 from vector<1x1x1xf32>
      %mul3A_93 = arith.mulf %get3A_58, %get3A_58 : vector<1x32xf32>
      %reduce_sum3A_94 = vector.shape_cast %mul3A_93 : vector<1x32xf32> to vector<1x1x32xf32>
      %reduce_sum3A_95 = arith.constant dense<0.000000e+00> : vector<1xf32>
      %reduce_sum3A_96 = vector.multi_reduction <add>, %reduce_sum3A_94, %reduce_sum3A_95 [1, 2] : vector<1x1x32xf32> to vector<1xf32>
      %reduce_sum3A_97 = vector.shape_cast %reduce_sum3A_96 : vector<1xf32> to vector<1x1x1xf32>
      %reduce_sum3A_98 = vector.extract %reduce_sum3A_97[0, 0, 0] : f32 from vector<1x1x1xf32>
      %add3A_99 = arith.addf %reduce_sum3A_92, %reduce_sum3A_98 : f32
      %div3A_100 = arith.constant 2.000000e+00 : f32
      %div3A_101 = arith.divf %add3A_99, %div3A_100 : f32
      %iota3A_102 = tpu.iota {dimensions = array<i32: 1>} : vector<1x128xi32>
      %eq3A_103 = arith.constant 0 : i32
      %eq3A_104 = vector.broadcast %eq3A_103 : i32 to vector<1x128xi32>
      %eq3A_105 = arith.cmpi eq, %iota3A_102, %eq3A_104 : vector<1x128xi32>
      %eq3A_106 = arith.constant 1 : i32
      %eq3A_107 = vector.broadcast %eq3A_106 : i32 to vector<1x128xi32>
      %eq3A_108 = arith.cmpi eq, %iota3A_102, %eq3A_107 : vector<1x128xi32>
      %jit3A = arith.constant 0.000000e+00 : f32
      %broadcast_in_dim3A_109 = vector.broadcast %div3A_101 : f32 to vector<1x128xf32>
      %broadcast_in_dim3A_110 = vector.broadcast %jit3A : f32 to vector<1x128xf32>
      %select_n3A = arith.select %eq3A_108, %broadcast_in_dim3A_109, %broadcast_in_dim3A_110 : vector<1x128xi1>, vector<1x128xf32>
      %broadcast_in_dim3A_111 = vector.broadcast %div3A_86 : f32 to vector<1x128xf32>
      %select_n3A_112 = arith.select %eq3A_105, %broadcast_in_dim3A_111, %select_n3A : vector<1x128xi1>, vector<1x128xf32>
      %swap3A_113 = arith.constant 0 : index
      %swap3A_114 = arith.constant 0 : index
      %swap3A_115 = vector.load %arg7[%swap3A_113, %swap3A_114] : memref<1x128xf32, #tpu.memory_space<vmem>>, vector<1x128xf32>
      tpu.vector_store %arg7[%swap3A_113, %swap3A_114], %select_n3A_112 {strides = array<i32>} : memref<1x128xf32, #tpu.memory_space<vmem>>, vector<1x128xf32>,
    } else {
    }
    %get3A = arith.constant 0 : index
    %get3A_2 = arith.constant 0 : index
    %get3A_3 = vector.load %arg8[%get3A, %get3A_2] : memref<1024x32xf32, #tpu.memory_space<vmem>>, vector<1024x32xf32>
    %get3A_4 = arith.constant 0 : index
    %get3A_5 = arith.constant 0 : index
    %get3A_6 = vector.load %arg4[%get3A_4, %get3A_5] : memref<2000x32xf32, #tpu.memory_space<vmem>>, vector<2000x32xf32>
    %mul3A = arith.mulf %get3A_3, %get3A_3 : vector<1024x32xf32>
    %reduce_sum3A = arith.constant dense<0.000000e+00> : vector<1024xf32>
    %reduce_sum3A_7 = vector.multi_reduction <add>, %mul3A, %reduce_sum3A [1] : vector<1024x32xf32> to vector<1024xf32>
    %broadcast_in_dim3A = vector.shape_cast %reduce_sum3A_7 : vector<1024xf32> to vector<1024x1xf32>
    %dot_general3A = arith.constant dense<0.000000e+00> : vector<1024x2000xf32>
    %dot_general3A_8 = tpu.matmul %get3A_3, %get3A_6, %dot_general3A {dimension_numbers = #tpu.dot_dimension_numbers<[1], [1], [0], [0], [0, 0, 1, 0], [], []>, transpose_lhs_hint = false} : vector<1024x32xf32>, vector<2000x32xf32>, vector<1024x2000xf32> -> vector<1024x2000xf32>
    %broadcast_in_dim3A_9 = arith.constant 1.000000e+00 : f32
    %broadcast_in_dim3A_10 = vector.broadcast %broadcast_in_dim3A_9 : f32 to vector<1x32xf32>
    %mul3A_11 = arith.mulf %get3A_6, %get3A_6 : vector<2000x32xf32>
    %dot_general3A_12 = arith.constant dense<0.000000e+00> : vector<1x2000xf32>
    %dot_general3A_13 = tpu.matmul %broadcast_in_dim3A_10, %mul3A_11, %dot_general3A_12 {dimension_numbers = #tpu.dot_dimension_numbers<[1], [1], [0], [0], [0, 0, 1, 0], [], []>, precision = #tpu.contract_precision<fp32>, transpose_lhs_hint = false} : vector<1x32xf32>, vector<2000x32xf32>, vector<1x2000xf32> -> vector<1x2000xf32>
    %add3A = vector.broadcast %broadcast_in_dim3A : vector<1024x1xf32> to vector<1024x2000xf32>
    %add3A_14 = vector.broadcast %dot_general3A_13 : vector<1x2000xf32> to vector<1024x2000xf32>
    %add3A_15 = arith.addf %add3A, %add3A_14 : vector<1024x2000xf32>
    %mul3A_16 = arith.constant 2.000000e+00 : f32
    %mul3A_17 = vector.broadcast %mul3A_16 : f32 to vector<1024x2000xf32>
    %mul3A_18 = arith.mulf %mul3A_17, %dot_general3A_8 : vector<1024x2000xf32>
    %sub3A = arith.subf %add3A_15, %mul3A_18 : vector<1024x2000xf32>
    %max3A = arith.constant 0.000000e+00 : f32
    %max3A_19 = vector.broadcast %max3A : f32 to vector<1024x2000xf32>
    %max3A_20 = arith.maximumf %sub3A, %max3A_19 : vector<1024x2000xf32>
    %swap3A = arith.constant 0 : index
    %swap3A_21 = arith.constant 0 : index
    %swap3A_22 = vector.load %arg11[%swap3A, %swap3A_21] : memref<1024x2000xf32, #tpu.memory_space<vmem>>, vector<1024x2000xf32>
    tpu.vector_store %arg11[%swap3A, %swap3A_21], %max3A_20 {strides = array<i32>} : memref<1024x2000xf32, #tpu.memory_space<vmem>>, vector<1024x2000xf32>,
    %reduce_min3A = arith.constant dense<0x7F800000> : vector<1024xf32>
    %reduce_min3A_23 = vector.multi_reduction <minimumf>, %max3A_20, %reduce_min3A [1] : vector<1024x2000xf32> to vector<1024xf32>
    %broadcast_in_dim3A_24 = vector.shape_cast %reduce_min3A_23 : vector<1024xf32> to vector<1024x1xf32>
    %iota3A = tpu.iota {dimensions = array<i32: 1>} : vector<1024x2000xi32>
    %iota3A_25 = tpu.iota {dimensions = array<i32: 1>} : vector<1024x16xi32>
    %mul3A_26 = arith.constant 2000 : i32
    %mul3A_27 = arith.muli %arg0, %mul3A_26 : i32
    %swap3A_28 = arith.constant 0 : index
    %swap3A_29 = arith.constant 0 : index
    %swap3A_30 = vector.load %arg12[%swap3A_28, %swap3A_29] : memref<1024x1xf32, #tpu.memory_space<vmem>>, vector<1024x1xf32>
    tpu.vector_store %arg12[%swap3A_28, %swap3A_29], %broadcast_in_dim3A_24 {strides = array<i32>} : memref<1024x1xf32, #tpu.memory_space<vmem>>, vector<1024x1xf32>,
    %get3A_31 = arith.constant 0 : index
    %get3A_32 = arith.constant 9 : index
    %get3A_33 = vector.load %arg9[%get3A_31, %get3A_32] : memref<1024x16xf32, #tpu.memory_space<vmem>>, vector<1024x1xf32>
    %lt3A = arith.cmpf olt, %broadcast_in_dim3A_24, %get3A_33 : vector<1024x1xf32>
    %reduce_or3A = arith.constant 1.000000e+00 : f32
    %reduce_or3A_34 = arith.constant 0.000000e+00 : f32
    %reduce_or3A_35 = vector.broadcast %reduce_or3A : f32 to vector<1024x1xf32>
    %reduce_or3A_36 = vector.broadcast %reduce_or3A_34 : f32 to vector<1024x1xf32>
    %reduce_or3A_37 = arith.select %lt3A, %reduce_or3A_35, %reduce_or3A_36 : vector<1024x1xi1>, vector<1024x1xf32>
    %reduce_or3A_38 = vector.shape_cast %reduce_or3A_37 : vector<1024x1xf32> to vector<1x1024x1xf32>
    %reduce_or3A_39 = arith.constant dense<0xFF800000> : vector<1xf32>
    %reduce_or3A_40 = vector.multi_reduction <maximumf>, %reduce_or3A_38, %reduce_or3A_39 [1, 2] : vector<1x1024x1xf32> to vector<1xf32>
    %reduce_or3A_41 = vector.shape_cast %reduce_or3A_40 : vector<1xf32> to vector<1x1x1xf32>
    %reduce_or3A_42 = vector.extract %reduce_or3A_41[0, 0, 0] : f32 from vector<1x1x1xf32>
    %reduce_or3A_43 = arith.constant 0.000000e+00 : f32
    %reduce_or3A_44 = arith.cmpf ogt, %reduce_or3A_42, %reduce_or3A_43 : f32
    %while3A = scf.while (%while3A_50 = %reduce_or3A_44) : (i1) -> i1 {
      scf.condition(%while3A_50) %while3A_50 : i1
    } do {
    ^bb0(%while3A_50: i1):
      %get3A_51 = arith.constant 0 : index
      %get3A_52 = arith.constant 0 : index
      %get3A_53 = vector.load %arg11[%get3A_51, %get3A_52] : memref<1024x2000xf32, #tpu.memory_space<vmem>>, vector<1024x2000xf32>
      %get3A_54 = arith.constant 0 : index
      %get3A_55 = arith.constant 0 : index
      %get3A_56 = vector.load %arg12[%get3A_54, %get3A_55] : memref<1024x1xf32, #tpu.memory_space<vmem>>, vector<1024x1xf32>
      %eq3A_57 = vector.broadcast %get3A_56 : vector<1024x1xf32> to vector<1024x2000xf32>
      %eq3A_58 = arith.cmpf oeq, %get3A_53, %eq3A_57 : vector<1024x2000xf32>
      %jit3A = arith.constant 1073741824 : i32
      %broadcast_in_dim3A_59 = vector.broadcast %jit3A : i32 to vector<1024x2000xi32>
      %select_n3A = arith.select %eq3A_58, %iota3A, %broadcast_in_dim3A_59 : vector<1024x2000xi1>, vector<1024x2000xi32>
      %reduce_min3A_60 = arith.constant dense<2147483647> : vector<1024xi32>
      %reduce_min3A_61 = vector.multi_reduction <minsi>, %select_n3A, %reduce_min3A_60 [1] : vector<1024x2000xi32> to vector<1024xi32>
      %broadcast_in_dim3A_62 = vector.shape_cast %reduce_min3A_61 : vector<1024xi32> to vector<1024x1xi32>
      %get3A_63 = arith.constant 0 : index
      %get3A_64 = arith.constant 0 : index
      %get3A_65 = vector.load %arg9[%get3A_63, %get3A_64] : memref<1024x16xf32, #tpu.memory_space<vmem>>, vector<1024x16xf32>
      %get3A_66 = arith.constant 0 : index
      %get3A_67 = arith.constant 0 : index
      %get3A_68 = vector.load %arg10[%get3A_66, %get3A_67] : memref<1024x16xi32, #tpu.memory_space<vmem>>, vector<1024x16xi32>
      %slice3A = vector.extract_strided_slice %get3A_65 {offsets = [0, 9], sizes = [1024, 1], strides = [1, 1]} : vector<1024x16xf32> to vector<1024x1xf32>
      %lt3A_69 = arith.cmpf olt, %get3A_56, %slice3A : vector<1024x1xf32>
      %add3A_70 = vector.broadcast %mul3A_27 : i32 to vector<1024x1xi32>
      %add3A_71 = arith.addi %add3A_70, %broadcast_in_dim3A_62 : vector<1024x1xi32>
      %le3A = vector.broadcast %get3A_56 : vector<1024x1xf32> to vector<1024x16xf32>
      %le3A_72 = arith.cmpf ole, %get3A_65, %le3A : vector<1024x16xf32>
      %convert_element_type3A_73 = arith.extui %le3A_72 : vector<1024x16xi1> to vector<1024x16xi32>
      %reduce_sum3A_74 = arith.constant dense<0> : vector<1024xi32>
      %reduce_sum3A_75 = vector.multi_reduction <add>, %convert_element_type3A_73, %reduce_sum3A_74 [1] : vector<1024x16xi32> to vector<1024xi32>
      %broadcast_in_dim3A_76 = vector.shape_cast %reduce_sum3A_75 : vector<1024xi32> to vector<1024x1xi32>
      %slice3A_77 = vector.extract_strided_slice %get3A_65 {offsets = [0, 0], sizes = [1024, 1], strides = [1, 1]} : vector<1024x16xf32> to vector<1024x1xf32>
      %slice3A_78 = vector.extract_strided_slice %get3A_65 {offsets = [0, 0], sizes = [1024, 15], strides = [1, 1]} : vector<1024x16xf32> to vector<1024x15xf32>
      %concatenate3A = tpu.concatenate %slice3A_77, %slice3A_78 in 1 : vector<1024x1xf32>, vector<1024x15xf32> -> vector<1024x16xf32>
      %slice3A_79 = vector.extract_strided_slice %get3A_68 {offsets = [0, 0], sizes = [1024, 1], strides = [1, 1]} : vector<1024x16xi32> to vector<1024x1xi32>
      %slice3A_80 = vector.extract_strided_slice %get3A_68 {offsets = [0, 0], sizes = [1024, 15], strides = [1, 1]} : vector<1024x16xi32> to vector<1024x15xi32>
      %concatenate3A_81 = tpu.concatenate %slice3A_79, %slice3A_80 in 1 : vector<1024x1xi32>, vector<1024x15xi32> -> vector<1024x16xi32>
      %lt3A_82 = vector.broadcast %broadcast_in_dim3A_76 : vector<1024x1xi32> to vector<1024x16xi32>
      %lt3A_83 = arith.cmpi slt, %iota3A_25, %lt3A_82 : vector<1024x16xi32>
      %eq3A_84 = vector.broadcast %broadcast_in_dim3A_76 : vector<1024x1xi32> to vector<1024x16xi32>
      %eq3A_85 = arith.cmpi eq, %iota3A_25, %eq3A_84 : vector<1024x16xi32>
      %broadcast_in_dim3A_86 = vector.shape_cast %get3A_56 : vector<1024x1xf32> to vector<1024x1xf32>
      %broadcast_in_dim3A_87 = vector.broadcast %broadcast_in_dim3A_86 : vector<1024x1xf32> to vector<1024x16xf32>
      %select_n3A_88 = arith.select %eq3A_85, %broadcast_in_dim3A_87, %concatenate3A : vector<1024x16xi1>, vector<1024x16xf32>
      %select_n3A_89 = arith.select %lt3A_83, %get3A_65, %select_n3A_88 : vector<1024x16xi1>, vector<1024x16xf32>
      %lt3A_90 = vector.broadcast %broadcast_in_dim3A_76 : vector<1024x1xi32> to vector<1024x16xi32>
      %lt3A_91 = arith.cmpi slt, %iota3A_25, %lt3A_90 : vector<1024x16xi32>
      %eq3A_92 = vector.broadcast %broadcast_in_dim3A_76 : vector<1024x1xi32> to vector<1024x16xi32>
      %eq3A_93 = arith.cmpi eq, %iota3A_25, %eq3A_92 : vector<1024x16xi32>
      %broadcast_in_dim3A_94 = vector.shape_cast %add3A_71 : vector<1024x1xi32> to vector<1024x1xi32>
      %broadcast_in_dim3A_95 = vector.broadcast %broadcast_in_dim3A_94 : vector<1024x1xi32> to vector<1024x16xi32>
      %select_n3A_96 = arith.select %eq3A_93, %broadcast_in_dim3A_95, %concatenate3A_81 : vector<1024x16xi1>, vector<1024x16xi32>
      %select_n3A_97 = arith.select %lt3A_91, %get3A_68, %select_n3A_96 : vector<1024x16xi1>, vector<1024x16xi32>
      %lt3A_98 = arith.constant 10 : i32
      %lt3A_99 = vector.broadcast %lt3A_98 : i32 to vector<1024x16xi32>
      %lt3A_100 = arith.cmpi slt, %iota3A_25, %lt3A_99 : vector<1024x16xi32>
      %and3A = vector.broadcast %lt3A_69 : vector<1024x1xi1> to vector<1024x16xi1>
      %and3A_101 = arith.andi %and3A, %lt3A_100 : vector<1024x16xi1>
      %select_n3A_102 = arith.select %and3A_101, %select_n3A_89, %get3A_65 : vector<1024x16xi1>, vector<1024x16xf32>
      %swap3A_103 = arith.constant 0 : index
      %swap3A_104 = arith.constant 0 : index
      %swap3A_105 = vector.load %arg9[%swap3A_103, %swap3A_104] : memref<1024x16xf32, #tpu.memory_space<vmem>>, vector<1024x16xf32>
      tpu.vector_store %arg9[%swap3A_103, %swap3A_104], %select_n3A_102 {strides = array<i32>} : memref<1024x16xf32, #tpu.memory_space<vmem>>, vector<1024x16xf32>,
      %select_n3A_106 = arith.select %and3A_101, %select_n3A_97, %get3A_68 : vector<1024x16xi1>, vector<1024x16xi32>
      %swap3A_107 = arith.constant 0 : index
      %swap3A_108 = arith.constant 0 : index
      %swap3A_109 = vector.load %arg10[%swap3A_107, %swap3A_108] : memref<1024x16xi32, #tpu.memory_space<vmem>>, vector<1024x16xi32>
      tpu.vector_store %arg10[%swap3A_107, %swap3A_108], %select_n3A_106 {strides = array<i32>} : memref<1024x16xi32, #tpu.memory_space<vmem>>, vector<1024x16xi32>,
      %eq3A_110 = vector.broadcast %broadcast_in_dim3A_62 : vector<1024x1xi32> to vector<1024x2000xi32>
      %eq3A_111 = arith.cmpi eq, %iota3A, %eq3A_110 : vector<1024x2000xi32>
      %and3A_112 = vector.broadcast %lt3A_69 : vector<1024x1xi1> to vector<1024x2000xi1>
      %and3A_113 = arith.andi %eq3A_111, %and3A_112 : vector<1024x2000xi1>
      %jit3A_114 = arith.constant 0x7F800000 : f32
      %broadcast_in_dim3A_115 = vector.broadcast %jit3A_114 : f32 to vector<1024x2000xf32>
      %select_n3A_116 = arith.select %and3A_113, %broadcast_in_dim3A_115, %get3A_53 : vector<1024x2000xi1>, vector<1024x2000xf32>
      %swap3A_117 = arith.constant 0 : index
      %swap3A_118 = arith.constant 0 : index
      %swap3A_119 = vector.load %arg11[%swap3A_117, %swap3A_118] : memref<1024x2000xf32, #tpu.memory_space<vmem>>, vector<1024x2000xf32>
      tpu.vector_store %arg11[%swap3A_117, %swap3A_118], %select_n3A_116 {strides = array<i32>} : memref<1024x2000xf32, #tpu.memory_space<vmem>>, vector<1024x2000xf32>,
      %reduce_min3A_120 = arith.constant dense<0x7F800000> : vector<1024xf32>
      %reduce_min3A_121 = vector.multi_reduction <minimumf>, %select_n3A_116, %reduce_min3A_120 [1] : vector<1024x2000xf32> to vector<1024xf32>
      %broadcast_in_dim3A_122 = vector.shape_cast %reduce_min3A_121 : vector<1024xf32> to vector<1024x1xf32>
      %swap3A_123 = arith.constant 0 : index
      %swap3A_124 = arith.constant 0 : index
      %swap3A_125 = vector.load %arg12[%swap3A_123, %swap3A_124] : memref<1024x1xf32, #tpu.memory_space<vmem>>, vector<1024x1xf32>
      tpu.vector_store %arg12[%swap3A_123, %swap3A_124], %broadcast_in_dim3A_122 {strides = array<i32>} : memref<1024x1xf32, #tpu.memory_space<vmem>>, vector<1024x1xf32>,
      %slice3A_126 = vector.extract_strided_slice %select_n3A_102 {offsets = [0, 9], sizes = [1024, 1], strides = [1, 1]} : vector<1024x16xf32> to vector<1024x1xf32>
      %lt3A_127 = arith.cmpf olt, %broadcast_in_dim3A_122, %slice3A_126 : vector<1024x1xf32>
      %reduce_or3A_128 = arith.constant 1.000000e+00 : f32
      %reduce_or3A_129 = arith.constant 0.000000e+00 : f32
      %reduce_or3A_130 = vector.broadcast %reduce_or3A_128 : f32 to vector<1024x1xf32>
      %reduce_or3A_131 = vector.broadcast %reduce_or3A_129 : f32 to vector<1024x1xf32>
      %reduce_or3A_132 = arith.select %lt3A_127, %reduce_or3A_130, %reduce_or3A_131 : vector<1024x1xi1>, vector<1024x1xf32>
      %reduce_or3A_133 = vector.shape_cast %reduce_or3A_132 : vector<1024x1xf32> to vector<1x1024x1xf32>
      %reduce_or3A_134 = arith.constant dense<0xFF800000> : vector<1xf32>
      %reduce_or3A_135 = vector.multi_reduction <maximumf>, %reduce_or3A_133, %reduce_or3A_134 [1, 2] : vector<1x1024x1xf32> to vector<1xf32>
      %reduce_or3A_136 = vector.shape_cast %reduce_or3A_135 : vector<1xf32> to vector<1x1x1xf32>
      %reduce_or3A_137 = vector.extract %reduce_or3A_136[0, 0, 0] : f32 from vector<1x1x1xf32>
      %reduce_or3A_138 = arith.constant 0.000000e+00 : f32
      %reduce_or3A_139 = arith.cmpf ogt, %reduce_or3A_137, %reduce_or3A_138 : f32
      scf.yield %reduce_or3A_139 : i1
    }
    %eq3A_45 = arith.constant 49 : i32
    %eq3A_46 = arith.cmpi eq, %arg0, %eq3A_45 : i32
    %convert_element_type3A_47 = arith.extui %eq3A_46 : i1 to i32
    %cond3A_48 = arith.constant 0 : i32
    %cond3A_49 = arith.cmpi ne, %convert_element_type3A_47, %cond3A_48 : i32
    scf.if %cond3A_49 {
      %get3A_50 = arith.constant 0 : index
      %get3A_51 = arith.constant 0 : index
      %get3A_52 = vector.load %arg10[%get3A_50, %get3A_51] : memref<1024x16xi32, #tpu.memory_space<vmem>>, vector<1024x16xi32>
      %swap3A_53 = arith.constant 0 : index
      %swap3A_54 = arith.constant 0 : index
      %swap3A_55 = vector.load %arg6[%swap3A_53, %swap3A_54] : memref<1024x16xi32, #tpu.memory_space<vmem>>, vector<1024x16xi32>
      tpu.vector_store %arg6[%swap3A_53, %swap3A_54], %get3A_52 {strides = array<i32>} : memref<1024x16xi32, #tpu.memory_space<vmem>>, vector<1024x16xi32>,
    } else {
    }
    return
  }
  func.func @transform_0(%arg0: i32) -> (i32, i32) {
    %c0_i32 = arith.constant 0 : i32
    %c0_i32_0 = arith.constant 0 : i32
    %c0_i32_1 = arith.constant 0 : i32
    return %c0_i32, %c0_i32_0 : i32, i32
  }
  func.func @transform_1(%arg0: i32) -> (i32, i32) {
    %c0_i32 = arith.constant 0 : i32
    %c0_i32_0 = arith.constant 0 : i32
    %c0_i32_1 = arith.constant 0 : i32
    return %c0_i32, %c0_i32_0 : i32, i32
  }
  func.func @transform_2(%arg0: i32) -> (i32, i32) {
    %c0_i32 = arith.constant 0 : i32
    %c0_i32_0 = arith.constant 0 : i32
    %c0_i32_1 = arith.constant 0 : i32
    return %c0_i32, %c0_i32_0 : i32, i32
  }
  func.func @transform_3(%arg0: i32) -> (i32, i32) {
    %c0_i32 = arith.constant 0 : i32
    %c0_i32_0 = arith.constant 0 : i32
    return %arg0, %c0_i32 : i32, i32
  }
  func.func @transform_4(%arg0: i32) -> (i32, i32) {
    %c0_i32 = arith.constant 0 : i32
    %c0_i32_0 = arith.constant 0 : i32
    %c0_i32_1 = arith.constant 0 : i32
    return %c0_i32, %c0_i32_0 : i32, i32
  }
  func.func @transform_5(%arg0: i32) -> (i32, i32) {
    %c0_i32 = arith.constant 0 : i32
    %c0_i32_0 = arith.constant 0 : i32
    %c0_i32_1 = arith.constant 0 : i32
    return %c0_i32, %c0_i32_0 : i32, i32
  }
  func.func @transform_6(%arg0: i32) -> (i32, i32) {
    %c0_i32 = arith.constant 0 : i32
    %c0_i32_0 = arith.constant 0 : i32
    %c0_i32_1 = arith.constant 0 : i32
    return %c0_i32, %c0_i32_0 : i32, i32
  }
}

module attributes {stable_mosaic.version = 14 : i64} {
  func.func @_mmd_body(%arg0: memref<1024x32xf32, #tpu.memory_space<vmem>>, %arg1: memref<1024x32xf32, #tpu.memory_space<vmem>>, %arg2: memref<1x128xf32, #tpu.memory_space<vmem>>, %arg3: memref<2048x2048xf32, #tpu.memory_space<vmem>>, %arg4: memref<2048x1xf32, #tpu.memory_space<vmem>>) attributes {dimension_semantics = [], scalar_prefetch = 0 : i64, scratch_operands = 2 : i64, tpu.core_type = #tpu.core_type<tc>} {
    %get3A = arith.constant 0 : index
    %get3A_0 = arith.constant 0 : index
    %get3A_1 = vector.load %arg0[%get3A, %get3A_0] : memref<1024x32xf32, #tpu.memory_space<vmem>>, vector<1024x32xf32>
    %get3A_2 = arith.constant 0 : index
    %get3A_3 = arith.constant 0 : index
    %get3A_4 = vector.load %arg1[%get3A_2, %get3A_3] : memref<1024x32xf32, #tpu.memory_space<vmem>>, vector<1024x32xf32>
    %concatenate3A = tpu.concatenate %get3A_1, %get3A_4 in 0 : vector<1024x32xf32>, vector<1024x32xf32> -> vector<2048x32xf32>
    %mul3A = arith.mulf %concatenate3A, %concatenate3A : vector<2048x32xf32>
    %reduce_sum3A = arith.constant dense<0.000000e+00> : vector<2048xf32>
    %reduce_sum3A_5 = vector.multi_reduction <add>, %mul3A, %reduce_sum3A [1] : vector<2048x32xf32> to vector<2048xf32>
    %broadcast_in_dim3A = vector.shape_cast %reduce_sum3A_5 : vector<2048xf32> to vector<2048x1xf32>
    %broadcast_in_dim3A_6 = arith.constant 1.000000e+00 : f32
    %broadcast_in_dim3A_7 = vector.broadcast %broadcast_in_dim3A_6 : f32 to vector<1x32xf32>
    %mul3A_8 = arith.mulf %concatenate3A, %concatenate3A : vector<2048x32xf32>
    %dot_general3A = arith.constant dense<0.000000e+00> : vector<1x2048xf32>
    %dot_general3A_9 = tpu.matmul %broadcast_in_dim3A_7, %mul3A_8, %dot_general3A {dimension_numbers = #tpu.dot_dimension_numbers<[1], [1], [0], [0], [0, 0, 1, 0], [], []>, precision = #tpu.contract_precision<fp32>, transpose_lhs_hint = false} : vector<1x32xf32>, vector<2048x32xf32>, vector<1x2048xf32> -> vector<1x2048xf32>
    %slice3A = vector.extract_strided_slice %concatenate3A {offsets = [0, 0], sizes = [256, 32], strides = [1, 1]} : vector<2048x32xf32> to vector<256x32xf32>
    %dot_general3A_10 = arith.constant dense<0.000000e+00> : vector<256x2048xf32>
    %dot_general3A_11 = tpu.matmul %slice3A, %concatenate3A, %dot_general3A_10 {dimension_numbers = #tpu.dot_dimension_numbers<[1], [1], [0], [0], [0, 0, 1, 0], [], []>, transpose_lhs_hint = false} : vector<256x32xf32>, vector<2048x32xf32>, vector<256x2048xf32> -> vector<256x2048xf32>
    %slice3A_12 = vector.extract_strided_slice %broadcast_in_dim3A {offsets = [0, 0], sizes = [256, 1], strides = [1, 1]} : vector<2048x1xf32> to vector<256x1xf32>
    %add3A = vector.broadcast %slice3A_12 : vector<256x1xf32> to vector<256x2048xf32>
    %add3A_13 = vector.broadcast %dot_general3A_9 : vector<1x2048xf32> to vector<256x2048xf32>
    %add3A_14 = arith.addf %add3A, %add3A_13 : vector<256x2048xf32>
    %mul3A_15 = arith.constant 2.000000e+00 : f32
    %mul3A_16 = vector.broadcast %mul3A_15 : f32 to vector<256x2048xf32>
    %mul3A_17 = arith.mulf %mul3A_16, %dot_general3A_11 : vector<256x2048xf32>
    %sub3A = arith.subf %add3A_14, %mul3A_17 : vector<256x2048xf32>
    %max3A = arith.constant 0.000000e+00 : f32
    %max3A_18 = vector.broadcast %max3A : f32 to vector<256x2048xf32>
    %max3A_19 = arith.maximumf %sub3A, %max3A_18 : vector<256x2048xf32>
    %swap3A = arith.constant 0 : index
    %swap3A_20 = arith.constant 0 : index
    %swap3A_21 = vector.load %arg3[%swap3A, %swap3A_20] : memref<2048x2048xf32, #tpu.memory_space<vmem>>, vector<256x2048xf32>
    tpu.vector_store %arg3[%swap3A, %swap3A_20], %max3A_19 {strides = array<i32>} : memref<2048x2048xf32, #tpu.memory_space<vmem>>, vector<256x2048xf32>,
    %reduce_min3A = vector.shape_cast %max3A_19 : vector<256x2048xf32> to vector<1x256x2048xf32>
    %reduce_min3A_22 = arith.constant dense<0x7F800000> : vector<1xf32>
    %reduce_min3A_23 = vector.multi_reduction <minimumf>, %reduce_min3A, %reduce_min3A_22 [1, 2] : vector<1x256x2048xf32> to vector<1xf32>
    %reduce_min3A_24 = vector.shape_cast %reduce_min3A_23 : vector<1xf32> to vector<1x1x1xf32>
    %reduce_min3A_25 = vector.extract %reduce_min3A_24[0, 0, 0] : f32 from vector<1x1x1xf32>
    %min3A = arith.constant 0x7F800000 : f32
    %min3A_26 = arith.minimumf %min3A, %reduce_min3A_25 : f32
    %reduce_max3A = vector.shape_cast %max3A_19 : vector<256x2048xf32> to vector<1x256x2048xf32>
    %reduce_max3A_27 = arith.constant dense<0xFF800000> : vector<1xf32>
    %reduce_max3A_28 = vector.multi_reduction <maximumf>, %reduce_max3A, %reduce_max3A_27 [1, 2] : vector<1x256x2048xf32> to vector<1xf32>
    %reduce_max3A_29 = vector.shape_cast %reduce_max3A_28 : vector<1xf32> to vector<1x1x1xf32>
    %reduce_max3A_30 = vector.extract %reduce_max3A_29[0, 0, 0] : f32 from vector<1x1x1xf32>
    %max3A_31 = arith.constant 0xFF800000 : f32
    %max3A_32 = arith.maximumf %max3A_31, %reduce_max3A_30 : f32
    %iota3A = tpu.iota {dimensions = array<i32: 0>} : vector<256x256xi32>
    %iota3A_33 = tpu.iota {dimensions = array<i32: 1>} : vector<256x256xi32>
    %eq3A = arith.cmpi eq, %iota3A, %iota3A_33 : vector<256x256xi32>
    %slice3A_34 = vector.extract_strided_slice %max3A_19 {offsets = [0, 0], sizes = [256, 256], strides = [1, 1]} : vector<256x2048xf32> to vector<256x256xf32>
    %jit3A = arith.constant 0.000000e+00 : f32
    %broadcast_in_dim3A_35 = vector.broadcast %jit3A : f32 to vector<256x256xf32>
    %select_n3A = arith.select %eq3A, %slice3A_34, %broadcast_in_dim3A_35 : vector<256x256xi1>, vector<256x256xf32>
    %reduce_sum3A_36 = arith.constant dense<0.000000e+00> : vector<256xf32>
    %reduce_sum3A_37 = vector.multi_reduction <add>, %select_n3A, %reduce_sum3A_36 [1] : vector<256x256xf32> to vector<256xf32>
    %broadcast_in_dim3A_38 = vector.shape_cast %reduce_sum3A_37 : vector<256xf32> to vector<256x1xf32>
    %swap3A_39 = arith.constant 0 : index
    %swap3A_40 = arith.constant 0 : index
    %swap3A_41 = vector.load %arg4[%swap3A_39, %swap3A_40] : memref<2048x1xf32, #tpu.memory_space<vmem>>, vector<256x1xf32>
    tpu.vector_store %arg4[%swap3A_39, %swap3A_40], %broadcast_in_dim3A_38 {strides = array<i32>} : memref<2048x1xf32, #tpu.memory_space<vmem>>, vector<256x1xf32>,
    %slice3A_42 = vector.extract_strided_slice %concatenate3A {offsets = [256, 0], sizes = [256, 32], strides = [1, 1]} : vector<2048x32xf32> to vector<256x32xf32>
    %slice3A_43 = vector.extract_strided_slice %concatenate3A {offsets = [256, 0], sizes = [1792, 32], strides = [1, 1]} : vector<2048x32xf32> to vector<1792x32xf32>
    %dot_general3A_44 = arith.constant dense<0.000000e+00> : vector<256x1792xf32>
    %dot_general3A_45 = tpu.matmul %slice3A_42, %slice3A_43, %dot_general3A_44 {dimension_numbers = #tpu.dot_dimension_numbers<[1], [1], [0], [0], [0, 0, 1, 0], [], []>, transpose_lhs_hint = false} : vector<256x32xf32>, vector<1792x32xf32>, vector<256x1792xf32> -> vector<256x1792xf32>
    %slice3A_46 = vector.extract_strided_slice %broadcast_in_dim3A {offsets = [256, 0], sizes = [256, 1], strides = [1, 1]} : vector<2048x1xf32> to vector<256x1xf32>
    %slice3A_47 = vector.extract_strided_slice %dot_general3A_9 {offsets = [0, 256], sizes = [1, 1792], strides = [1, 1]} : vector<1x2048xf32> to vector<1x1792xf32>
    %add3A_48 = vector.broadcast %slice3A_46 : vector<256x1xf32> to vector<256x1792xf32>
    %add3A_49 = vector.broadcast %slice3A_47 : vector<1x1792xf32> to vector<256x1792xf32>
    %add3A_50 = arith.addf %add3A_48, %add3A_49 : vector<256x1792xf32>
    %mul3A_51 = arith.constant 2.000000e+00 : f32
    %mul3A_52 = vector.broadcast %mul3A_51 : f32 to vector<256x1792xf32>
    %mul3A_53 = arith.mulf %mul3A_52, %dot_general3A_45 : vector<256x1792xf32>
    %sub3A_54 = arith.subf %add3A_50, %mul3A_53 : vector<256x1792xf32>
    %max3A_55 = arith.constant 0.000000e+00 : f32
    %max3A_56 = vector.broadcast %max3A_55 : f32 to vector<256x1792xf32>
    %max3A_57 = arith.maximumf %sub3A_54, %max3A_56 : vector<256x1792xf32>
    %swap3A_58 = arith.constant 256 : index
    %swap3A_59 = arith.constant 256 : index
    %swap3A_60 = vector.load %arg3[%swap3A_58, %swap3A_59] : memref<2048x2048xf32, #tpu.memory_space<vmem>>, vector<256x1792xf32>
    tpu.vector_store %arg3[%swap3A_58, %swap3A_59], %max3A_57 {strides = array<i32>} : memref<2048x2048xf32, #tpu.memory_space<vmem>>, vector<256x1792xf32>,
    %reduce_min3A_61 = vector.shape_cast %max3A_57 : vector<256x1792xf32> to vector<1x256x1792xf32>
    %reduce_min3A_62 = arith.constant dense<0x7F800000> : vector<1xf32>
    %reduce_min3A_63 = vector.multi_reduction <minimumf>, %reduce_min3A_61, %reduce_min3A_62 [1, 2] : vector<1x256x1792xf32> to vector<1xf32>
    %reduce_min3A_64 = vector.shape_cast %reduce_min3A_63 : vector<1xf32> to vector<1x1x1xf32>
    %reduce_min3A_65 = vector.extract %reduce_min3A_64[0, 0, 0] : f32 from vector<1x1x1xf32>
    %min3A_66 = arith.minimumf %min3A_26, %reduce_min3A_65 : f32
    %reduce_max3A_67 = vector.shape_cast %max3A_57 : vector<256x1792xf32> to vector<1x256x1792xf32>
    %reduce_max3A_68 = arith.constant dense<0xFF800000> : vector<1xf32>
    %reduce_max3A_69 = vector.multi_reduction <maximumf>, %reduce_max3A_67, %reduce_max3A_68 [1, 2] : vector<1x256x1792xf32> to vector<1xf32>
    %reduce_max3A_70 = vector.shape_cast %reduce_max3A_69 : vector<1xf32> to vector<1x1x1xf32>
    %reduce_max3A_71 = vector.extract %reduce_max3A_70[0, 0, 0] : f32 from vector<1x1x1xf32>
    %max3A_72 = arith.maximumf %max3A_32, %reduce_max3A_71 : f32
    %iota3A_73 = tpu.iota {dimensions = array<i32: 0>} : vector<256x256xi32>
    %iota3A_74 = tpu.iota {dimensions = array<i32: 1>} : vector<256x256xi32>
    %eq3A_75 = arith.cmpi eq, %iota3A_73, %iota3A_74 : vector<256x256xi32>
    %slice3A_76 = vector.extract_strided_slice %max3A_57 {offsets = [0, 0], sizes = [256, 256], strides = [1, 1]} : vector<256x1792xf32> to vector<256x256xf32>
    %jit3A_77 = arith.constant 0.000000e+00 : f32
    %broadcast_in_dim3A_78 = vector.broadcast %jit3A_77 : f32 to vector<256x256xf32>
    %select_n3A_79 = arith.select %eq3A_75, %slice3A_76, %broadcast_in_dim3A_78 : vector<256x256xi1>, vector<256x256xf32>
    %reduce_sum3A_80 = arith.constant dense<0.000000e+00> : vector<256xf32>
    %reduce_sum3A_81 = vector.multi_reduction <add>, %select_n3A_79, %reduce_sum3A_80 [1] : vector<256x256xf32> to vector<256xf32>
    %broadcast_in_dim3A_82 = vector.shape_cast %reduce_sum3A_81 : vector<256xf32> to vector<256x1xf32>
    %swap3A_83 = arith.constant 256 : index
    %swap3A_84 = arith.constant 0 : index
    %swap3A_85 = vector.load %arg4[%swap3A_83, %swap3A_84] : memref<2048x1xf32, #tpu.memory_space<vmem>>, vector<256x1xf32>
    tpu.vector_store %arg4[%swap3A_83, %swap3A_84], %broadcast_in_dim3A_82 {strides = array<i32>} : memref<2048x1xf32, #tpu.memory_space<vmem>>, vector<256x1xf32>,
    %slice3A_86 = vector.extract_strided_slice %concatenate3A {offsets = [512, 0], sizes = [256, 32], strides = [1, 1]} : vector<2048x32xf32> to vector<256x32xf32>
    %slice3A_87 = vector.extract_strided_slice %concatenate3A {offsets = [512, 0], sizes = [1536, 32], strides = [1, 1]} : vector<2048x32xf32> to vector<1536x32xf32>
    %dot_general3A_88 = arith.constant dense<0.000000e+00> : vector<256x1536xf32>
    %dot_general3A_89 = tpu.matmul %slice3A_86, %slice3A_87, %dot_general3A_88 {dimension_numbers = #tpu.dot_dimension_numbers<[1], [1], [0], [0], [0, 0, 1, 0], [], []>, transpose_lhs_hint = false} : vector<256x32xf32>, vector<1536x32xf32>, vector<256x1536xf32> -> vector<256x1536xf32>
    %slice3A_90 = vector.extract_strided_slice %broadcast_in_dim3A {offsets = [512, 0], sizes = [256, 1], strides = [1, 1]} : vector<2048x1xf32> to vector<256x1xf32>
    %slice3A_91 = vector.extract_strided_slice %dot_general3A_9 {offsets = [0, 512], sizes = [1, 1536], strides = [1, 1]} : vector<1x2048xf32> to vector<1x1536xf32>
    %add3A_92 = vector.broadcast %slice3A_90 : vector<256x1xf32> to vector<256x1536xf32>
    %add3A_93 = vector.broadcast %slice3A_91 : vector<1x1536xf32> to vector<256x1536xf32>
    %add3A_94 = arith.addf %add3A_92, %add3A_93 : vector<256x1536xf32>
    %mul3A_95 = arith.constant 2.000000e+00 : f32
    %mul3A_96 = vector.broadcast %mul3A_95 : f32 to vector<256x1536xf32>
    %mul3A_97 = arith.mulf %mul3A_96, %dot_general3A_89 : vector<256x1536xf32>
    %sub3A_98 = arith.subf %add3A_94, %mul3A_97 : vector<256x1536xf32>
    %max3A_99 = arith.constant 0.000000e+00 : f32
    %max3A_100 = vector.broadcast %max3A_99 : f32 to vector<256x1536xf32>
    %max3A_101 = arith.maximumf %sub3A_98, %max3A_100 : vector<256x1536xf32>
    %swap3A_102 = arith.constant 512 : index
    %swap3A_103 = arith.constant 512 : index
    %swap3A_104 = vector.load %arg3[%swap3A_102, %swap3A_103] : memref<2048x2048xf32, #tpu.memory_space<vmem>>, vector<256x1536xf32>
    tpu.vector_store %arg3[%swap3A_102, %swap3A_103], %max3A_101 {strides = array<i32>} : memref<2048x2048xf32, #tpu.memory_space<vmem>>, vector<256x1536xf32>,
    %reduce_min3A_105 = vector.shape_cast %max3A_101 : vector<256x1536xf32> to vector<1x256x1536xf32>
    %reduce_min3A_106 = arith.constant dense<0x7F800000> : vector<1xf32>
    %reduce_min3A_107 = vector.multi_reduction <minimumf>, %reduce_min3A_105, %reduce_min3A_106 [1, 2] : vector<1x256x1536xf32> to vector<1xf32>
    %reduce_min3A_108 = vector.shape_cast %reduce_min3A_107 : vector<1xf32> to vector<1x1x1xf32>
    %reduce_min3A_109 = vector.extract %reduce_min3A_108[0, 0, 0] : f32 from vector<1x1x1xf32>
    %min3A_110 = arith.minimumf %min3A_66, %reduce_min3A_109 : f32
    %reduce_max3A_111 = vector.shape_cast %max3A_101 : vector<256x1536xf32> to vector<1x256x1536xf32>
    %reduce_max3A_112 = arith.constant dense<0xFF800000> : vector<1xf32>
    %reduce_max3A_113 = vector.multi_reduction <maximumf>, %reduce_max3A_111, %reduce_max3A_112 [1, 2] : vector<1x256x1536xf32> to vector<1xf32>
    %reduce_max3A_114 = vector.shape_cast %reduce_max3A_113 : vector<1xf32> to vector<1x1x1xf32>
    %reduce_max3A_115 = vector.extract %reduce_max3A_114[0, 0, 0] : f32 from vector<1x1x1xf32>
    %max3A_116 = arith.maximumf %max3A_72, %reduce_max3A_115 : f32
    %iota3A_117 = tpu.iota {dimensions = array<i32: 0>} : vector<256x256xi32>
    %iota3A_118 = tpu.iota {dimensions = array<i32: 1>} : vector<256x256xi32>
    %eq3A_119 = arith.cmpi eq, %iota3A_117, %iota3A_118 : vector<256x256xi32>
    %slice3A_120 = vector.extract_strided_slice %max3A_101 {offsets = [0, 0], sizes = [256, 256], strides = [1, 1]} : vector<256x1536xf32> to vector<256x256xf32>
    %jit3A_121 = arith.constant 0.000000e+00 : f32
    %broadcast_in_dim3A_122 = vector.broadcast %jit3A_121 : f32 to vector<256x256xf32>
    %select_n3A_123 = arith.select %eq3A_119, %slice3A_120, %broadcast_in_dim3A_122 : vector<256x256xi1>, vector<256x256xf32>
    %reduce_sum3A_124 = arith.constant dense<0.000000e+00> : vector<256xf32>
    %reduce_sum3A_125 = vector.multi_reduction <add>, %select_n3A_123, %reduce_sum3A_124 [1] : vector<256x256xf32> to vector<256xf32>
    %broadcast_in_dim3A_126 = vector.shape_cast %reduce_sum3A_125 : vector<256xf32> to vector<256x1xf32>
    %swap3A_127 = arith.constant 512 : index
    %swap3A_128 = arith.constant 0 : index
    %swap3A_129 = vector.load %arg4[%swap3A_127, %swap3A_128] : memref<2048x1xf32, #tpu.memory_space<vmem>>, vector<256x1xf32>
    tpu.vector_store %arg4[%swap3A_127, %swap3A_128], %broadcast_in_dim3A_126 {strides = array<i32>} : memref<2048x1xf32, #tpu.memory_space<vmem>>, vector<256x1xf32>,
    %slice3A_130 = vector.extract_strided_slice %concatenate3A {offsets = [768, 0], sizes = [256, 32], strides = [1, 1]} : vector<2048x32xf32> to vector<256x32xf32>
    %slice3A_131 = vector.extract_strided_slice %concatenate3A {offsets = [768, 0], sizes = [1280, 32], strides = [1, 1]} : vector<2048x32xf32> to vector<1280x32xf32>
    %dot_general3A_132 = arith.constant dense<0.000000e+00> : vector<256x1280xf32>
    %dot_general3A_133 = tpu.matmul %slice3A_130, %slice3A_131, %dot_general3A_132 {dimension_numbers = #tpu.dot_dimension_numbers<[1], [1], [0], [0], [0, 0, 1, 0], [], []>, transpose_lhs_hint = false} : vector<256x32xf32>, vector<1280x32xf32>, vector<256x1280xf32> -> vector<256x1280xf32>
    %slice3A_134 = vector.extract_strided_slice %broadcast_in_dim3A {offsets = [768, 0], sizes = [256, 1], strides = [1, 1]} : vector<2048x1xf32> to vector<256x1xf32>
    %slice3A_135 = vector.extract_strided_slice %dot_general3A_9 {offsets = [0, 768], sizes = [1, 1280], strides = [1, 1]} : vector<1x2048xf32> to vector<1x1280xf32>
    %add3A_136 = vector.broadcast %slice3A_134 : vector<256x1xf32> to vector<256x1280xf32>
    %add3A_137 = vector.broadcast %slice3A_135 : vector<1x1280xf32> to vector<256x1280xf32>
    %add3A_138 = arith.addf %add3A_136, %add3A_137 : vector<256x1280xf32>
    %mul3A_139 = arith.constant 2.000000e+00 : f32
    %mul3A_140 = vector.broadcast %mul3A_139 : f32 to vector<256x1280xf32>
    %mul3A_141 = arith.mulf %mul3A_140, %dot_general3A_133 : vector<256x1280xf32>
    %sub3A_142 = arith.subf %add3A_138, %mul3A_141 : vector<256x1280xf32>
    %max3A_143 = arith.constant 0.000000e+00 : f32
    %max3A_144 = vector.broadcast %max3A_143 : f32 to vector<256x1280xf32>
    %max3A_145 = arith.maximumf %sub3A_142, %max3A_144 : vector<256x1280xf32>
    %swap3A_146 = arith.constant 768 : index
    %swap3A_147 = arith.constant 768 : index
    %swap3A_148 = vector.load %arg3[%swap3A_146, %swap3A_147] : memref<2048x2048xf32, #tpu.memory_space<vmem>>, vector<256x1280xf32>
    tpu.vector_store %arg3[%swap3A_146, %swap3A_147], %max3A_145 {strides = array<i32>} : memref<2048x2048xf32, #tpu.memory_space<vmem>>, vector<256x1280xf32>,
    %reduce_min3A_149 = vector.shape_cast %max3A_145 : vector<256x1280xf32> to vector<1x256x1280xf32>
    %reduce_min3A_150 = arith.constant dense<0x7F800000> : vector<1xf32>
    %reduce_min3A_151 = vector.multi_reduction <minimumf>, %reduce_min3A_149, %reduce_min3A_150 [1, 2] : vector<1x256x1280xf32> to vector<1xf32>
    %reduce_min3A_152 = vector.shape_cast %reduce_min3A_151 : vector<1xf32> to vector<1x1x1xf32>
    %reduce_min3A_153 = vector.extract %reduce_min3A_152[0, 0, 0] : f32 from vector<1x1x1xf32>
    %min3A_154 = arith.minimumf %min3A_110, %reduce_min3A_153 : f32
    %reduce_max3A_155 = vector.shape_cast %max3A_145 : vector<256x1280xf32> to vector<1x256x1280xf32>
    %reduce_max3A_156 = arith.constant dense<0xFF800000> : vector<1xf32>
    %reduce_max3A_157 = vector.multi_reduction <maximumf>, %reduce_max3A_155, %reduce_max3A_156 [1, 2] : vector<1x256x1280xf32> to vector<1xf32>
    %reduce_max3A_158 = vector.shape_cast %reduce_max3A_157 : vector<1xf32> to vector<1x1x1xf32>
    %reduce_max3A_159 = vector.extract %reduce_max3A_158[0, 0, 0] : f32 from vector<1x1x1xf32>
    %max3A_160 = arith.maximumf %max3A_116, %reduce_max3A_159 : f32
    %iota3A_161 = tpu.iota {dimensions = array<i32: 0>} : vector<256x256xi32>
    %iota3A_162 = tpu.iota {dimensions = array<i32: 1>} : vector<256x256xi32>
    %eq3A_163 = arith.cmpi eq, %iota3A_161, %iota3A_162 : vector<256x256xi32>
    %slice3A_164 = vector.extract_strided_slice %max3A_145 {offsets = [0, 0], sizes = [256, 256], strides = [1, 1]} : vector<256x1280xf32> to vector<256x256xf32>
    %jit3A_165 = arith.constant 0.000000e+00 : f32
    %broadcast_in_dim3A_166 = vector.broadcast %jit3A_165 : f32 to vector<256x256xf32>
    %select_n3A_167 = arith.select %eq3A_163, %slice3A_164, %broadcast_in_dim3A_166 : vector<256x256xi1>, vector<256x256xf32>
    %reduce_sum3A_168 = arith.constant dense<0.000000e+00> : vector<256xf32>
    %reduce_sum3A_169 = vector.multi_reduction <add>, %select_n3A_167, %reduce_sum3A_168 [1] : vector<256x256xf32> to vector<256xf32>
    %broadcast_in_dim3A_170 = vector.shape_cast %reduce_sum3A_169 : vector<256xf32> to vector<256x1xf32>
    %swap3A_171 = arith.constant 768 : index
    %swap3A_172 = arith.constant 0 : index
    %swap3A_173 = vector.load %arg4[%swap3A_171, %swap3A_172] : memref<2048x1xf32, #tpu.memory_space<vmem>>, vector<256x1xf32>
    tpu.vector_store %arg4[%swap3A_171, %swap3A_172], %broadcast_in_dim3A_170 {strides = array<i32>} : memref<2048x1xf32, #tpu.memory_space<vmem>>, vector<256x1xf32>,
    %slice3A_174 = vector.extract_strided_slice %concatenate3A {offsets = [1024, 0], sizes = [256, 32], strides = [1, 1]} : vector<2048x32xf32> to vector<256x32xf32>
    %slice3A_175 = vector.extract_strided_slice %concatenate3A {offsets = [1024, 0], sizes = [1024, 32], strides = [1, 1]} : vector<2048x32xf32> to vector<1024x32xf32>
    %dot_general3A_176 = arith.constant dense<0.000000e+00> : vector<256x1024xf32>
    %dot_general3A_177 = tpu.matmul %slice3A_174, %slice3A_175, %dot_general3A_176 {dimension_numbers = #tpu.dot_dimension_numbers<[1], [1], [0], [0], [0, 0, 1, 0], [], []>, transpose_lhs_hint = false} : vector<256x32xf32>, vector<1024x32xf32>, vector<256x1024xf32> -> vector<256x1024xf32>
    %slice3A_178 = vector.extract_strided_slice %broadcast_in_dim3A {offsets = [1024, 0], sizes = [256, 1], strides = [1, 1]} : vector<2048x1xf32> to vector<256x1xf32>
    %slice3A_179 = vector.extract_strided_slice %dot_general3A_9 {offsets = [0, 1024], sizes = [1, 1024], strides = [1, 1]} : vector<1x2048xf32> to vector<1x1024xf32>
    %add3A_180 = vector.broadcast %slice3A_178 : vector<256x1xf32> to vector<256x1024xf32>
    %add3A_181 = vector.broadcast %slice3A_179 : vector<1x1024xf32> to vector<256x1024xf32>
    %add3A_182 = arith.addf %add3A_180, %add3A_181 : vector<256x1024xf32>
    %mul3A_183 = arith.constant 2.000000e+00 : f32
    %mul3A_184 = vector.broadcast %mul3A_183 : f32 to vector<256x1024xf32>
    %mul3A_185 = arith.mulf %mul3A_184, %dot_general3A_177 : vector<256x1024xf32>
    %sub3A_186 = arith.subf %add3A_182, %mul3A_185 : vector<256x1024xf32>
    %max3A_187 = arith.constant 0.000000e+00 : f32
    %max3A_188 = vector.broadcast %max3A_187 : f32 to vector<256x1024xf32>
    %max3A_189 = arith.maximumf %sub3A_186, %max3A_188 : vector<256x1024xf32>
    %swap3A_190 = arith.constant 1024 : index
    %swap3A_191 = arith.constant 1024 : index
    %swap3A_192 = vector.load %arg3[%swap3A_190, %swap3A_191] : memref<2048x2048xf32, #tpu.memory_space<vmem>>, vector<256x1024xf32>
    tpu.vector_store %arg3[%swap3A_190, %swap3A_191], %max3A_189 {strides = array<i32>} : memref<2048x2048xf32, #tpu.memory_space<vmem>>, vector<256x1024xf32>,
    %reduce_min3A_193 = vector.shape_cast %max3A_189 : vector<256x1024xf32> to vector<1x256x1024xf32>
    %reduce_min3A_194 = arith.constant dense<0x7F800000> : vector<1xf32>
    %reduce_min3A_195 = vector.multi_reduction <minimumf>, %reduce_min3A_193, %reduce_min3A_194 [1, 2] : vector<1x256x1024xf32> to vector<1xf32>
    %reduce_min3A_196 = vector.shape_cast %reduce_min3A_195 : vector<1xf32> to vector<1x1x1xf32>
    %reduce_min3A_197 = vector.extract %reduce_min3A_196[0, 0, 0] : f32 from vector<1x1x1xf32>
    %min3A_198 = arith.minimumf %min3A_154, %reduce_min3A_197 : f32
    %reduce_max3A_199 = vector.shape_cast %max3A_189 : vector<256x1024xf32> to vector<1x256x1024xf32>
    %reduce_max3A_200 = arith.constant dense<0xFF800000> : vector<1xf32>
    %reduce_max3A_201 = vector.multi_reduction <maximumf>, %reduce_max3A_199, %reduce_max3A_200 [1, 2] : vector<1x256x1024xf32> to vector<1xf32>
    %reduce_max3A_202 = vector.shape_cast %reduce_max3A_201 : vector<1xf32> to vector<1x1x1xf32>
    %reduce_max3A_203 = vector.extract %reduce_max3A_202[0, 0, 0] : f32 from vector<1x1x1xf32>
    %max3A_204 = arith.maximumf %max3A_160, %reduce_max3A_203 : f32
    %iota3A_205 = tpu.iota {dimensions = array<i32: 0>} : vector<256x256xi32>
    %iota3A_206 = tpu.iota {dimensions = array<i32: 1>} : vector<256x256xi32>
    %eq3A_207 = arith.cmpi eq, %iota3A_205, %iota3A_206 : vector<256x256xi32>
    %slice3A_208 = vector.extract_strided_slice %max3A_189 {offsets = [0, 0], sizes = [256, 256], strides = [1, 1]} : vector<256x1024xf32> to vector<256x256xf32>
    %jit3A_209 = arith.constant 0.000000e+00 : f32
    %broadcast_in_dim3A_210 = vector.broadcast %jit3A_209 : f32 to vector<256x256xf32>
    %select_n3A_211 = arith.select %eq3A_207, %slice3A_208, %broadcast_in_dim3A_210 : vector<256x256xi1>, vector<256x256xf32>
    %reduce_sum3A_212 = arith.constant dense<0.000000e+00> : vector<256xf32>
    %reduce_sum3A_213 = vector.multi_reduction <add>, %select_n3A_211, %reduce_sum3A_212 [1] : vector<256x256xf32> to vector<256xf32>
    %broadcast_in_dim3A_214 = vector.shape_cast %reduce_sum3A_213 : vector<256xf32> to vector<256x1xf32>
    %swap3A_215 = arith.constant 1024 : index
    %swap3A_216 = arith.constant 0 : index
    %swap3A_217 = vector.load %arg4[%swap3A_215, %swap3A_216] : memref<2048x1xf32, #tpu.memory_space<vmem>>, vector<256x1xf32>
    tpu.vector_store %arg4[%swap3A_215, %swap3A_216], %broadcast_in_dim3A_214 {strides = array<i32>} : memref<2048x1xf32, #tpu.memory_space<vmem>>, vector<256x1xf32>,
    %slice3A_218 = vector.extract_strided_slice %concatenate3A {offsets = [1280, 0], sizes = [256, 32], strides = [1, 1]} : vector<2048x32xf32> to vector<256x32xf32>
    %slice3A_219 = vector.extract_strided_slice %concatenate3A {offsets = [1280, 0], sizes = [768, 32], strides = [1, 1]} : vector<2048x32xf32> to vector<768x32xf32>
    %dot_general3A_220 = arith.constant dense<0.000000e+00> : vector<256x768xf32>
    %dot_general3A_221 = tpu.matmul %slice3A_218, %slice3A_219, %dot_general3A_220 {dimension_numbers = #tpu.dot_dimension_numbers<[1], [1], [0], [0], [0, 0, 1, 0], [], []>, transpose_lhs_hint = false} : vector<256x32xf32>, vector<768x32xf32>, vector<256x768xf32> -> vector<256x768xf32>
    %slice3A_222 = vector.extract_strided_slice %broadcast_in_dim3A {offsets = [1280, 0], sizes = [256, 1], strides = [1, 1]} : vector<2048x1xf32> to vector<256x1xf32>
    %slice3A_223 = vector.extract_strided_slice %dot_general3A_9 {offsets = [0, 1280], sizes = [1, 768], strides = [1, 1]} : vector<1x2048xf32> to vector<1x768xf32>
    %add3A_224 = vector.broadcast %slice3A_222 : vector<256x1xf32> to vector<256x768xf32>
    %add3A_225 = vector.broadcast %slice3A_223 : vector<1x768xf32> to vector<256x768xf32>
    %add3A_226 = arith.addf %add3A_224, %add3A_225 : vector<256x768xf32>
    %mul3A_227 = arith.constant 2.000000e+00 : f32
    %mul3A_228 = vector.broadcast %mul3A_227 : f32 to vector<256x768xf32>
    %mul3A_229 = arith.mulf %mul3A_228, %dot_general3A_221 : vector<256x768xf32>
    %sub3A_230 = arith.subf %add3A_226, %mul3A_229 : vector<256x768xf32>
    %max3A_231 = arith.constant 0.000000e+00 : f32
    %max3A_232 = vector.broadcast %max3A_231 : f32 to vector<256x768xf32>
    %max3A_233 = arith.maximumf %sub3A_230, %max3A_232 : vector<256x768xf32>
    %swap3A_234 = arith.constant 1280 : index
    %swap3A_235 = arith.constant 1280 : index
    %swap3A_236 = vector.load %arg3[%swap3A_234, %swap3A_235] : memref<2048x2048xf32, #tpu.memory_space<vmem>>, vector<256x768xf32>
    tpu.vector_store %arg3[%swap3A_234, %swap3A_235], %max3A_233 {strides = array<i32>} : memref<2048x2048xf32, #tpu.memory_space<vmem>>, vector<256x768xf32>,
    %reduce_min3A_237 = vector.shape_cast %max3A_233 : vector<256x768xf32> to vector<1x256x768xf32>
    %reduce_min3A_238 = arith.constant dense<0x7F800000> : vector<1xf32>
    %reduce_min3A_239 = vector.multi_reduction <minimumf>, %reduce_min3A_237, %reduce_min3A_238 [1, 2] : vector<1x256x768xf32> to vector<1xf32>
    %reduce_min3A_240 = vector.shape_cast %reduce_min3A_239 : vector<1xf32> to vector<1x1x1xf32>
    %reduce_min3A_241 = vector.extract %reduce_min3A_240[0, 0, 0] : f32 from vector<1x1x1xf32>
    %min3A_242 = arith.minimumf %min3A_198, %reduce_min3A_241 : f32
    %reduce_max3A_243 = vector.shape_cast %max3A_233 : vector<256x768xf32> to vector<1x256x768xf32>
    %reduce_max3A_244 = arith.constant dense<0xFF800000> : vector<1xf32>
    %reduce_max3A_245 = vector.multi_reduction <maximumf>, %reduce_max3A_243, %reduce_max3A_244 [1, 2] : vector<1x256x768xf32> to vector<1xf32>
    %reduce_max3A_246 = vector.shape_cast %reduce_max3A_245 : vector<1xf32> to vector<1x1x1xf32>
    %reduce_max3A_247 = vector.extract %reduce_max3A_246[0, 0, 0] : f32 from vector<1x1x1xf32>
    %max3A_248 = arith.maximumf %max3A_204, %reduce_max3A_247 : f32
    %iota3A_249 = tpu.iota {dimensions = array<i32: 0>} : vector<256x256xi32>
    %iota3A_250 = tpu.iota {dimensions = array<i32: 1>} : vector<256x256xi32>
    %eq3A_251 = arith.cmpi eq, %iota3A_249, %iota3A_250 : vector<256x256xi32>
    %slice3A_252 = vector.extract_strided_slice %max3A_233 {offsets = [0, 0], sizes = [256, 256], strides = [1, 1]} : vector<256x768xf32> to vector<256x256xf32>
    %jit3A_253 = arith.constant 0.000000e+00 : f32
    %broadcast_in_dim3A_254 = vector.broadcast %jit3A_253 : f32 to vector<256x256xf32>
    %select_n3A_255 = arith.select %eq3A_251, %slice3A_252, %broadcast_in_dim3A_254 : vector<256x256xi1>, vector<256x256xf32>
    %reduce_sum3A_256 = arith.constant dense<0.000000e+00> : vector<256xf32>
    %reduce_sum3A_257 = vector.multi_reduction <add>, %select_n3A_255, %reduce_sum3A_256 [1] : vector<256x256xf32> to vector<256xf32>
    %broadcast_in_dim3A_258 = vector.shape_cast %reduce_sum3A_257 : vector<256xf32> to vector<256x1xf32>
    %swap3A_259 = arith.constant 1280 : index
    %swap3A_260 = arith.constant 0 : index
    %swap3A_261 = vector.load %arg4[%swap3A_259, %swap3A_260] : memref<2048x1xf32, #tpu.memory_space<vmem>>, vector<256x1xf32>
    tpu.vector_store %arg4[%swap3A_259, %swap3A_260], %broadcast_in_dim3A_258 {strides = array<i32>} : memref<2048x1xf32, #tpu.memory_space<vmem>>, vector<256x1xf32>,
    %slice3A_262 = vector.extract_strided_slice %concatenate3A {offsets = [1536, 0], sizes = [256, 32], strides = [1, 1]} : vector<2048x32xf32> to vector<256x32xf32>
    %slice3A_263 = vector.extract_strided_slice %concatenate3A {offsets = [1536, 0], sizes = [512, 32], strides = [1, 1]} : vector<2048x32xf32> to vector<512x32xf32>
    %dot_general3A_264 = arith.constant dense<0.000000e+00> : vector<256x512xf32>
    %dot_general3A_265 = tpu.matmul %slice3A_262, %slice3A_263, %dot_general3A_264 {dimension_numbers = #tpu.dot_dimension_numbers<[1], [1], [0], [0], [0, 0, 1, 0], [], []>, transpose_lhs_hint = false} : vector<256x32xf32>, vector<512x32xf32>, vector<256x512xf32> -> vector<256x512xf32>
    %slice3A_266 = vector.extract_strided_slice %broadcast_in_dim3A {offsets = [1536, 0], sizes = [256, 1], strides = [1, 1]} : vector<2048x1xf32> to vector<256x1xf32>
    %slice3A_267 = vector.extract_strided_slice %dot_general3A_9 {offsets = [0, 1536], sizes = [1, 512], strides = [1, 1]} : vector<1x2048xf32> to vector<1x512xf32>
    %add3A_268 = vector.broadcast %slice3A_266 : vector<256x1xf32> to vector<256x512xf32>
    %add3A_269 = vector.broadcast %slice3A_267 : vector<1x512xf32> to vector<256x512xf32>
    %add3A_270 = arith.addf %add3A_268, %add3A_269 : vector<256x512xf32>
    %mul3A_271 = arith.constant 2.000000e+00 : f32
    %mul3A_272 = vector.broadcast %mul3A_271 : f32 to vector<256x512xf32>
    %mul3A_273 = arith.mulf %mul3A_272, %dot_general3A_265 : vector<256x512xf32>
    %sub3A_274 = arith.subf %add3A_270, %mul3A_273 : vector<256x512xf32>
    %max3A_275 = arith.constant 0.000000e+00 : f32
    %max3A_276 = vector.broadcast %max3A_275 : f32 to vector<256x512xf32>
    %max3A_277 = arith.maximumf %sub3A_274, %max3A_276 : vector<256x512xf32>
    %swap3A_278 = arith.constant 1536 : index
    %swap3A_279 = arith.constant 1536 : index
    %swap3A_280 = vector.load %arg3[%swap3A_278, %swap3A_279] : memref<2048x2048xf32, #tpu.memory_space<vmem>>, vector<256x512xf32>
    tpu.vector_store %arg3[%swap3A_278, %swap3A_279], %max3A_277 {strides = array<i32>} : memref<2048x2048xf32, #tpu.memory_space<vmem>>, vector<256x512xf32>,
    %reduce_min3A_281 = vector.shape_cast %max3A_277 : vector<256x512xf32> to vector<1x256x512xf32>
    %reduce_min3A_282 = arith.constant dense<0x7F800000> : vector<1xf32>
    %reduce_min3A_283 = vector.multi_reduction <minimumf>, %reduce_min3A_281, %reduce_min3A_282 [1, 2] : vector<1x256x512xf32> to vector<1xf32>
    %reduce_min3A_284 = vector.shape_cast %reduce_min3A_283 : vector<1xf32> to vector<1x1x1xf32>
    %reduce_min3A_285 = vector.extract %reduce_min3A_284[0, 0, 0] : f32 from vector<1x1x1xf32>
    %min3A_286 = arith.minimumf %min3A_242, %reduce_min3A_285 : f32
    %reduce_max3A_287 = vector.shape_cast %max3A_277 : vector<256x512xf32> to vector<1x256x512xf32>
    %reduce_max3A_288 = arith.constant dense<0xFF800000> : vector<1xf32>
    %reduce_max3A_289 = vector.multi_reduction <maximumf>, %reduce_max3A_287, %reduce_max3A_288 [1, 2] : vector<1x256x512xf32> to vector<1xf32>
    %reduce_max3A_290 = vector.shape_cast %reduce_max3A_289 : vector<1xf32> to vector<1x1x1xf32>
    %reduce_max3A_291 = vector.extract %reduce_max3A_290[0, 0, 0] : f32 from vector<1x1x1xf32>
    %max3A_292 = arith.maximumf %max3A_248, %reduce_max3A_291 : f32
    %iota3A_293 = tpu.iota {dimensions = array<i32: 0>} : vector<256x256xi32>
    %iota3A_294 = tpu.iota {dimensions = array<i32: 1>} : vector<256x256xi32>
    %eq3A_295 = arith.cmpi eq, %iota3A_293, %iota3A_294 : vector<256x256xi32>
    %slice3A_296 = vector.extract_strided_slice %max3A_277 {offsets = [0, 0], sizes = [256, 256], strides = [1, 1]} : vector<256x512xf32> to vector<256x256xf32>
    %jit3A_297 = arith.constant 0.000000e+00 : f32
    %broadcast_in_dim3A_298 = vector.broadcast %jit3A_297 : f32 to vector<256x256xf32>
    %select_n3A_299 = arith.select %eq3A_295, %slice3A_296, %broadcast_in_dim3A_298 : vector<256x256xi1>, vector<256x256xf32>
    %reduce_sum3A_300 = arith.constant dense<0.000000e+00> : vector<256xf32>
    %reduce_sum3A_301 = vector.multi_reduction <add>, %select_n3A_299, %reduce_sum3A_300 [1] : vector<256x256xf32> to vector<256xf32>
    %broadcast_in_dim3A_302 = vector.shape_cast %reduce_sum3A_301 : vector<256xf32> to vector<256x1xf32>
    %swap3A_303 = arith.constant 1536 : index
    %swap3A_304 = arith.constant 0 : index
    %swap3A_305 = vector.load %arg4[%swap3A_303, %swap3A_304] : memref<2048x1xf32, #tpu.memory_space<vmem>>, vector<256x1xf32>
    tpu.vector_store %arg4[%swap3A_303, %swap3A_304], %broadcast_in_dim3A_302 {strides = array<i32>} : memref<2048x1xf32, #tpu.memory_space<vmem>>, vector<256x1xf32>,
    %slice3A_306 = vector.extract_strided_slice %concatenate3A {offsets = [1792, 0], sizes = [256, 32], strides = [1, 1]} : vector<2048x32xf32> to vector<256x32xf32>
    %slice3A_307 = vector.extract_strided_slice %concatenate3A {offsets = [1792, 0], sizes = [256, 32], strides = [1, 1]} : vector<2048x32xf32> to vector<256x32xf32>
    %dot_general3A_308 = arith.constant dense<0.000000e+00> : vector<256x256xf32>
    %dot_general3A_309 = tpu.matmul %slice3A_306, %slice3A_307, %dot_general3A_308 {dimension_numbers = #tpu.dot_dimension_numbers<[1], [1], [0], [0], [0, 0, 1, 0], [], []>, transpose_lhs_hint = false} : vector<256x32xf32>, vector<256x32xf32>, vector<256x256xf32> -> vector<256x256xf32>
    %slice3A_310 = vector.extract_strided_slice %broadcast_in_dim3A {offsets = [1792, 0], sizes = [256, 1], strides = [1, 1]} : vector<2048x1xf32> to vector<256x1xf32>
    %slice3A_311 = vector.extract_strided_slice %dot_general3A_9 {offsets = [0, 1792], sizes = [1, 256], strides = [1, 1]} : vector<1x2048xf32> to vector<1x256xf32>
    %add3A_312 = vector.broadcast %slice3A_310 : vector<256x1xf32> to vector<256x256xf32>
    %add3A_313 = vector.broadcast %slice3A_311 : vector<1x256xf32> to vector<256x256xf32>
    %add3A_314 = arith.addf %add3A_312, %add3A_313 : vector<256x256xf32>
    %mul3A_315 = arith.constant 2.000000e+00 : f32
    %mul3A_316 = vector.broadcast %mul3A_315 : f32 to vector<256x256xf32>
    %mul3A_317 = arith.mulf %mul3A_316, %dot_general3A_309 : vector<256x256xf32>
    %sub3A_318 = arith.subf %add3A_314, %mul3A_317 : vector<256x256xf32>
    %max3A_319 = arith.constant 0.000000e+00 : f32
    %max3A_320 = vector.broadcast %max3A_319 : f32 to vector<256x256xf32>
    %max3A_321 = arith.maximumf %sub3A_318, %max3A_320 : vector<256x256xf32>
    %swap3A_322 = arith.constant 1792 : index
    %swap3A_323 = arith.constant 1792 : index
    %swap3A_324 = vector.load %arg3[%swap3A_322, %swap3A_323] : memref<2048x2048xf32, #tpu.memory_space<vmem>>, vector<256x256xf32>
    tpu.vector_store %arg3[%swap3A_322, %swap3A_323], %max3A_321 {strides = array<i32>} : memref<2048x2048xf32, #tpu.memory_space<vmem>>, vector<256x256xf32>,
    %reduce_min3A_325 = vector.shape_cast %max3A_321 : vector<256x256xf32> to vector<1x256x256xf32>
    %reduce_min3A_326 = arith.constant dense<0x7F800000> : vector<1xf32>
    %reduce_min3A_327 = vector.multi_reduction <minimumf>, %reduce_min3A_325, %reduce_min3A_326 [1, 2] : vector<1x256x256xf32> to vector<1xf32>
    %reduce_min3A_328 = vector.shape_cast %reduce_min3A_327 : vector<1xf32> to vector<1x1x1xf32>
    %reduce_min3A_329 = vector.extract %reduce_min3A_328[0, 0, 0] : f32 from vector<1x1x1xf32>
    %min3A_330 = arith.minimumf %min3A_286, %reduce_min3A_329 : f32
    %reduce_max3A_331 = vector.shape_cast %max3A_321 : vector<256x256xf32> to vector<1x256x256xf32>
    %reduce_max3A_332 = arith.constant dense<0xFF800000> : vector<1xf32>
    %reduce_max3A_333 = vector.multi_reduction <maximumf>, %reduce_max3A_331, %reduce_max3A_332 [1, 2] : vector<1x256x256xf32> to vector<1xf32>
    %reduce_max3A_334 = vector.shape_cast %reduce_max3A_333 : vector<1xf32> to vector<1x1x1xf32>
    %reduce_max3A_335 = vector.extract %reduce_max3A_334[0, 0, 0] : f32 from vector<1x1x1xf32>
    %max3A_336 = arith.maximumf %max3A_292, %reduce_max3A_335 : f32
    %iota3A_337 = tpu.iota {dimensions = array<i32: 0>} : vector<256x256xi32>
    %iota3A_338 = tpu.iota {dimensions = array<i32: 1>} : vector<256x256xi32>
    %eq3A_339 = arith.cmpi eq, %iota3A_337, %iota3A_338 : vector<256x256xi32>
    %jit3A_340 = arith.constant 0.000000e+00 : f32
    %broadcast_in_dim3A_341 = vector.broadcast %jit3A_340 : f32 to vector<256x256xf32>
    %select_n3A_342 = arith.select %eq3A_339, %max3A_321, %broadcast_in_dim3A_341 : vector<256x256xi1>, vector<256x256xf32>
    %reduce_sum3A_343 = arith.constant dense<0.000000e+00> : vector<256xf32>
    %reduce_sum3A_344 = vector.multi_reduction <add>, %select_n3A_342, %reduce_sum3A_343 [1] : vector<256x256xf32> to vector<256xf32>
    %broadcast_in_dim3A_345 = vector.shape_cast %reduce_sum3A_344 : vector<256xf32> to vector<256x1xf32>
    %swap3A_346 = arith.constant 1792 : index
    %swap3A_347 = arith.constant 0 : index
    %swap3A_348 = vector.load %arg4[%swap3A_346, %swap3A_347] : memref<2048x1xf32, #tpu.memory_space<vmem>>, vector<256x1xf32>
    tpu.vector_store %arg4[%swap3A_346, %swap3A_347], %broadcast_in_dim3A_345 {strides = array<i32>} : memref<2048x1xf32, #tpu.memory_space<vmem>>, vector<256x1xf32>,
    %bitcast_convert_type3A = arith.bitcast %min3A_330 : f32 to i32
    %bitcast_convert_type3A_349 = arith.bitcast %max3A_336 : f32 to i32
    %scan3A = arith.constant 0x4A000000 : f32
    %scan3A_350 = arith.constant 0 : i32
    %scan3A_351 = arith.constant 23 : i32
    %scan3A_352 = arith.addi %scan3A_350, %scan3A_351 : i32
    %scan3A_353 = arith.constant 1 : i32
    %scan3A_354:2 = scf.for %scan3A_1138 = %scan3A_350 to %scan3A_352 step %scan3A_353 iter_args(%scan3A_1139 = %bitcast_convert_type3A, %scan3A_1140 = %bitcast_convert_type3A_349) -> (i32, i32)  : i32 {
      %sub3A_1141 = arith.subi %scan3A_1140, %scan3A_1139 : i32
      %jit3A_1142 = arith.constant 3 : i32
      %div3A_1143 = arith.divsi %sub3A_1141, %jit3A_1142 : i32
      %sign3A = arith.constant 0 : i32
      %sign3A_1144 = arith.cmpi sgt, %sub3A_1141, %sign3A : i32
      %sign3A_1145 = arith.extui %sign3A_1144 : i1 to i32
      %sign3A_1146 = arith.constant 0 : i32
      %sign3A_1147 = arith.cmpi slt, %sub3A_1141, %sign3A_1146 : i32
      %sign3A_1148 = arith.extui %sign3A_1147 : i1 to i32
      %sign3A_1149 = arith.subi %sign3A_1145, %sign3A_1148 : i32
      %sign3A_1150 = arith.constant 0 : i32
      %sign3A_1151 = arith.cmpi sgt, %jit3A_1142, %sign3A_1150 : i32
      %sign3A_1152 = arith.extui %sign3A_1151 : i1 to i32
      %sign3A_1153 = arith.constant 0 : i32
      %sign3A_1154 = arith.cmpi slt, %jit3A_1142, %sign3A_1153 : i32
      %sign3A_1155 = arith.extui %sign3A_1154 : i1 to i32
      %sign3A_1156 = arith.subi %sign3A_1152, %sign3A_1155 : i32
      %ne3A = arith.cmpi ne, %sign3A_1149, %sign3A_1156 : i32
      %rem3A = arith.remsi %sub3A_1141, %jit3A_1142 : i32
      %ne3A_1157 = arith.constant 0 : i32
      %ne3A_1158 = arith.cmpi ne, %rem3A, %ne3A_1157 : i32
      %and3A_1159 = arith.andi %ne3A, %ne3A_1158 : i1
      %sub3A_1160 = arith.constant 1 : i32
      %sub3A_1161 = arith.subi %div3A_1143, %sub3A_1160 : i32
      %select_n3A_1162 = arith.select %and3A_1159, %sub3A_1161, %div3A_1143 : i32
      %add3A_1163 = arith.addi %scan3A_1139, %select_n3A_1162 : i32
      %jit3A_1164 = arith.constant 3 : i32
      %div3A_1165 = arith.divsi %sub3A_1141, %jit3A_1164 : i32
      %sign3A_1166 = arith.constant 0 : i32
      %sign3A_1167 = arith.cmpi sgt, %sub3A_1141, %sign3A_1166 : i32
      %sign3A_1168 = arith.extui %sign3A_1167 : i1 to i32
      %sign3A_1169 = arith.constant 0 : i32
      %sign3A_1170 = arith.cmpi slt, %sub3A_1141, %sign3A_1169 : i32
      %sign3A_1171 = arith.extui %sign3A_1170 : i1 to i32
      %sign3A_1172 = arith.subi %sign3A_1168, %sign3A_1171 : i32
      %sign3A_1173 = arith.constant 0 : i32
      %sign3A_1174 = arith.cmpi sgt, %jit3A_1164, %sign3A_1173 : i32
      %sign3A_1175 = arith.extui %sign3A_1174 : i1 to i32
      %sign3A_1176 = arith.constant 0 : i32
      %sign3A_1177 = arith.cmpi slt, %jit3A_1164, %sign3A_1176 : i32
      %sign3A_1178 = arith.extui %sign3A_1177 : i1 to i32
      %sign3A_1179 = arith.subi %sign3A_1175, %sign3A_1178 : i32
      %ne3A_1180 = arith.cmpi ne, %sign3A_1172, %sign3A_1179 : i32
      %rem3A_1181 = arith.remsi %sub3A_1141, %jit3A_1164 : i32
      %ne3A_1182 = arith.constant 0 : i32
      %ne3A_1183 = arith.cmpi ne, %rem3A_1181, %ne3A_1182 : i32
      %and3A_1184 = arith.andi %ne3A_1180, %ne3A_1183 : i1
      %sub3A_1185 = arith.constant 1 : i32
      %sub3A_1186 = arith.subi %div3A_1165, %sub3A_1185 : i32
      %select_n3A_1187 = arith.select %and3A_1184, %sub3A_1186, %div3A_1165 : i32
      %mul3A_1188 = arith.constant 2 : i32
      %mul3A_1189 = arith.muli %mul3A_1188, %select_n3A_1187 : i32
      %add3A_1190 = arith.addi %scan3A_1139, %mul3A_1189 : i32
      %bitcast_convert_type3A_1191 = arith.bitcast %add3A_1163 : i32 to f32
      %bitcast_convert_type3A_1192 = arith.bitcast %add3A_1190 : i32 to f32
      %get3A_1193 = arith.constant 0 : index
      %get3A_1194 = arith.constant 0 : index
      %get3A_1195 = vector.load %arg4[%get3A_1193, %get3A_1194] : memref<2048x1xf32, #tpu.memory_space<vmem>>, vector<2048x1xf32>
      %le3A_1196 = vector.broadcast %bitcast_convert_type3A_1191 : f32 to vector<2048x1xf32>
      %le3A_1197 = arith.cmpf ole, %get3A_1195, %le3A_1196 : vector<2048x1xf32>
      %convert_element_type3A_1198 = arith.extui %le3A_1197 : vector<2048x1xi1> to vector<2048x1xi32>
      %convert_element_type3A_1199 = arith.sitofp %convert_element_type3A_1198 : vector<2048x1xi32> to vector<2048x1xf32>
      %reduce_sum3A_1200 = vector.shape_cast %convert_element_type3A_1199 : vector<2048x1xf32> to vector<1x2048x1xf32>
      %reduce_sum3A_1201 = arith.constant dense<0.000000e+00> : vector<1xf32>
      %reduce_sum3A_1202 = vector.multi_reduction <add>, %reduce_sum3A_1200, %reduce_sum3A_1201 [1, 2] : vector<1x2048x1xf32> to vector<1xf32>
      %reduce_sum3A_1203 = vector.shape_cast %reduce_sum3A_1202 : vector<1xf32> to vector<1x1x1xf32>
      %reduce_sum3A_1204 = vector.extract %reduce_sum3A_1203[0, 0, 0] : f32 from vector<1x1x1xf32>
      %le3A_1205 = vector.broadcast %bitcast_convert_type3A_1192 : f32 to vector<2048x1xf32>
      %le3A_1206 = arith.cmpf ole, %get3A_1195, %le3A_1205 : vector<2048x1xf32>
      %convert_element_type3A_1207 = arith.extui %le3A_1206 : vector<2048x1xi1> to vector<2048x1xi32>
      %convert_element_type3A_1208 = arith.sitofp %convert_element_type3A_1207 : vector<2048x1xi32> to vector<2048x1xf32>
      %reduce_sum3A_1209 = vector.shape_cast %convert_element_type3A_1208 : vector<2048x1xf32> to vector<1x2048x1xf32>
      %reduce_sum3A_1210 = arith.constant dense<0.000000e+00> : vector<1xf32>
      %reduce_sum3A_1211 = vector.multi_reduction <add>, %reduce_sum3A_1209, %reduce_sum3A_1210 [1, 2] : vector<1x2048x1xf32> to vector<1xf32>
      %reduce_sum3A_1212 = vector.shape_cast %reduce_sum3A_1211 : vector<1xf32> to vector<1x1x1xf32>
      %reduce_sum3A_1213 = vector.extract %reduce_sum3A_1212[0, 0, 0] : f32 from vector<1x1x1xf32>
      %get3A_1214 = arith.constant 0 : index
      %get3A_1215 = arith.constant 0 : index
      %get3A_1216 = vector.load %arg3[%get3A_1214, %get3A_1215] : memref<2048x2048xf32, #tpu.memory_space<vmem>>, vector<256x256xf32>
      %iota3A_1217 = tpu.iota {dimensions = array<i32: 0>} : vector<256x256xi32>
      %iota3A_1218 = tpu.iota {dimensions = array<i32: 1>} : vector<256x256xi32>
      %gt3A_1219 = arith.cmpi sgt, %iota3A_1218, %iota3A_1217 : vector<256x256xi32>
      %le3A_1220 = vector.broadcast %bitcast_convert_type3A_1191 : f32 to vector<256x256xf32>
      %le3A_1221 = arith.cmpf ole, %get3A_1216, %le3A_1220 : vector<256x256xf32>
      %and3A_1222 = arith.andi %le3A_1221, %gt3A_1219 : vector<256x256xi1>
      %convert_element_type3A_1223 = arith.extui %and3A_1222 : vector<256x256xi1> to vector<256x256xi32>
      %convert_element_type3A_1224 = arith.sitofp %convert_element_type3A_1223 : vector<256x256xi32> to vector<256x256xf32>
      %reduce_sum3A_1225 = vector.shape_cast %convert_element_type3A_1224 : vector<256x256xf32> to vector<1x256x256xf32>
      %reduce_sum3A_1226 = arith.constant dense<0.000000e+00> : vector<1xf32>
      %reduce_sum3A_1227 = vector.multi_reduction <add>, %reduce_sum3A_1225, %reduce_sum3A_1226 [1, 2] : vector<1x256x256xf32> to vector<1xf32>
      %reduce_sum3A_1228 = vector.shape_cast %reduce_sum3A_1227 : vector<1xf32> to vector<1x1x1xf32>
      %reduce_sum3A_1229 = vector.extract %reduce_sum3A_1228[0, 0, 0] : f32 from vector<1x1x1xf32>
      %mul3A_1230 = arith.constant 2.000000e+00 : f32
      %mul3A_1231 = arith.mulf %mul3A_1230, %reduce_sum3A_1229 : f32
      %add3A_1232 = arith.addf %reduce_sum3A_1204, %mul3A_1231 : f32
      %le3A_1233 = vector.broadcast %bitcast_convert_type3A_1192 : f32 to vector<256x256xf32>
      %le3A_1234 = arith.cmpf ole, %get3A_1216, %le3A_1233 : vector<256x256xf32>
      %and3A_1235 = arith.andi %le3A_1234, %gt3A_1219 : vector<256x256xi1>
      %convert_element_type3A_1236 = arith.extui %and3A_1235 : vector<256x256xi1> to vector<256x256xi32>
      %convert_element_type3A_1237 = arith.sitofp %convert_element_type3A_1236 : vector<256x256xi32> to vector<256x256xf32>
      %reduce_sum3A_1238 = vector.shape_cast %convert_element_type3A_1237 : vector<256x256xf32> to vector<1x256x256xf32>
      %reduce_sum3A_1239 = arith.constant dense<0.000000e+00> : vector<1xf32>
      %reduce_sum3A_1240 = vector.multi_reduction <add>, %reduce_sum3A_1238, %reduce_sum3A_1239 [1, 2] : vector<1x256x256xf32> to vector<1xf32>
      %reduce_sum3A_1241 = vector.shape_cast %reduce_sum3A_1240 : vector<1xf32> to vector<1x1x1xf32>
      %reduce_sum3A_1242 = vector.extract %reduce_sum3A_1241[0, 0, 0] : f32 from vector<1x1x1xf32>
      %mul3A_1243 = arith.constant 2.000000e+00 : f32
      %mul3A_1244 = arith.mulf %mul3A_1243, %reduce_sum3A_1242 : f32
      %add3A_1245 = arith.addf %reduce_sum3A_1213, %mul3A_1244 : f32
      %get3A_1246 = arith.constant 0 : index
      %get3A_1247 = arith.constant 256 : index
      %get3A_1248 = vector.load %arg3[%get3A_1246, %get3A_1247] : memref<2048x2048xf32, #tpu.memory_space<vmem>>, vector<256x1792xf32>
      %le3A_1249 = vector.broadcast %bitcast_convert_type3A_1191 : f32 to vector<256x1792xf32>
      %le3A_1250 = arith.cmpf ole, %get3A_1248, %le3A_1249 : vector<256x1792xf32>
      %convert_element_type3A_1251 = arith.extui %le3A_1250 : vector<256x1792xi1> to vector<256x1792xi32>
      %convert_element_type3A_1252 = arith.sitofp %convert_element_type3A_1251 : vector<256x1792xi32> to vector<256x1792xf32>
      %reduce_sum3A_1253 = vector.shape_cast %convert_element_type3A_1252 : vector<256x1792xf32> to vector<1x256x1792xf32>
      %reduce_sum3A_1254 = arith.constant dense<0.000000e+00> : vector<1xf32>
      %reduce_sum3A_1255 = vector.multi_reduction <add>, %reduce_sum3A_1253, %reduce_sum3A_1254 [1, 2] : vector<1x256x1792xf32> to vector<1xf32>
      %reduce_sum3A_1256 = vector.shape_cast %reduce_sum3A_1255 : vector<1xf32> to vector<1x1x1xf32>
      %reduce_sum3A_1257 = vector.extract %reduce_sum3A_1256[0, 0, 0] : f32 from vector<1x1x1xf32>
      %mul3A_1258 = arith.constant 2.000000e+00 : f32
      %mul3A_1259 = arith.mulf %mul3A_1258, %reduce_sum3A_1257 : f32
      %add3A_1260 = arith.addf %add3A_1232, %mul3A_1259 : f32
      %le3A_1261 = vector.broadcast %bitcast_convert_type3A_1192 : f32 to vector<256x1792xf32>
      %le3A_1262 = arith.cmpf ole, %get3A_1248, %le3A_1261 : vector<256x1792xf32>
      %convert_element_type3A_1263 = arith.extui %le3A_1262 : vector<256x1792xi1> to vector<256x1792xi32>
      %convert_element_type3A_1264 = arith.sitofp %convert_element_type3A_1263 : vector<256x1792xi32> to vector<256x1792xf32>
      %reduce_sum3A_1265 = vector.shape_cast %convert_element_type3A_1264 : vector<256x1792xf32> to vector<1x256x1792xf32>
      %reduce_sum3A_1266 = arith.constant dense<0.000000e+00> : vector<1xf32>
      %reduce_sum3A_1267 = vector.multi_reduction <add>, %reduce_sum3A_1265, %reduce_sum3A_1266 [1, 2] : vector<1x256x1792xf32> to vector<1xf32>
      %reduce_sum3A_1268 = vector.shape_cast %reduce_sum3A_1267 : vector<1xf32> to vector<1x1x1xf32>
      %reduce_sum3A_1269 = vector.extract %reduce_sum3A_1268[0, 0, 0] : f32 from vector<1x1x1xf32>
      %mul3A_1270 = arith.constant 2.000000e+00 : f32
      %mul3A_1271 = arith.mulf %mul3A_1270, %reduce_sum3A_1269 : f32
      %add3A_1272 = arith.addf %add3A_1245, %mul3A_1271 : f32
      %get3A_1273 = arith.constant 256 : index
      %get3A_1274 = arith.constant 256 : index
      %get3A_1275 = vector.load %arg3[%get3A_1273, %get3A_1274] : memref<2048x2048xf32, #tpu.memory_space<vmem>>, vector<256x256xf32>
      %iota3A_1276 = tpu.iota {dimensions = array<i32: 0>} : vector<256x256xi32>
      %iota3A_1277 = tpu.iota {dimensions = array<i32: 1>} : vector<256x256xi32>
      %gt3A_1278 = arith.cmpi sgt, %iota3A_1277, %iota3A_1276 : vector<256x256xi32>
      %le3A_1279 = vector.broadcast %bitcast_convert_type3A_1191 : f32 to vector<256x256xf32>
      %le3A_1280 = arith.cmpf ole, %get3A_1275, %le3A_1279 : vector<256x256xf32>
      %and3A_1281 = arith.andi %le3A_1280, %gt3A_1278 : vector<256x256xi1>
      %convert_element_type3A_1282 = arith.extui %and3A_1281 : vector<256x256xi1> to vector<256x256xi32>
      %convert_element_type3A_1283 = arith.sitofp %convert_element_type3A_1282 : vector<256x256xi32> to vector<256x256xf32>
      %reduce_sum3A_1284 = vector.shape_cast %convert_element_type3A_1283 : vector<256x256xf32> to vector<1x256x256xf32>
      %reduce_sum3A_1285 = arith.constant dense<0.000000e+00> : vector<1xf32>
      %reduce_sum3A_1286 = vector.multi_reduction <add>, %reduce_sum3A_1284, %reduce_sum3A_1285 [1, 2] : vector<1x256x256xf32> to vector<1xf32>
      %reduce_sum3A_1287 = vector.shape_cast %reduce_sum3A_1286 : vector<1xf32> to vector<1x1x1xf32>
      %reduce_sum3A_1288 = vector.extract %reduce_sum3A_1287[0, 0, 0] : f32 from vector<1x1x1xf32>
      %mul3A_1289 = arith.constant 2.000000e+00 : f32
      %mul3A_1290 = arith.mulf %mul3A_1289, %reduce_sum3A_1288 : f32
      %add3A_1291 = arith.addf %add3A_1260, %mul3A_1290 : f32
      %le3A_1292 = vector.broadcast %bitcast_convert_type3A_1192 : f32 to vector<256x256xf32>
      %le3A_1293 = arith.cmpf ole, %get3A_1275, %le3A_1292 : vector<256x256xf32>
      %and3A_1294 = arith.andi %le3A_1293, %gt3A_1278 : vector<256x256xi1>
      %convert_element_type3A_1295 = arith.extui %and3A_1294 : vector<256x256xi1> to vector<256x256xi32>
      %convert_element_type3A_1296 = arith.sitofp %convert_element_type3A_1295 : vector<256x256xi32> to vector<256x256xf32>
      %reduce_sum3A_1297 = vector.shape_cast %convert_element_type3A_1296 : vector<256x256xf32> to vector<1x256x256xf32>
      %reduce_sum3A_1298 = arith.constant dense<0.000000e+00> : vector<1xf32>
      %reduce_sum3A_1299 = vector.multi_reduction <add>, %reduce_sum3A_1297, %reduce_sum3A_1298 [1, 2] : vector<1x256x256xf32> to vector<1xf32>
      %reduce_sum3A_1300 = vector.shape_cast %reduce_sum3A_1299 : vector<1xf32> to vector<1x1x1xf32>
      %reduce_sum3A_1301 = vector.extract %reduce_sum3A_1300[0, 0, 0] : f32 from vector<1x1x1xf32>
      %mul3A_1302 = arith.constant 2.000000e+00 : f32
      %mul3A_1303 = arith.mulf %mul3A_1302, %reduce_sum3A_1301 : f32
      %add3A_1304 = arith.addf %add3A_1272, %mul3A_1303 : f32
      %get3A_1305 = arith.constant 256 : index
      %get3A_1306 = arith.constant 512 : index
      %get3A_1307 = vector.load %arg3[%get3A_1305, %get3A_1306] : memref<2048x2048xf32, #tpu.memory_space<vmem>>, vector<256x1536xf32>
      %le3A_1308 = vector.broadcast %bitcast_convert_type3A_1191 : f32 to vector<256x1536xf32>
      %le3A_1309 = arith.cmpf ole, %get3A_1307, %le3A_1308 : vector<256x1536xf32>
      %convert_element_type3A_1310 = arith.extui %le3A_1309 : vector<256x1536xi1> to vector<256x1536xi32>
      %convert_element_type3A_1311 = arith.sitofp %convert_element_type3A_1310 : vector<256x1536xi32> to vector<256x1536xf32>
      %reduce_sum3A_1312 = vector.shape_cast %convert_element_type3A_1311 : vector<256x1536xf32> to vector<1x256x1536xf32>
      %reduce_sum3A_1313 = arith.constant dense<0.000000e+00> : vector<1xf32>
      %reduce_sum3A_1314 = vector.multi_reduction <add>, %reduce_sum3A_1312, %reduce_sum3A_1313 [1, 2] : vector<1x256x1536xf32> to vector<1xf32>
      %reduce_sum3A_1315 = vector.shape_cast %reduce_sum3A_1314 : vector<1xf32> to vector<1x1x1xf32>
      %reduce_sum3A_1316 = vector.extract %reduce_sum3A_1315[0, 0, 0] : f32 from vector<1x1x1xf32>
      %mul3A_1317 = arith.constant 2.000000e+00 : f32
      %mul3A_1318 = arith.mulf %mul3A_1317, %reduce_sum3A_1316 : f32
      %add3A_1319 = arith.addf %add3A_1291, %mul3A_1318 : f32
      %le3A_1320 = vector.broadcast %bitcast_convert_type3A_1192 : f32 to vector<256x1536xf32>
      %le3A_1321 = arith.cmpf ole, %get3A_1307, %le3A_1320 : vector<256x1536xf32>
      %convert_element_type3A_1322 = arith.extui %le3A_1321 : vector<256x1536xi1> to vector<256x1536xi32>
      %convert_element_type3A_1323 = arith.sitofp %convert_element_type3A_1322 : vector<256x1536xi32> to vector<256x1536xf32>
      %reduce_sum3A_1324 = vector.shape_cast %convert_element_type3A_1323 : vector<256x1536xf32> to vector<1x256x1536xf32>
      %reduce_sum3A_1325 = arith.constant dense<0.000000e+00> : vector<1xf32>
      %reduce_sum3A_1326 = vector.multi_reduction <add>, %reduce_sum3A_1324, %reduce_sum3A_1325 [1, 2] : vector<1x256x1536xf32> to vector<1xf32>
      %reduce_sum3A_1327 = vector.shape_cast %reduce_sum3A_1326 : vector<1xf32> to vector<1x1x1xf32>
      %reduce_sum3A_1328 = vector.extract %reduce_sum3A_1327[0, 0, 0] : f32 from vector<1x1x1xf32>
      %mul3A_1329 = arith.constant 2.000000e+00 : f32
      %mul3A_1330 = arith.mulf %mul3A_1329, %reduce_sum3A_1328 : f32
      %add3A_1331 = arith.addf %add3A_1304, %mul3A_1330 : f32
      %get3A_1332 = arith.constant 512 : index
      %get3A_1333 = arith.constant 512 : index
      %get3A_1334 = vector.load %arg3[%get3A_1332, %get3A_1333] : memref<2048x2048xf32, #tpu.memory_space<vmem>>, vector<256x256xf32>
      %iota3A_1335 = tpu.iota {dimensions = array<i32: 0>} : vector<256x256xi32>
      %iota3A_1336 = tpu.iota {dimensions = array<i32: 1>} : vector<256x256xi32>
      %gt3A_1337 = arith.cmpi sgt, %iota3A_1336, %iota3A_1335 : vector<256x256xi32>
      %le3A_1338 = vector.broadcast %bitcast_convert_type3A_1191 : f32 to vector<256x256xf32>
      %le3A_1339 = arith.cmpf ole, %get3A_1334, %le3A_1338 : vector<256x256xf32>
      %and3A_1340 = arith.andi %le3A_1339, %gt3A_1337 : vector<256x256xi1>
      %convert_element_type3A_1341 = arith.extui %and3A_1340 : vector<256x256xi1> to vector<256x256xi32>
      %convert_element_type3A_1342 = arith.sitofp %convert_element_type3A_1341 : vector<256x256xi32> to vector<256x256xf32>
      %reduce_sum3A_1343 = vector.shape_cast %convert_element_type3A_1342 : vector<256x256xf32> to vector<1x256x256xf32>
      %reduce_sum3A_1344 = arith.constant dense<0.000000e+00> : vector<1xf32>
      %reduce_sum3A_1345 = vector.multi_reduction <add>, %reduce_sum3A_1343, %reduce_sum3A_1344 [1, 2] : vector<1x256x256xf32> to vector<1xf32>
      %reduce_sum3A_1346 = vector.shape_cast %reduce_sum3A_1345 : vector<1xf32> to vector<1x1x1xf32>
      %reduce_sum3A_1347 = vector.extract %reduce_sum3A_1346[0, 0, 0] : f32 from vector<1x1x1xf32>
      %mul3A_1348 = arith.constant 2.000000e+00 : f32
      %mul3A_1349 = arith.mulf %mul3A_1348, %reduce_sum3A_1347 : f32
      %add3A_1350 = arith.addf %add3A_1319, %mul3A_1349 : f32
      %le3A_1351 = vector.broadcast %bitcast_convert_type3A_1192 : f32 to vector<256x256xf32>
      %le3A_1352 = arith.cmpf ole, %get3A_1334, %le3A_1351 : vector<256x256xf32>
      %and3A_1353 = arith.andi %le3A_1352, %gt3A_1337 : vector<256x256xi1>
      %convert_element_type3A_1354 = arith.extui %and3A_1353 : vector<256x256xi1> to vector<256x256xi32>
      %convert_element_type3A_1355 = arith.sitofp %convert_element_type3A_1354 : vector<256x256xi32> to vector<256x256xf32>
      %reduce_sum3A_1356 = vector.shape_cast %convert_element_type3A_1355 : vector<256x256xf32> to vector<1x256x256xf32>
      %reduce_sum3A_1357 = arith.constant dense<0.000000e+00> : vector<1xf32>
      %reduce_sum3A_1358 = vector.multi_reduction <add>, %reduce_sum3A_1356, %reduce_sum3A_1357 [1, 2] : vector<1x256x256xf32> to vector<1xf32>
      %reduce_sum3A_1359 = vector.shape_cast %reduce_sum3A_1358 : vector<1xf32> to vector<1x1x1xf32>
      %reduce_sum3A_1360 = vector.extract %reduce_sum3A_1359[0, 0, 0] : f32 from vector<1x1x1xf32>
      %mul3A_1361 = arith.constant 2.000000e+00 : f32
      %mul3A_1362 = arith.mulf %mul3A_1361, %reduce_sum3A_1360 : f32
      %add3A_1363 = arith.addf %add3A_1331, %mul3A_1362 : f32
      %get3A_1364 = arith.constant 512 : index
      %get3A_1365 = arith.constant 768 : index
      %get3A_1366 = vector.load %arg3[%get3A_1364, %get3A_1365] : memref<2048x2048xf32, #tpu.memory_space<vmem>>, vector<256x1280xf32>
      %le3A_1367 = vector.broadcast %bitcast_convert_type3A_1191 : f32 to vector<256x1280xf32>
      %le3A_1368 = arith.cmpf ole, %get3A_1366, %le3A_1367 : vector<256x1280xf32>
      %convert_element_type3A_1369 = arith.extui %le3A_1368 : vector<256x1280xi1> to vector<256x1280xi32>
      %convert_element_type3A_1370 = arith.sitofp %convert_element_type3A_1369 : vector<256x1280xi32> to vector<256x1280xf32>
      %reduce_sum3A_1371 = vector.shape_cast %convert_element_type3A_1370 : vector<256x1280xf32> to vector<1x256x1280xf32>
      %reduce_sum3A_1372 = arith.constant dense<0.000000e+00> : vector<1xf32>
      %reduce_sum3A_1373 = vector.multi_reduction <add>, %reduce_sum3A_1371, %reduce_sum3A_1372 [1, 2] : vector<1x256x1280xf32> to vector<1xf32>
      %reduce_sum3A_1374 = vector.shape_cast %reduce_sum3A_1373 : vector<1xf32> to vector<1x1x1xf32>
      %reduce_sum3A_1375 = vector.extract %reduce_sum3A_1374[0, 0, 0] : f32 from vector<1x1x1xf32>
      %mul3A_1376 = arith.constant 2.000000e+00 : f32
      %mul3A_1377 = arith.mulf %mul3A_1376, %reduce_sum3A_1375 : f32
      %add3A_1378 = arith.addf %add3A_1350, %mul3A_1377 : f32
      %le3A_1379 = vector.broadcast %bitcast_convert_type3A_1192 : f32 to vector<256x1280xf32>
      %le3A_1380 = arith.cmpf ole, %get3A_1366, %le3A_1379 : vector<256x1280xf32>
      %convert_element_type3A_1381 = arith.extui %le3A_1380 : vector<256x1280xi1> to vector<256x1280xi32>
      %convert_element_type3A_1382 = arith.sitofp %convert_element_type3A_1381 : vector<256x1280xi32> to vector<256x1280xf32>
      %reduce_sum3A_1383 = vector.shape_cast %convert_element_type3A_1382 : vector<256x1280xf32> to vector<1x256x1280xf32>
      %reduce_sum3A_1384 = arith.constant dense<0.000000e+00> : vector<1xf32>
      %reduce_sum3A_1385 = vector.multi_reduction <add>, %reduce_sum3A_1383, %reduce_sum3A_1384 [1, 2] : vector<1x256x1280xf32> to vector<1xf32>
      %reduce_sum3A_1386 = vector.shape_cast %reduce_sum3A_1385 : vector<1xf32> to vector<1x1x1xf32>
      %reduce_sum3A_1387 = vector.extract %reduce_sum3A_1386[0, 0, 0] : f32 from vector<1x1x1xf32>
      %mul3A_1388 = arith.constant 2.000000e+00 : f32
      %mul3A_1389 = arith.mulf %mul3A_1388, %reduce_sum3A_1387 : f32
      %add3A_1390 = arith.addf %add3A_1363, %mul3A_1389 : f32
      %get3A_1391 = arith.constant 768 : index
      %get3A_1392 = arith.constant 768 : index
      %get3A_1393 = vector.load %arg3[%get3A_1391, %get3A_1392] : memref<2048x2048xf32, #tpu.memory_space<vmem>>, vector<256x256xf32>
      %iota3A_1394 = tpu.iota {dimensions = array<i32: 0>} : vector<256x256xi32>
      %iota3A_1395 = tpu.iota {dimensions = array<i32: 1>} : vector<256x256xi32>
      %gt3A_1396 = arith.cmpi sgt, %iota3A_1395, %iota3A_1394 : vector<256x256xi32>
      %le3A_1397 = vector.broadcast %bitcast_convert_type3A_1191 : f32 to vector<256x256xf32>
      %le3A_1398 = arith.cmpf ole, %get3A_1393, %le3A_1397 : vector<256x256xf32>
      %and3A_1399 = arith.andi %le3A_1398, %gt3A_1396 : vector<256x256xi1>
      %convert_element_type3A_1400 = arith.extui %and3A_1399 : vector<256x256xi1> to vector<256x256xi32>
      %convert_element_type3A_1401 = arith.sitofp %convert_element_type3A_1400 : vector<256x256xi32> to vector<256x256xf32>
      %reduce_sum3A_1402 = vector.shape_cast %convert_element_type3A_1401 : vector<256x256xf32> to vector<1x256x256xf32>
      %reduce_sum3A_1403 = arith.constant dense<0.000000e+00> : vector<1xf32>
      %reduce_sum3A_1404 = vector.multi_reduction <add>, %reduce_sum3A_1402, %reduce_sum3A_1403 [1, 2] : vector<1x256x256xf32> to vector<1xf32>
      %reduce_sum3A_1405 = vector.shape_cast %reduce_sum3A_1404 : vector<1xf32> to vector<1x1x1xf32>
      %reduce_sum3A_1406 = vector.extract %reduce_sum3A_1405[0, 0, 0] : f32 from vector<1x1x1xf32>
      %mul3A_1407 = arith.constant 2.000000e+00 : f32
      %mul3A_1408 = arith.mulf %mul3A_1407, %reduce_sum3A_1406 : f32
      %add3A_1409 = arith.addf %add3A_1378, %mul3A_1408 : f32
      %le3A_1410 = vector.broadcast %bitcast_convert_type3A_1192 : f32 to vector<256x256xf32>
      %le3A_1411 = arith.cmpf ole, %get3A_1393, %le3A_1410 : vector<256x256xf32>
      %and3A_1412 = arith.andi %le3A_1411, %gt3A_1396 : vector<256x256xi1>
      %convert_element_type3A_1413 = arith.extui %and3A_1412 : vector<256x256xi1> to vector<256x256xi32>
      %convert_element_type3A_1414 = arith.sitofp %convert_element_type3A_1413 : vector<256x256xi32> to vector<256x256xf32>
      %reduce_sum3A_1415 = vector.shape_cast %convert_element_type3A_1414 : vector<256x256xf32> to vector<1x256x256xf32>
      %reduce_sum3A_1416 = arith.constant dense<0.000000e+00> : vector<1xf32>
      %reduce_sum3A_1417 = vector.multi_reduction <add>, %reduce_sum3A_1415, %reduce_sum3A_1416 [1, 2] : vector<1x256x256xf32> to vector<1xf32>
      %reduce_sum3A_1418 = vector.shape_cast %reduce_sum3A_1417 : vector<1xf32> to vector<1x1x1xf32>
      %reduce_sum3A_1419 = vector.extract %reduce_sum3A_1418[0, 0, 0] : f32 from vector<1x1x1xf32>
      %mul3A_1420 = arith.constant 2.000000e+00 : f32
      %mul3A_1421 = arith.mulf %mul3A_1420, %reduce_sum3A_1419 : f32
      %add3A_1422 = arith.addf %add3A_1390, %mul3A_1421 : f32
      %get3A_1423 = arith.constant 768 : index
      %get3A_1424 = arith.constant 1024 : index
      %get3A_1425 = vector.load %arg3[%get3A_1423, %get3A_1424] : memref<2048x2048xf32, #tpu.memory_space<vmem>>, vector<256x1024xf32>
      %le3A_1426 = vector.broadcast %bitcast_convert_type3A_1191 : f32 to vector<256x1024xf32>
      %le3A_1427 = arith.cmpf ole, %get3A_1425, %le3A_1426 : vector<256x1024xf32>
      %convert_element_type3A_1428 = arith.extui %le3A_1427 : vector<256x1024xi1> to vector<256x1024xi32>
      %convert_element_type3A_1429 = arith.sitofp %convert_element_type3A_1428 : vector<256x1024xi32> to vector<256x1024xf32>
      %reduce_sum3A_1430 = vector.shape_cast %convert_element_type3A_1429 : vector<256x1024xf32> to vector<1x256x1024xf32>
      %reduce_sum3A_1431 = arith.constant dense<0.000000e+00> : vector<1xf32>
      %reduce_sum3A_1432 = vector.multi_reduction <add>, %reduce_sum3A_1430, %reduce_sum3A_1431 [1, 2] : vector<1x256x1024xf32> to vector<1xf32>
      %reduce_sum3A_1433 = vector.shape_cast %reduce_sum3A_1432 : vector<1xf32> to vector<1x1x1xf32>
      %reduce_sum3A_1434 = vector.extract %reduce_sum3A_1433[0, 0, 0] : f32 from vector<1x1x1xf32>
      %mul3A_1435 = arith.constant 2.000000e+00 : f32
      %mul3A_1436 = arith.mulf %mul3A_1435, %reduce_sum3A_1434 : f32
      %add3A_1437 = arith.addf %add3A_1409, %mul3A_1436 : f32
      %le3A_1438 = vector.broadcast %bitcast_convert_type3A_1192 : f32 to vector<256x1024xf32>
      %le3A_1439 = arith.cmpf ole, %get3A_1425, %le3A_1438 : vector<256x1024xf32>
      %convert_element_type3A_1440 = arith.extui %le3A_1439 : vector<256x1024xi1> to vector<256x1024xi32>
      %convert_element_type3A_1441 = arith.sitofp %convert_element_type3A_1440 : vector<256x1024xi32> to vector<256x1024xf32>
      %reduce_sum3A_1442 = vector.shape_cast %convert_element_type3A_1441 : vector<256x1024xf32> to vector<1x256x1024xf32>
      %reduce_sum3A_1443 = arith.constant dense<0.000000e+00> : vector<1xf32>
      %reduce_sum3A_1444 = vector.multi_reduction <add>, %reduce_sum3A_1442, %reduce_sum3A_1443 [1, 2] : vector<1x256x1024xf32> to vector<1xf32>
      %reduce_sum3A_1445 = vector.shape_cast %reduce_sum3A_1444 : vector<1xf32> to vector<1x1x1xf32>
      %reduce_sum3A_1446 = vector.extract %reduce_sum3A_1445[0, 0, 0] : f32 from vector<1x1x1xf32>
      %mul3A_1447 = arith.constant 2.000000e+00 : f32
      %mul3A_1448 = arith.mulf %mul3A_1447, %reduce_sum3A_1446 : f32
      %add3A_1449 = arith.addf %add3A_1422, %mul3A_1448 : f32
      %get3A_1450 = arith.constant 1024 : index
      %get3A_1451 = arith.constant 1024 : index
      %get3A_1452 = vector.load %arg3[%get3A_1450, %get3A_1451] : memref<2048x2048xf32, #tpu.memory_space<vmem>>, vector<256x256xf32>
      %iota3A_1453 = tpu.iota {dimensions = array<i32: 0>} : vector<256x256xi32>
      %iota3A_1454 = tpu.iota {dimensions = array<i32: 1>} : vector<256x256xi32>
      %gt3A_1455 = arith.cmpi sgt, %iota3A_1454, %iota3A_1453 : vector<256x256xi32>
      %le3A_1456 = vector.broadcast %bitcast_convert_type3A_1191 : f32 to vector<256x256xf32>
      %le3A_1457 = arith.cmpf ole, %get3A_1452, %le3A_1456 : vector<256x256xf32>
      %and3A_1458 = arith.andi %le3A_1457, %gt3A_1455 : vector<256x256xi1>
      %convert_element_type3A_1459 = arith.extui %and3A_1458 : vector<256x256xi1> to vector<256x256xi32>
      %convert_element_type3A_1460 = arith.sitofp %convert_element_type3A_1459 : vector<256x256xi32> to vector<256x256xf32>
      %reduce_sum3A_1461 = vector.shape_cast %convert_element_type3A_1460 : vector<256x256xf32> to vector<1x256x256xf32>
      %reduce_sum3A_1462 = arith.constant dense<0.000000e+00> : vector<1xf32>
      %reduce_sum3A_1463 = vector.multi_reduction <add>, %reduce_sum3A_1461, %reduce_sum3A_1462 [1, 2] : vector<1x256x256xf32> to vector<1xf32>
      %reduce_sum3A_1464 = vector.shape_cast %reduce_sum3A_1463 : vector<1xf32> to vector<1x1x1xf32>
      %reduce_sum3A_1465 = vector.extract %reduce_sum3A_1464[0, 0, 0] : f32 from vector<1x1x1xf32>
      %mul3A_1466 = arith.constant 2.000000e+00 : f32
      %mul3A_1467 = arith.mulf %mul3A_1466, %reduce_sum3A_1465 : f32
      %add3A_1468 = arith.addf %add3A_1437, %mul3A_1467 : f32
      %le3A_1469 = vector.broadcast %bitcast_convert_type3A_1192 : f32 to vector<256x256xf32>
      %le3A_1470 = arith.cmpf ole, %get3A_1452, %le3A_1469 : vector<256x256xf32>
      %and3A_1471 = arith.andi %le3A_1470, %gt3A_1455 : vector<256x256xi1>
      %convert_element_type3A_1472 = arith.extui %and3A_1471 : vector<256x256xi1> to vector<256x256xi32>
      %convert_element_type3A_1473 = arith.sitofp %convert_element_type3A_1472 : vector<256x256xi32> to vector<256x256xf32>
      %reduce_sum3A_1474 = vector.shape_cast %convert_element_type3A_1473 : vector<256x256xf32> to vector<1x256x256xf32>
      %reduce_sum3A_1475 = arith.constant dense<0.000000e+00> : vector<1xf32>
      %reduce_sum3A_1476 = vector.multi_reduction <add>, %reduce_sum3A_1474, %reduce_sum3A_1475 [1, 2] : vector<1x256x256xf32> to vector<1xf32>
      %reduce_sum3A_1477 = vector.shape_cast %reduce_sum3A_1476 : vector<1xf32> to vector<1x1x1xf32>
      %reduce_sum3A_1478 = vector.extract %reduce_sum3A_1477[0, 0, 0] : f32 from vector<1x1x1xf32>
      %mul3A_1479 = arith.constant 2.000000e+00 : f32
      %mul3A_1480 = arith.mulf %mul3A_1479, %reduce_sum3A_1478 : f32
      %add3A_1481 = arith.addf %add3A_1449, %mul3A_1480 : f32
      %get3A_1482 = arith.constant 1024 : index
      %get3A_1483 = arith.constant 1280 : index
      %get3A_1484 = vector.load %arg3[%get3A_1482, %get3A_1483] : memref<2048x2048xf32, #tpu.memory_space<vmem>>, vector<256x768xf32>
      %le3A_1485 = vector.broadcast %bitcast_convert_type3A_1191 : f32 to vector<256x768xf32>
      %le3A_1486 = arith.cmpf ole, %get3A_1484, %le3A_1485 : vector<256x768xf32>
      %convert_element_type3A_1487 = arith.extui %le3A_1486 : vector<256x768xi1> to vector<256x768xi32>
      %convert_element_type3A_1488 = arith.sitofp %convert_element_type3A_1487 : vector<256x768xi32> to vector<256x768xf32>
      %reduce_sum3A_1489 = vector.shape_cast %convert_element_type3A_1488 : vector<256x768xf32> to vector<1x256x768xf32>
      %reduce_sum3A_1490 = arith.constant dense<0.000000e+00> : vector<1xf32>
      %reduce_sum3A_1491 = vector.multi_reduction <add>, %reduce_sum3A_1489, %reduce_sum3A_1490 [1, 2] : vector<1x256x768xf32> to vector<1xf32>
      %reduce_sum3A_1492 = vector.shape_cast %reduce_sum3A_1491 : vector<1xf32> to vector<1x1x1xf32>
      %reduce_sum3A_1493 = vector.extract %reduce_sum3A_1492[0, 0, 0] : f32 from vector<1x1x1xf32>
      %mul3A_1494 = arith.constant 2.000000e+00 : f32
      %mul3A_1495 = arith.mulf %mul3A_1494, %reduce_sum3A_1493 : f32
      %add3A_1496 = arith.addf %add3A_1468, %mul3A_1495 : f32
      %le3A_1497 = vector.broadcast %bitcast_convert_type3A_1192 : f32 to vector<256x768xf32>
      %le3A_1498 = arith.cmpf ole, %get3A_1484, %le3A_1497 : vector<256x768xf32>
      %convert_element_type3A_1499 = arith.extui %le3A_1498 : vector<256x768xi1> to vector<256x768xi32>
      %convert_element_type3A_1500 = arith.sitofp %convert_element_type3A_1499 : vector<256x768xi32> to vector<256x768xf32>
      %reduce_sum3A_1501 = vector.shape_cast %convert_element_type3A_1500 : vector<256x768xf32> to vector<1x256x768xf32>
      %reduce_sum3A_1502 = arith.constant dense<0.000000e+00> : vector<1xf32>
      %reduce_sum3A_1503 = vector.multi_reduction <add>, %reduce_sum3A_1501, %reduce_sum3A_1502 [1, 2] : vector<1x256x768xf32> to vector<1xf32>
      %reduce_sum3A_1504 = vector.shape_cast %reduce_sum3A_1503 : vector<1xf32> to vector<1x1x1xf32>
      %reduce_sum3A_1505 = vector.extract %reduce_sum3A_1504[0, 0, 0] : f32 from vector<1x1x1xf32>
      %mul3A_1506 = arith.constant 2.000000e+00 : f32
      %mul3A_1507 = arith.mulf %mul3A_1506, %reduce_sum3A_1505 : f32
      %add3A_1508 = arith.addf %add3A_1481, %mul3A_1507 : f32
      %get3A_1509 = arith.constant 1280 : index
      %get3A_1510 = arith.constant 1280 : index
      %get3A_1511 = vector.load %arg3[%get3A_1509, %get3A_1510] : memref<2048x2048xf32, #tpu.memory_space<vmem>>, vector<256x256xf32>
      %iota3A_1512 = tpu.iota {dimensions = array<i32: 0>} : vector<256x256xi32>
      %iota3A_1513 = tpu.iota {dimensions = array<i32: 1>} : vector<256x256xi32>
      %gt3A_1514 = arith.cmpi sgt, %iota3A_1513, %iota3A_1512 : vector<256x256xi32>
      %le3A_1515 = vector.broadcast %bitcast_convert_type3A_1191 : f32 to vector<256x256xf32>
      %le3A_1516 = arith.cmpf ole, %get3A_1511, %le3A_1515 : vector<256x256xf32>
      %and3A_1517 = arith.andi %le3A_1516, %gt3A_1514 : vector<256x256xi1>
      %convert_element_type3A_1518 = arith.extui %and3A_1517 : vector<256x256xi1> to vector<256x256xi32>
      %convert_element_type3A_1519 = arith.sitofp %convert_element_type3A_1518 : vector<256x256xi32> to vector<256x256xf32>
      %reduce_sum3A_1520 = vector.shape_cast %convert_element_type3A_1519 : vector<256x256xf32> to vector<1x256x256xf32>
      %reduce_sum3A_1521 = arith.constant dense<0.000000e+00> : vector<1xf32>
      %reduce_sum3A_1522 = vector.multi_reduction <add>, %reduce_sum3A_1520, %reduce_sum3A_1521 [1, 2] : vector<1x256x256xf32> to vector<1xf32>
      %reduce_sum3A_1523 = vector.shape_cast %reduce_sum3A_1522 : vector<1xf32> to vector<1x1x1xf32>
      %reduce_sum3A_1524 = vector.extract %reduce_sum3A_1523[0, 0, 0] : f32 from vector<1x1x1xf32>
      %mul3A_1525 = arith.constant 2.000000e+00 : f32
      %mul3A_1526 = arith.mulf %mul3A_1525, %reduce_sum3A_1524 : f32
      %add3A_1527 = arith.addf %add3A_1496, %mul3A_1526 : f32
      %le3A_1528 = vector.broadcast %bitcast_convert_type3A_1192 : f32 to vector<256x256xf32>
      %le3A_1529 = arith.cmpf ole, %get3A_1511, %le3A_1528 : vector<256x256xf32>
      %and3A_1530 = arith.andi %le3A_1529, %gt3A_1514 : vector<256x256xi1>
      %convert_element_type3A_1531 = arith.extui %and3A_1530 : vector<256x256xi1> to vector<256x256xi32>
      %convert_element_type3A_1532 = arith.sitofp %convert_element_type3A_1531 : vector<256x256xi32> to vector<256x256xf32>
      %reduce_sum3A_1533 = vector.shape_cast %convert_element_type3A_1532 : vector<256x256xf32> to vector<1x256x256xf32>
      %reduce_sum3A_1534 = arith.constant dense<0.000000e+00> : vector<1xf32>
      %reduce_sum3A_1535 = vector.multi_reduction <add>, %reduce_sum3A_1533, %reduce_sum3A_1534 [1, 2] : vector<1x256x256xf32> to vector<1xf32>
      %reduce_sum3A_1536 = vector.shape_cast %reduce_sum3A_1535 : vector<1xf32> to vector<1x1x1xf32>
      %reduce_sum3A_1537 = vector.extract %reduce_sum3A_1536[0, 0, 0] : f32 from vector<1x1x1xf32>
      %mul3A_1538 = arith.constant 2.000000e+00 : f32
      %mul3A_1539 = arith.mulf %mul3A_1538, %reduce_sum3A_1537 : f32
      %add3A_1540 = arith.addf %add3A_1508, %mul3A_1539 : f32
      %get3A_1541 = arith.constant 1280 : index
      %get3A_1542 = arith.constant 1536 : index
      %get3A_1543 = vector.load %arg3[%get3A_1541, %get3A_1542] : memref<2048x2048xf32, #tpu.memory_space<vmem>>, vector<256x512xf32>
      %le3A_1544 = vector.broadcast %bitcast_convert_type3A_1191 : f32 to vector<256x512xf32>
      %le3A_1545 = arith.cmpf ole, %get3A_1543, %le3A_1544 : vector<256x512xf32>
      %convert_element_type3A_1546 = arith.extui %le3A_1545 : vector<256x512xi1> to vector<256x512xi32>
      %convert_element_type3A_1547 = arith.sitofp %convert_element_type3A_1546 : vector<256x512xi32> to vector<256x512xf32>
      %reduce_sum3A_1548 = vector.shape_cast %convert_element_type3A_1547 : vector<256x512xf32> to vector<1x256x512xf32>
      %reduce_sum3A_1549 = arith.constant dense<0.000000e+00> : vector<1xf32>
      %reduce_sum3A_1550 = vector.multi_reduction <add>, %reduce_sum3A_1548, %reduce_sum3A_1549 [1, 2] : vector<1x256x512xf32> to vector<1xf32>
      %reduce_sum3A_1551 = vector.shape_cast %reduce_sum3A_1550 : vector<1xf32> to vector<1x1x1xf32>
      %reduce_sum3A_1552 = vector.extract %reduce_sum3A_1551[0, 0, 0] : f32 from vector<1x1x1xf32>
      %mul3A_1553 = arith.constant 2.000000e+00 : f32
      %mul3A_1554 = arith.mulf %mul3A_1553, %reduce_sum3A_1552 : f32
      %add3A_1555 = arith.addf %add3A_1527, %mul3A_1554 : f32
      %le3A_1556 = vector.broadcast %bitcast_convert_type3A_1192 : f32 to vector<256x512xf32>
      %le3A_1557 = arith.cmpf ole, %get3A_1543, %le3A_1556 : vector<256x512xf32>
      %convert_element_type3A_1558 = arith.extui %le3A_1557 : vector<256x512xi1> to vector<256x512xi32>
      %convert_element_type3A_1559 = arith.sitofp %convert_element_type3A_1558 : vector<256x512xi32> to vector<256x512xf32>
      %reduce_sum3A_1560 = vector.shape_cast %convert_element_type3A_1559 : vector<256x512xf32> to vector<1x256x512xf32>
      %reduce_sum3A_1561 = arith.constant dense<0.000000e+00> : vector<1xf32>
      %reduce_sum3A_1562 = vector.multi_reduction <add>, %reduce_sum3A_1560, %reduce_sum3A_1561 [1, 2] : vector<1x256x512xf32> to vector<1xf32>
      %reduce_sum3A_1563 = vector.shape_cast %reduce_sum3A_1562 : vector<1xf32> to vector<1x1x1xf32>
      %reduce_sum3A_1564 = vector.extract %reduce_sum3A_1563[0, 0, 0] : f32 from vector<1x1x1xf32>
      %mul3A_1565 = arith.constant 2.000000e+00 : f32
      %mul3A_1566 = arith.mulf %mul3A_1565, %reduce_sum3A_1564 : f32
      %add3A_1567 = arith.addf %add3A_1540, %mul3A_1566 : f32
      %get3A_1568 = arith.constant 1536 : index
      %get3A_1569 = arith.constant 1536 : index
      %get3A_1570 = vector.load %arg3[%get3A_1568, %get3A_1569] : memref<2048x2048xf32, #tpu.memory_space<vmem>>, vector<256x256xf32>
      %iota3A_1571 = tpu.iota {dimensions = array<i32: 0>} : vector<256x256xi32>
      %iota3A_1572 = tpu.iota {dimensions = array<i32: 1>} : vector<256x256xi32>
      %gt3A_1573 = arith.cmpi sgt, %iota3A_1572, %iota3A_1571 : vector<256x256xi32>
      %le3A_1574 = vector.broadcast %bitcast_convert_type3A_1191 : f32 to vector<256x256xf32>
      %le3A_1575 = arith.cmpf ole, %get3A_1570, %le3A_1574 : vector<256x256xf32>
      %and3A_1576 = arith.andi %le3A_1575, %gt3A_1573 : vector<256x256xi1>
      %convert_element_type3A_1577 = arith.extui %and3A_1576 : vector<256x256xi1> to vector<256x256xi32>
      %convert_element_type3A_1578 = arith.sitofp %convert_element_type3A_1577 : vector<256x256xi32> to vector<256x256xf32>
      %reduce_sum3A_1579 = vector.shape_cast %convert_element_type3A_1578 : vector<256x256xf32> to vector<1x256x256xf32>
      %reduce_sum3A_1580 = arith.constant dense<0.000000e+00> : vector<1xf32>
      %reduce_sum3A_1581 = vector.multi_reduction <add>, %reduce_sum3A_1579, %reduce_sum3A_1580 [1, 2] : vector<1x256x256xf32> to vector<1xf32>
      %reduce_sum3A_1582 = vector.shape_cast %reduce_sum3A_1581 : vector<1xf32> to vector<1x1x1xf32>
      %reduce_sum3A_1583 = vector.extract %reduce_sum3A_1582[0, 0, 0] : f32 from vector<1x1x1xf32>
      %mul3A_1584 = arith.constant 2.000000e+00 : f32
      %mul3A_1585 = arith.mulf %mul3A_1584, %reduce_sum3A_1583 : f32
      %add3A_1586 = arith.addf %add3A_1555, %mul3A_1585 : f32
      %le3A_1587 = vector.broadcast %bitcast_convert_type3A_1192 : f32 to vector<256x256xf32>
      %le3A_1588 = arith.cmpf ole, %get3A_1570, %le3A_1587 : vector<256x256xf32>
      %and3A_1589 = arith.andi %le3A_1588, %gt3A_1573 : vector<256x256xi1>
      %convert_element_type3A_1590 = arith.extui %and3A_1589 : vector<256x256xi1> to vector<256x256xi32>
      %convert_element_type3A_1591 = arith.sitofp %convert_element_type3A_1590 : vector<256x256xi32> to vector<256x256xf32>
      %reduce_sum3A_1592 = vector.shape_cast %convert_element_type3A_1591 : vector<256x256xf32> to vector<1x256x256xf32>
      %reduce_sum3A_1593 = arith.constant dense<0.000000e+00> : vector<1xf32>
      %reduce_sum3A_1594 = vector.multi_reduction <add>, %reduce_sum3A_1592, %reduce_sum3A_1593 [1, 2] : vector<1x256x256xf32> to vector<1xf32>
      %reduce_sum3A_1595 = vector.shape_cast %reduce_sum3A_1594 : vector<1xf32> to vector<1x1x1xf32>
      %reduce_sum3A_1596 = vector.extract %reduce_sum3A_1595[0, 0, 0] : f32 from vector<1x1x1xf32>
      %mul3A_1597 = arith.constant 2.000000e+00 : f32
      %mul3A_1598 = arith.mulf %mul3A_1597, %reduce_sum3A_1596 : f32
      %add3A_1599 = arith.addf %add3A_1567, %mul3A_1598 : f32
      %get3A_1600 = arith.constant 1536 : index
      %get3A_1601 = arith.constant 1792 : index
      %get3A_1602 = vector.load %arg3[%get3A_1600, %get3A_1601] : memref<2048x2048xf32, #tpu.memory_space<vmem>>, vector<256x256xf32>
      %le3A_1603 = vector.broadcast %bitcast_convert_type3A_1191 : f32 to vector<256x256xf32>
      %le3A_1604 = arith.cmpf ole, %get3A_1602, %le3A_1603 : vector<256x256xf32>
      %convert_element_type3A_1605 = arith.extui %le3A_1604 : vector<256x256xi1> to vector<256x256xi32>
      %convert_element_type3A_1606 = arith.sitofp %convert_element_type3A_1605 : vector<256x256xi32> to vector<256x256xf32>
      %reduce_sum3A_1607 = vector.shape_cast %convert_element_type3A_1606 : vector<256x256xf32> to vector<1x256x256xf32>
      %reduce_sum3A_1608 = arith.constant dense<0.000000e+00> : vector<1xf32>
      %reduce_sum3A_1609 = vector.multi_reduction <add>, %reduce_sum3A_1607, %reduce_sum3A_1608 [1, 2] : vector<1x256x256xf32> to vector<1xf32>
      %reduce_sum3A_1610 = vector.shape_cast %reduce_sum3A_1609 : vector<1xf32> to vector<1x1x1xf32>
      %reduce_sum3A_1611 = vector.extract %reduce_sum3A_1610[0, 0, 0] : f32 from vector<1x1x1xf32>
      %mul3A_1612 = arith.constant 2.000000e+00 : f32
      %mul3A_1613 = arith.mulf %mul3A_1612, %reduce_sum3A_1611 : f32
      %add3A_1614 = arith.addf %add3A_1586, %mul3A_1613 : f32
      %le3A_1615 = vector.broadcast %bitcast_convert_type3A_1192 : f32 to vector<256x256xf32>
      %le3A_1616 = arith.cmpf ole, %get3A_1602, %le3A_1615 : vector<256x256xf32>
      %convert_element_type3A_1617 = arith.extui %le3A_1616 : vector<256x256xi1> to vector<256x256xi32>
      %convert_element_type3A_1618 = arith.sitofp %convert_element_type3A_1617 : vector<256x256xi32> to vector<256x256xf32>
      %reduce_sum3A_1619 = vector.shape_cast %convert_element_type3A_1618 : vector<256x256xf32> to vector<1x256x256xf32>
      %reduce_sum3A_1620 = arith.constant dense<0.000000e+00> : vector<1xf32>
      %reduce_sum3A_1621 = vector.multi_reduction <add>, %reduce_sum3A_1619, %reduce_sum3A_1620 [1, 2] : vector<1x256x256xf32> to vector<1xf32>
      %reduce_sum3A_1622 = vector.shape_cast %reduce_sum3A_1621 : vector<1xf32> to vector<1x1x1xf32>
      %reduce_sum3A_1623 = vector.extract %reduce_sum3A_1622[0, 0, 0] : f32 from vector<1x1x1xf32>
      %mul3A_1624 = arith.constant 2.000000e+00 : f32
      %mul3A_1625 = arith.mulf %mul3A_1624, %reduce_sum3A_1623 : f32
      %add3A_1626 = arith.addf %add3A_1599, %mul3A_1625 : f32
      %get3A_1627 = arith.constant 1792 : index
      %get3A_1628 = arith.constant 1792 : index
      %get3A_1629 = vector.load %arg3[%get3A_1627, %get3A_1628] : memref<2048x2048xf32, #tpu.memory_space<vmem>>, vector<256x256xf32>
      %iota3A_1630 = tpu.iota {dimensions = array<i32: 0>} : vector<256x256xi32>
      %iota3A_1631 = tpu.iota {dimensions = array<i32: 1>} : vector<256x256xi32>
      %gt3A_1632 = arith.cmpi sgt, %iota3A_1631, %iota3A_1630 : vector<256x256xi32>
      %le3A_1633 = vector.broadcast %bitcast_convert_type3A_1191 : f32 to vector<256x256xf32>
      %le3A_1634 = arith.cmpf ole, %get3A_1629, %le3A_1633 : vector<256x256xf32>
      %and3A_1635 = arith.andi %le3A_1634, %gt3A_1632 : vector<256x256xi1>
      %convert_element_type3A_1636 = arith.extui %and3A_1635 : vector<256x256xi1> to vector<256x256xi32>
      %convert_element_type3A_1637 = arith.sitofp %convert_element_type3A_1636 : vector<256x256xi32> to vector<256x256xf32>
      %reduce_sum3A_1638 = vector.shape_cast %convert_element_type3A_1637 : vector<256x256xf32> to vector<1x256x256xf32>
      %reduce_sum3A_1639 = arith.constant dense<0.000000e+00> : vector<1xf32>
      %reduce_sum3A_1640 = vector.multi_reduction <add>, %reduce_sum3A_1638, %reduce_sum3A_1639 [1, 2] : vector<1x256x256xf32> to vector<1xf32>
      %reduce_sum3A_1641 = vector.shape_cast %reduce_sum3A_1640 : vector<1xf32> to vector<1x1x1xf32>
      %reduce_sum3A_1642 = vector.extract %reduce_sum3A_1641[0, 0, 0] : f32 from vector<1x1x1xf32>
      %mul3A_1643 = arith.constant 2.000000e+00 : f32
      %mul3A_1644 = arith.mulf %mul3A_1643, %reduce_sum3A_1642 : f32
      %add3A_1645 = arith.addf %add3A_1614, %mul3A_1644 : f32
      %le3A_1646 = vector.broadcast %bitcast_convert_type3A_1192 : f32 to vector<256x256xf32>
      %le3A_1647 = arith.cmpf ole, %get3A_1629, %le3A_1646 : vector<256x256xf32>
      %and3A_1648 = arith.andi %le3A_1647, %gt3A_1632 : vector<256x256xi1>
      %convert_element_type3A_1649 = arith.extui %and3A_1648 : vector<256x256xi1> to vector<256x256xi32>
      %convert_element_type3A_1650 = arith.sitofp %convert_element_type3A_1649 : vector<256x256xi32> to vector<256x256xf32>
      %reduce_sum3A_1651 = vector.shape_cast %convert_element_type3A_1650 : vector<256x256xf32> to vector<1x256x256xf32>
      %reduce_sum3A_1652 = arith.constant dense<0.000000e+00> : vector<1xf32>
      %reduce_sum3A_1653 = vector.multi_reduction <add>, %reduce_sum3A_1651, %reduce_sum3A_1652 [1, 2] : vector<1x256x256xf32> to vector<1xf32>
      %reduce_sum3A_1654 = vector.shape_cast %reduce_sum3A_1653 : vector<1xf32> to vector<1x1x1xf32>
      %reduce_sum3A_1655 = vector.extract %reduce_sum3A_1654[0, 0, 0] : f32 from vector<1x1x1xf32>
      %mul3A_1656 = arith.constant 2.000000e+00 : f32
      %mul3A_1657 = arith.mulf %mul3A_1656, %reduce_sum3A_1655 : f32
      %add3A_1658 = arith.addf %add3A_1626, %mul3A_1657 : f32
      %ge3A_1659 = arith.cmpf oge, %add3A_1645, %scan3A : f32
      %ge3A_1660 = arith.cmpf oge, %add3A_1658, %scan3A : f32
      %add3A_1661 = arith.constant 1 : i32
      %add3A_1662 = arith.addi %add3A_1163, %add3A_1661 : i32
      %add3A_1663 = arith.constant 1 : i32
      %add3A_1664 = arith.addi %add3A_1190, %add3A_1663 : i32
      %select_n3A_1665 = arith.select %ge3A_1660, %add3A_1662, %add3A_1664 : i32
      %select_n3A_1666 = arith.select %ge3A_1659, %scan3A_1139, %select_n3A_1665 : i32
      %select_n3A_1667 = arith.select %ge3A_1660, %add3A_1190, %scan3A_1140 : i32
      %select_n3A_1668 = arith.select %ge3A_1659, %add3A_1163, %select_n3A_1667 : i32
      scf.yield %select_n3A_1666, %select_n3A_1668 : i32, i32
    }
    %bitcast_convert_type3A_355 = arith.bitcast %scan3A_354#0 : i32 to f32
    %get3A_356 = arith.constant 0 : index
    %get3A_357 = arith.constant 0 : index
    %get3A_358 = vector.load %arg4[%get3A_356, %get3A_357] : memref<2048x1xf32, #tpu.memory_space<vmem>>, vector<2048x1xf32>
    %le3A = vector.broadcast %bitcast_convert_type3A_355 : f32 to vector<2048x1xf32>
    %le3A_359 = arith.cmpf ole, %get3A_358, %le3A : vector<2048x1xf32>
    %convert_element_type3A = arith.extui %le3A_359 : vector<2048x1xi1> to vector<2048x1xi32>
    %convert_element_type3A_360 = arith.sitofp %convert_element_type3A : vector<2048x1xi32> to vector<2048x1xf32>
    %reduce_sum3A_361 = vector.shape_cast %convert_element_type3A_360 : vector<2048x1xf32> to vector<1x2048x1xf32>
    %reduce_sum3A_362 = arith.constant dense<0.000000e+00> : vector<1xf32>
    %reduce_sum3A_363 = vector.multi_reduction <add>, %reduce_sum3A_361, %reduce_sum3A_362 [1, 2] : vector<1x2048x1xf32> to vector<1xf32>
    %reduce_sum3A_364 = vector.shape_cast %reduce_sum3A_363 : vector<1xf32> to vector<1x1x1xf32>
    %reduce_sum3A_365 = vector.extract %reduce_sum3A_364[0, 0, 0] : f32 from vector<1x1x1xf32>
    %get3A_366 = arith.constant 0 : index
    %get3A_367 = arith.constant 0 : index
    %get3A_368 = vector.load %arg4[%get3A_366, %get3A_367] : memref<2048x1xf32, #tpu.memory_space<vmem>>, vector<2048x1xf32>
    %gt3A = vector.broadcast %bitcast_convert_type3A_355 : f32 to vector<2048x1xf32>
    %gt3A_369 = arith.cmpf ogt, %get3A_368, %gt3A : vector<2048x1xf32>
    %get3A_370 = arith.constant 0 : index
    %get3A_371 = arith.constant 0 : index
    %get3A_372 = vector.load %arg4[%get3A_370, %get3A_371] : memref<2048x1xf32, #tpu.memory_space<vmem>>, vector<2048x1xf32>
    %jit3A_373 = arith.constant 0x7F800000 : f32
    %broadcast_in_dim3A_374 = vector.broadcast %jit3A_373 : f32 to vector<2048x1xf32>
    %select_n3A_375 = arith.select %gt3A_369, %get3A_372, %broadcast_in_dim3A_374 : vector<2048x1xi1>, vector<2048x1xf32>
    %reduce_min3A_376 = vector.shape_cast %select_n3A_375 : vector<2048x1xf32> to vector<1x2048x1xf32>
    %reduce_min3A_377 = arith.constant dense<0x7F800000> : vector<1xf32>
    %reduce_min3A_378 = vector.multi_reduction <minimumf>, %reduce_min3A_376, %reduce_min3A_377 [1, 2] : vector<1x2048x1xf32> to vector<1xf32>
    %reduce_min3A_379 = vector.shape_cast %reduce_min3A_378 : vector<1xf32> to vector<1x1x1xf32>
    %reduce_min3A_380 = vector.extract %reduce_min3A_379[0, 0, 0] : f32 from vector<1x1x1xf32>
    %get3A_381 = arith.constant 0 : index
    %get3A_382 = arith.constant 0 : index
    %get3A_383 = vector.load %arg3[%get3A_381, %get3A_382] : memref<2048x2048xf32, #tpu.memory_space<vmem>>, vector<256x256xf32>
    %iota3A_384 = tpu.iota {dimensions = array<i32: 0>} : vector<256x256xi32>
    %iota3A_385 = tpu.iota {dimensions = array<i32: 1>} : vector<256x256xi32>
    %gt3A_386 = arith.cmpi sgt, %iota3A_385, %iota3A_384 : vector<256x256xi32>
    %le3A_387 = vector.broadcast %bitcast_convert_type3A_355 : f32 to vector<256x256xf32>
    %le3A_388 = arith.cmpf ole, %get3A_383, %le3A_387 : vector<256x256xf32>
    %and3A = arith.andi %le3A_388, %gt3A_386 : vector<256x256xi1>
    %convert_element_type3A_389 = arith.extui %and3A : vector<256x256xi1> to vector<256x256xi32>
    %convert_element_type3A_390 = arith.sitofp %convert_element_type3A_389 : vector<256x256xi32> to vector<256x256xf32>
    %reduce_sum3A_391 = vector.shape_cast %convert_element_type3A_390 : vector<256x256xf32> to vector<1x256x256xf32>
    %reduce_sum3A_392 = arith.constant dense<0.000000e+00> : vector<1xf32>
    %reduce_sum3A_393 = vector.multi_reduction <add>, %reduce_sum3A_391, %reduce_sum3A_392 [1, 2] : vector<1x256x256xf32> to vector<1xf32>
    %reduce_sum3A_394 = vector.shape_cast %reduce_sum3A_393 : vector<1xf32> to vector<1x1x1xf32>
    %reduce_sum3A_395 = vector.extract %reduce_sum3A_394[0, 0, 0] : f32 from vector<1x1x1xf32>
    %mul3A_396 = arith.constant 2.000000e+00 : f32
    %mul3A_397 = arith.mulf %mul3A_396, %reduce_sum3A_395 : f32
    %add3A_398 = arith.addf %reduce_sum3A_365, %mul3A_397 : f32
    %gt3A_399 = vector.broadcast %bitcast_convert_type3A_355 : f32 to vector<256x256xf32>
    %gt3A_400 = arith.cmpf ogt, %get3A_383, %gt3A_399 : vector<256x256xf32>
    %and3A_401 = arith.andi %gt3A_386, %gt3A_400 : vector<256x256xi1>
    %jit3A_402 = arith.constant 0x7F800000 : f32
    %broadcast_in_dim3A_403 = vector.broadcast %jit3A_402 : f32 to vector<256x256xf32>
    %select_n3A_404 = arith.select %and3A_401, %get3A_383, %broadcast_in_dim3A_403 : vector<256x256xi1>, vector<256x256xf32>
    %reduce_min3A_405 = vector.shape_cast %select_n3A_404 : vector<256x256xf32> to vector<1x256x256xf32>
    %reduce_min3A_406 = arith.constant dense<0x7F800000> : vector<1xf32>
    %reduce_min3A_407 = vector.multi_reduction <minimumf>, %reduce_min3A_405, %reduce_min3A_406 [1, 2] : vector<1x256x256xf32> to vector<1xf32>
    %reduce_min3A_408 = vector.shape_cast %reduce_min3A_407 : vector<1xf32> to vector<1x1x1xf32>
    %reduce_min3A_409 = vector.extract %reduce_min3A_408[0, 0, 0] : f32 from vector<1x1x1xf32>
    %min3A_410 = arith.minimumf %reduce_min3A_380, %reduce_min3A_409 : f32
    %get3A_411 = arith.constant 0 : index
    %get3A_412 = arith.constant 256 : index
    %get3A_413 = vector.load %arg3[%get3A_411, %get3A_412] : memref<2048x2048xf32, #tpu.memory_space<vmem>>, vector<256x1792xf32>
    %le3A_414 = vector.broadcast %bitcast_convert_type3A_355 : f32 to vector<256x1792xf32>
    %le3A_415 = arith.cmpf ole, %get3A_413, %le3A_414 : vector<256x1792xf32>
    %convert_element_type3A_416 = arith.extui %le3A_415 : vector<256x1792xi1> to vector<256x1792xi32>
    %convert_element_type3A_417 = arith.sitofp %convert_element_type3A_416 : vector<256x1792xi32> to vector<256x1792xf32>
    %reduce_sum3A_418 = vector.shape_cast %convert_element_type3A_417 : vector<256x1792xf32> to vector<1x256x1792xf32>
    %reduce_sum3A_419 = arith.constant dense<0.000000e+00> : vector<1xf32>
    %reduce_sum3A_420 = vector.multi_reduction <add>, %reduce_sum3A_418, %reduce_sum3A_419 [1, 2] : vector<1x256x1792xf32> to vector<1xf32>
    %reduce_sum3A_421 = vector.shape_cast %reduce_sum3A_420 : vector<1xf32> to vector<1x1x1xf32>
    %reduce_sum3A_422 = vector.extract %reduce_sum3A_421[0, 0, 0] : f32 from vector<1x1x1xf32>
    %mul3A_423 = arith.constant 2.000000e+00 : f32
    %mul3A_424 = arith.mulf %mul3A_423, %reduce_sum3A_422 : f32
    %add3A_425 = arith.addf %add3A_398, %mul3A_424 : f32
    %gt3A_426 = vector.broadcast %bitcast_convert_type3A_355 : f32 to vector<256x1792xf32>
    %gt3A_427 = arith.cmpf ogt, %get3A_413, %gt3A_426 : vector<256x1792xf32>
    %jit3A_428 = arith.constant 0x7F800000 : f32
    %broadcast_in_dim3A_429 = vector.broadcast %jit3A_428 : f32 to vector<256x1792xf32>
    %select_n3A_430 = arith.select %gt3A_427, %get3A_413, %broadcast_in_dim3A_429 : vector<256x1792xi1>, vector<256x1792xf32>
    %reduce_min3A_431 = vector.shape_cast %select_n3A_430 : vector<256x1792xf32> to vector<1x256x1792xf32>
    %reduce_min3A_432 = arith.constant dense<0x7F800000> : vector<1xf32>
    %reduce_min3A_433 = vector.multi_reduction <minimumf>, %reduce_min3A_431, %reduce_min3A_432 [1, 2] : vector<1x256x1792xf32> to vector<1xf32>
    %reduce_min3A_434 = vector.shape_cast %reduce_min3A_433 : vector<1xf32> to vector<1x1x1xf32>
    %reduce_min3A_435 = vector.extract %reduce_min3A_434[0, 0, 0] : f32 from vector<1x1x1xf32>
    %min3A_436 = arith.minimumf %min3A_410, %reduce_min3A_435 : f32
    %get3A_437 = arith.constant 256 : index
    %get3A_438 = arith.constant 256 : index
    %get3A_439 = vector.load %arg3[%get3A_437, %get3A_438] : memref<2048x2048xf32, #tpu.memory_space<vmem>>, vector<256x256xf32>
    %iota3A_440 = tpu.iota {dimensions = array<i32: 0>} : vector<256x256xi32>
    %iota3A_441 = tpu.iota {dimensions = array<i32: 1>} : vector<256x256xi32>
    %gt3A_442 = arith.cmpi sgt, %iota3A_441, %iota3A_440 : vector<256x256xi32>
    %le3A_443 = vector.broadcast %bitcast_convert_type3A_355 : f32 to vector<256x256xf32>
    %le3A_444 = arith.cmpf ole, %get3A_439, %le3A_443 : vector<256x256xf32>
    %and3A_445 = arith.andi %le3A_444, %gt3A_442 : vector<256x256xi1>
    %convert_element_type3A_446 = arith.extui %and3A_445 : vector<256x256xi1> to vector<256x256xi32>
    %convert_element_type3A_447 = arith.sitofp %convert_element_type3A_446 : vector<256x256xi32> to vector<256x256xf32>
    %reduce_sum3A_448 = vector.shape_cast %convert_element_type3A_447 : vector<256x256xf32> to vector<1x256x256xf32>
    %reduce_sum3A_449 = arith.constant dense<0.000000e+00> : vector<1xf32>
    %reduce_sum3A_450 = vector.multi_reduction <add>, %reduce_sum3A_448, %reduce_sum3A_449 [1, 2] : vector<1x256x256xf32> to vector<1xf32>
    %reduce_sum3A_451 = vector.shape_cast %reduce_sum3A_450 : vector<1xf32> to vector<1x1x1xf32>
    %reduce_sum3A_452 = vector.extract %reduce_sum3A_451[0, 0, 0] : f32 from vector<1x1x1xf32>
    %mul3A_453 = arith.constant 2.000000e+00 : f32
    %mul3A_454 = arith.mulf %mul3A_453, %reduce_sum3A_452 : f32
    %add3A_455 = arith.addf %add3A_425, %mul3A_454 : f32
    %gt3A_456 = vector.broadcast %bitcast_convert_type3A_355 : f32 to vector<256x256xf32>
    %gt3A_457 = arith.cmpf ogt, %get3A_439, %gt3A_456 : vector<256x256xf32>
    %and3A_458 = arith.andi %gt3A_442, %gt3A_457 : vector<256x256xi1>
    %jit3A_459 = arith.constant 0x7F800000 : f32
    %broadcast_in_dim3A_460 = vector.broadcast %jit3A_459 : f32 to vector<256x256xf32>
    %select_n3A_461 = arith.select %and3A_458, %get3A_439, %broadcast_in_dim3A_460 : vector<256x256xi1>, vector<256x256xf32>
    %reduce_min3A_462 = vector.shape_cast %select_n3A_461 : vector<256x256xf32> to vector<1x256x256xf32>
    %reduce_min3A_463 = arith.constant dense<0x7F800000> : vector<1xf32>
    %reduce_min3A_464 = vector.multi_reduction <minimumf>, %reduce_min3A_462, %reduce_min3A_463 [1, 2] : vector<1x256x256xf32> to vector<1xf32>
    %reduce_min3A_465 = vector.shape_cast %reduce_min3A_464 : vector<1xf32> to vector<1x1x1xf32>
    %reduce_min3A_466 = vector.extract %reduce_min3A_465[0, 0, 0] : f32 from vector<1x1x1xf32>
    %min3A_467 = arith.minimumf %min3A_436, %reduce_min3A_466 : f32
    %get3A_468 = arith.constant 256 : index
    %get3A_469 = arith.constant 512 : index
    %get3A_470 = vector.load %arg3[%get3A_468, %get3A_469] : memref<2048x2048xf32, #tpu.memory_space<vmem>>, vector<256x1536xf32>
    %le3A_471 = vector.broadcast %bitcast_convert_type3A_355 : f32 to vector<256x1536xf32>
    %le3A_472 = arith.cmpf ole, %get3A_470, %le3A_471 : vector<256x1536xf32>
    %convert_element_type3A_473 = arith.extui %le3A_472 : vector<256x1536xi1> to vector<256x1536xi32>
    %convert_element_type3A_474 = arith.sitofp %convert_element_type3A_473 : vector<256x1536xi32> to vector<256x1536xf32>
    %reduce_sum3A_475 = vector.shape_cast %convert_element_type3A_474 : vector<256x1536xf32> to vector<1x256x1536xf32>
    %reduce_sum3A_476 = arith.constant dense<0.000000e+00> : vector<1xf32>
    %reduce_sum3A_477 = vector.multi_reduction <add>, %reduce_sum3A_475, %reduce_sum3A_476 [1, 2] : vector<1x256x1536xf32> to vector<1xf32>
    %reduce_sum3A_478 = vector.shape_cast %reduce_sum3A_477 : vector<1xf32> to vector<1x1x1xf32>
    %reduce_sum3A_479 = vector.extract %reduce_sum3A_478[0, 0, 0] : f32 from vector<1x1x1xf32>
    %mul3A_480 = arith.constant 2.000000e+00 : f32
    %mul3A_481 = arith.mulf %mul3A_480, %reduce_sum3A_479 : f32
    %add3A_482 = arith.addf %add3A_455, %mul3A_481 : f32
    %gt3A_483 = vector.broadcast %bitcast_convert_type3A_355 : f32 to vector<256x1536xf32>
    %gt3A_484 = arith.cmpf ogt, %get3A_470, %gt3A_483 : vector<256x1536xf32>
    %jit3A_485 = arith.constant 0x7F800000 : f32
    %broadcast_in_dim3A_486 = vector.broadcast %jit3A_485 : f32 to vector<256x1536xf32>
    %select_n3A_487 = arith.select %gt3A_484, %get3A_470, %broadcast_in_dim3A_486 : vector<256x1536xi1>, vector<256x1536xf32>
    %reduce_min3A_488 = vector.shape_cast %select_n3A_487 : vector<256x1536xf32> to vector<1x256x1536xf32>
    %reduce_min3A_489 = arith.constant dense<0x7F800000> : vector<1xf32>
    %reduce_min3A_490 = vector.multi_reduction <minimumf>, %reduce_min3A_488, %reduce_min3A_489 [1, 2] : vector<1x256x1536xf32> to vector<1xf32>
    %reduce_min3A_491 = vector.shape_cast %reduce_min3A_490 : vector<1xf32> to vector<1x1x1xf32>
    %reduce_min3A_492 = vector.extract %reduce_min3A_491[0, 0, 0] : f32 from vector<1x1x1xf32>
    %min3A_493 = arith.minimumf %min3A_467, %reduce_min3A_492 : f32
    %get3A_494 = arith.constant 512 : index
    %get3A_495 = arith.constant 512 : index
    %get3A_496 = vector.load %arg3[%get3A_494, %get3A_495] : memref<2048x2048xf32, #tpu.memory_space<vmem>>, vector<256x256xf32>
    %iota3A_497 = tpu.iota {dimensions = array<i32: 0>} : vector<256x256xi32>
    %iota3A_498 = tpu.iota {dimensions = array<i32: 1>} : vector<256x256xi32>
    %gt3A_499 = arith.cmpi sgt, %iota3A_498, %iota3A_497 : vector<256x256xi32>
    %le3A_500 = vector.broadcast %bitcast_convert_type3A_355 : f32 to vector<256x256xf32>
    %le3A_501 = arith.cmpf ole, %get3A_496, %le3A_500 : vector<256x256xf32>
    %and3A_502 = arith.andi %le3A_501, %gt3A_499 : vector<256x256xi1>
    %convert_element_type3A_503 = arith.extui %and3A_502 : vector<256x256xi1> to vector<256x256xi32>
    %convert_element_type3A_504 = arith.sitofp %convert_element_type3A_503 : vector<256x256xi32> to vector<256x256xf32>
    %reduce_sum3A_505 = vector.shape_cast %convert_element_type3A_504 : vector<256x256xf32> to vector<1x256x256xf32>
    %reduce_sum3A_506 = arith.constant dense<0.000000e+00> : vector<1xf32>
    %reduce_sum3A_507 = vector.multi_reduction <add>, %reduce_sum3A_505, %reduce_sum3A_506 [1, 2] : vector<1x256x256xf32> to vector<1xf32>
    %reduce_sum3A_508 = vector.shape_cast %reduce_sum3A_507 : vector<1xf32> to vector<1x1x1xf32>
    %reduce_sum3A_509 = vector.extract %reduce_sum3A_508[0, 0, 0] : f32 from vector<1x1x1xf32>
    %mul3A_510 = arith.constant 2.000000e+00 : f32
    %mul3A_511 = arith.mulf %mul3A_510, %reduce_sum3A_509 : f32
    %add3A_512 = arith.addf %add3A_482, %mul3A_511 : f32
    %gt3A_513 = vector.broadcast %bitcast_convert_type3A_355 : f32 to vector<256x256xf32>
    %gt3A_514 = arith.cmpf ogt, %get3A_496, %gt3A_513 : vector<256x256xf32>
    %and3A_515 = arith.andi %gt3A_499, %gt3A_514 : vector<256x256xi1>
    %jit3A_516 = arith.constant 0x7F800000 : f32
    %broadcast_in_dim3A_517 = vector.broadcast %jit3A_516 : f32 to vector<256x256xf32>
    %select_n3A_518 = arith.select %and3A_515, %get3A_496, %broadcast_in_dim3A_517 : vector<256x256xi1>, vector<256x256xf32>
    %reduce_min3A_519 = vector.shape_cast %select_n3A_518 : vector<256x256xf32> to vector<1x256x256xf32>
    %reduce_min3A_520 = arith.constant dense<0x7F800000> : vector<1xf32>
    %reduce_min3A_521 = vector.multi_reduction <minimumf>, %reduce_min3A_519, %reduce_min3A_520 [1, 2] : vector<1x256x256xf32> to vector<1xf32>
    %reduce_min3A_522 = vector.shape_cast %reduce_min3A_521 : vector<1xf32> to vector<1x1x1xf32>
    %reduce_min3A_523 = vector.extract %reduce_min3A_522[0, 0, 0] : f32 from vector<1x1x1xf32>
    %min3A_524 = arith.minimumf %min3A_493, %reduce_min3A_523 : f32
    %get3A_525 = arith.constant 512 : index
    %get3A_526 = arith.constant 768 : index
    %get3A_527 = vector.load %arg3[%get3A_525, %get3A_526] : memref<2048x2048xf32, #tpu.memory_space<vmem>>, vector<256x1280xf32>
    %le3A_528 = vector.broadcast %bitcast_convert_type3A_355 : f32 to vector<256x1280xf32>
    %le3A_529 = arith.cmpf ole, %get3A_527, %le3A_528 : vector<256x1280xf32>
    %convert_element_type3A_530 = arith.extui %le3A_529 : vector<256x1280xi1> to vector<256x1280xi32>
    %convert_element_type3A_531 = arith.sitofp %convert_element_type3A_530 : vector<256x1280xi32> to vector<256x1280xf32>
    %reduce_sum3A_532 = vector.shape_cast %convert_element_type3A_531 : vector<256x1280xf32> to vector<1x256x1280xf32>
    %reduce_sum3A_533 = arith.constant dense<0.000000e+00> : vector<1xf32>
    %reduce_sum3A_534 = vector.multi_reduction <add>, %reduce_sum3A_532, %reduce_sum3A_533 [1, 2] : vector<1x256x1280xf32> to vector<1xf32>
    %reduce_sum3A_535 = vector.shape_cast %reduce_sum3A_534 : vector<1xf32> to vector<1x1x1xf32>
    %reduce_sum3A_536 = vector.extract %reduce_sum3A_535[0, 0, 0] : f32 from vector<1x1x1xf32>
    %mul3A_537 = arith.constant 2.000000e+00 : f32
    %mul3A_538 = arith.mulf %mul3A_537, %reduce_sum3A_536 : f32
    %add3A_539 = arith.addf %add3A_512, %mul3A_538 : f32
    %gt3A_540 = vector.broadcast %bitcast_convert_type3A_355 : f32 to vector<256x1280xf32>
    %gt3A_541 = arith.cmpf ogt, %get3A_527, %gt3A_540 : vector<256x1280xf32>
    %jit3A_542 = arith.constant 0x7F800000 : f32
    %broadcast_in_dim3A_543 = vector.broadcast %jit3A_542 : f32 to vector<256x1280xf32>
    %select_n3A_544 = arith.select %gt3A_541, %get3A_527, %broadcast_in_dim3A_543 : vector<256x1280xi1>, vector<256x1280xf32>
    %reduce_min3A_545 = vector.shape_cast %select_n3A_544 : vector<256x1280xf32> to vector<1x256x1280xf32>
    %reduce_min3A_546 = arith.constant dense<0x7F800000> : vector<1xf32>
    %reduce_min3A_547 = vector.multi_reduction <minimumf>, %reduce_min3A_545, %reduce_min3A_546 [1, 2] : vector<1x256x1280xf32> to vector<1xf32>
    %reduce_min3A_548 = vector.shape_cast %reduce_min3A_547 : vector<1xf32> to vector<1x1x1xf32>
    %reduce_min3A_549 = vector.extract %reduce_min3A_548[0, 0, 0] : f32 from vector<1x1x1xf32>
    %min3A_550 = arith.minimumf %min3A_524, %reduce_min3A_549 : f32
    %get3A_551 = arith.constant 768 : index
    %get3A_552 = arith.constant 768 : index
    %get3A_553 = vector.load %arg3[%get3A_551, %get3A_552] : memref<2048x2048xf32, #tpu.memory_space<vmem>>, vector<256x256xf32>
    %iota3A_554 = tpu.iota {dimensions = array<i32: 0>} : vector<256x256xi32>
    %iota3A_555 = tpu.iota {dimensions = array<i32: 1>} : vector<256x256xi32>
    %gt3A_556 = arith.cmpi sgt, %iota3A_555, %iota3A_554 : vector<256x256xi32>
    %le3A_557 = vector.broadcast %bitcast_convert_type3A_355 : f32 to vector<256x256xf32>
    %le3A_558 = arith.cmpf ole, %get3A_553, %le3A_557 : vector<256x256xf32>
    %and3A_559 = arith.andi %le3A_558, %gt3A_556 : vector<256x256xi1>
    %convert_element_type3A_560 = arith.extui %and3A_559 : vector<256x256xi1> to vector<256x256xi32>
    %convert_element_type3A_561 = arith.sitofp %convert_element_type3A_560 : vector<256x256xi32> to vector<256x256xf32>
    %reduce_sum3A_562 = vector.shape_cast %convert_element_type3A_561 : vector<256x256xf32> to vector<1x256x256xf32>
    %reduce_sum3A_563 = arith.constant dense<0.000000e+00> : vector<1xf32>
    %reduce_sum3A_564 = vector.multi_reduction <add>, %reduce_sum3A_562, %reduce_sum3A_563 [1, 2] : vector<1x256x256xf32> to vector<1xf32>
    %reduce_sum3A_565 = vector.shape_cast %reduce_sum3A_564 : vector<1xf32> to vector<1x1x1xf32>
    %reduce_sum3A_566 = vector.extract %reduce_sum3A_565[0, 0, 0] : f32 from vector<1x1x1xf32>
    %mul3A_567 = arith.constant 2.000000e+00 : f32
    %mul3A_568 = arith.mulf %mul3A_567, %reduce_sum3A_566 : f32
    %add3A_569 = arith.addf %add3A_539, %mul3A_568 : f32
    %gt3A_570 = vector.broadcast %bitcast_convert_type3A_355 : f32 to vector<256x256xf32>
    %gt3A_571 = arith.cmpf ogt, %get3A_553, %gt3A_570 : vector<256x256xf32>
    %and3A_572 = arith.andi %gt3A_556, %gt3A_571 : vector<256x256xi1>
    %jit3A_573 = arith.constant 0x7F800000 : f32
    %broadcast_in_dim3A_574 = vector.broadcast %jit3A_573 : f32 to vector<256x256xf32>
    %select_n3A_575 = arith.select %and3A_572, %get3A_553, %broadcast_in_dim3A_574 : vector<256x256xi1>, vector<256x256xf32>
    %reduce_min3A_576 = vector.shape_cast %select_n3A_575 : vector<256x256xf32> to vector<1x256x256xf32>
    %reduce_min3A_577 = arith.constant dense<0x7F800000> : vector<1xf32>
    %reduce_min3A_578 = vector.multi_reduction <minimumf>, %reduce_min3A_576, %reduce_min3A_577 [1, 2] : vector<1x256x256xf32> to vector<1xf32>
    %reduce_min3A_579 = vector.shape_cast %reduce_min3A_578 : vector<1xf32> to vector<1x1x1xf32>
    %reduce_min3A_580 = vector.extract %reduce_min3A_579[0, 0, 0] : f32 from vector<1x1x1xf32>
    %min3A_581 = arith.minimumf %min3A_550, %reduce_min3A_580 : f32
    %get3A_582 = arith.constant 768 : index
    %get3A_583 = arith.constant 1024 : index
    %get3A_584 = vector.load %arg3[%get3A_582, %get3A_583] : memref<2048x2048xf32, #tpu.memory_space<vmem>>, vector<256x1024xf32>
    %le3A_585 = vector.broadcast %bitcast_convert_type3A_355 : f32 to vector<256x1024xf32>
    %le3A_586 = arith.cmpf ole, %get3A_584, %le3A_585 : vector<256x1024xf32>
    %convert_element_type3A_587 = arith.extui %le3A_586 : vector<256x1024xi1> to vector<256x1024xi32>
    %convert_element_type3A_588 = arith.sitofp %convert_element_type3A_587 : vector<256x1024xi32> to vector<256x1024xf32>
    %reduce_sum3A_589 = vector.shape_cast %convert_element_type3A_588 : vector<256x1024xf32> to vector<1x256x1024xf32>
    %reduce_sum3A_590 = arith.constant dense<0.000000e+00> : vector<1xf32>
    %reduce_sum3A_591 = vector.multi_reduction <add>, %reduce_sum3A_589, %reduce_sum3A_590 [1, 2] : vector<1x256x1024xf32> to vector<1xf32>
    %reduce_sum3A_592 = vector.shape_cast %reduce_sum3A_591 : vector<1xf32> to vector<1x1x1xf32>
    %reduce_sum3A_593 = vector.extract %reduce_sum3A_592[0, 0, 0] : f32 from vector<1x1x1xf32>
    %mul3A_594 = arith.constant 2.000000e+00 : f32
    %mul3A_595 = arith.mulf %mul3A_594, %reduce_sum3A_593 : f32
    %add3A_596 = arith.addf %add3A_569, %mul3A_595 : f32
    %gt3A_597 = vector.broadcast %bitcast_convert_type3A_355 : f32 to vector<256x1024xf32>
    %gt3A_598 = arith.cmpf ogt, %get3A_584, %gt3A_597 : vector<256x1024xf32>
    %jit3A_599 = arith.constant 0x7F800000 : f32
    %broadcast_in_dim3A_600 = vector.broadcast %jit3A_599 : f32 to vector<256x1024xf32>
    %select_n3A_601 = arith.select %gt3A_598, %get3A_584, %broadcast_in_dim3A_600 : vector<256x1024xi1>, vector<256x1024xf32>
    %reduce_min3A_602 = vector.shape_cast %select_n3A_601 : vector<256x1024xf32> to vector<1x256x1024xf32>
    %reduce_min3A_603 = arith.constant dense<0x7F800000> : vector<1xf32>
    %reduce_min3A_604 = vector.multi_reduction <minimumf>, %reduce_min3A_602, %reduce_min3A_603 [1, 2] : vector<1x256x1024xf32> to vector<1xf32>
    %reduce_min3A_605 = vector.shape_cast %reduce_min3A_604 : vector<1xf32> to vector<1x1x1xf32>
    %reduce_min3A_606 = vector.extract %reduce_min3A_605[0, 0, 0] : f32 from vector<1x1x1xf32>
    %min3A_607 = arith.minimumf %min3A_581, %reduce_min3A_606 : f32
    %get3A_608 = arith.constant 1024 : index
    %get3A_609 = arith.constant 1024 : index
    %get3A_610 = vector.load %arg3[%get3A_608, %get3A_609] : memref<2048x2048xf32, #tpu.memory_space<vmem>>, vector<256x256xf32>
    %iota3A_611 = tpu.iota {dimensions = array<i32: 0>} : vector<256x256xi32>
    %iota3A_612 = tpu.iota {dimensions = array<i32: 1>} : vector<256x256xi32>
    %gt3A_613 = arith.cmpi sgt, %iota3A_612, %iota3A_611 : vector<256x256xi32>
    %le3A_614 = vector.broadcast %bitcast_convert_type3A_355 : f32 to vector<256x256xf32>
    %le3A_615 = arith.cmpf ole, %get3A_610, %le3A_614 : vector<256x256xf32>
    %and3A_616 = arith.andi %le3A_615, %gt3A_613 : vector<256x256xi1>
    %convert_element_type3A_617 = arith.extui %and3A_616 : vector<256x256xi1> to vector<256x256xi32>
    %convert_element_type3A_618 = arith.sitofp %convert_element_type3A_617 : vector<256x256xi32> to vector<256x256xf32>
    %reduce_sum3A_619 = vector.shape_cast %convert_element_type3A_618 : vector<256x256xf32> to vector<1x256x256xf32>
    %reduce_sum3A_620 = arith.constant dense<0.000000e+00> : vector<1xf32>
    %reduce_sum3A_621 = vector.multi_reduction <add>, %reduce_sum3A_619, %reduce_sum3A_620 [1, 2] : vector<1x256x256xf32> to vector<1xf32>
    %reduce_sum3A_622 = vector.shape_cast %reduce_sum3A_621 : vector<1xf32> to vector<1x1x1xf32>
    %reduce_sum3A_623 = vector.extract %reduce_sum3A_622[0, 0, 0] : f32 from vector<1x1x1xf32>
    %mul3A_624 = arith.constant 2.000000e+00 : f32
    %mul3A_625 = arith.mulf %mul3A_624, %reduce_sum3A_623 : f32
    %add3A_626 = arith.addf %add3A_596, %mul3A_625 : f32
    %gt3A_627 = vector.broadcast %bitcast_convert_type3A_355 : f32 to vector<256x256xf32>
    %gt3A_628 = arith.cmpf ogt, %get3A_610, %gt3A_627 : vector<256x256xf32>
    %and3A_629 = arith.andi %gt3A_613, %gt3A_628 : vector<256x256xi1>
    %jit3A_630 = arith.constant 0x7F800000 : f32
    %broadcast_in_dim3A_631 = vector.broadcast %jit3A_630 : f32 to vector<256x256xf32>
    %select_n3A_632 = arith.select %and3A_629, %get3A_610, %broadcast_in_dim3A_631 : vector<256x256xi1>, vector<256x256xf32>
    %reduce_min3A_633 = vector.shape_cast %select_n3A_632 : vector<256x256xf32> to vector<1x256x256xf32>
    %reduce_min3A_634 = arith.constant dense<0x7F800000> : vector<1xf32>
    %reduce_min3A_635 = vector.multi_reduction <minimumf>, %reduce_min3A_633, %reduce_min3A_634 [1, 2] : vector<1x256x256xf32> to vector<1xf32>
    %reduce_min3A_636 = vector.shape_cast %reduce_min3A_635 : vector<1xf32> to vector<1x1x1xf32>
    %reduce_min3A_637 = vector.extract %reduce_min3A_636[0, 0, 0] : f32 from vector<1x1x1xf32>
    %min3A_638 = arith.minimumf %min3A_607, %reduce_min3A_637 : f32
    %get3A_639 = arith.constant 1024 : index
    %get3A_640 = arith.constant 1280 : index
    %get3A_641 = vector.load %arg3[%get3A_639, %get3A_640] : memref<2048x2048xf32, #tpu.memory_space<vmem>>, vector<256x768xf32>
    %le3A_642 = vector.broadcast %bitcast_convert_type3A_355 : f32 to vector<256x768xf32>
    %le3A_643 = arith.cmpf ole, %get3A_641, %le3A_642 : vector<256x768xf32>
    %convert_element_type3A_644 = arith.extui %le3A_643 : vector<256x768xi1> to vector<256x768xi32>
    %convert_element_type3A_645 = arith.sitofp %convert_element_type3A_644 : vector<256x768xi32> to vector<256x768xf32>
    %reduce_sum3A_646 = vector.shape_cast %convert_element_type3A_645 : vector<256x768xf32> to vector<1x256x768xf32>
    %reduce_sum3A_647 = arith.constant dense<0.000000e+00> : vector<1xf32>
    %reduce_sum3A_648 = vector.multi_reduction <add>, %reduce_sum3A_646, %reduce_sum3A_647 [1, 2] : vector<1x256x768xf32> to vector<1xf32>
    %reduce_sum3A_649 = vector.shape_cast %reduce_sum3A_648 : vector<1xf32> to vector<1x1x1xf32>
    %reduce_sum3A_650 = vector.extract %reduce_sum3A_649[0, 0, 0] : f32 from vector<1x1x1xf32>
    %mul3A_651 = arith.constant 2.000000e+00 : f32
    %mul3A_652 = arith.mulf %mul3A_651, %reduce_sum3A_650 : f32
    %add3A_653 = arith.addf %add3A_626, %mul3A_652 : f32
    %gt3A_654 = vector.broadcast %bitcast_convert_type3A_355 : f32 to vector<256x768xf32>
    %gt3A_655 = arith.cmpf ogt, %get3A_641, %gt3A_654 : vector<256x768xf32>
    %jit3A_656 = arith.constant 0x7F800000 : f32
    %broadcast_in_dim3A_657 = vector.broadcast %jit3A_656 : f32 to vector<256x768xf32>
    %select_n3A_658 = arith.select %gt3A_655, %get3A_641, %broadcast_in_dim3A_657 : vector<256x768xi1>, vector<256x768xf32>
    %reduce_min3A_659 = vector.shape_cast %select_n3A_658 : vector<256x768xf32> to vector<1x256x768xf32>
    %reduce_min3A_660 = arith.constant dense<0x7F800000> : vector<1xf32>
    %reduce_min3A_661 = vector.multi_reduction <minimumf>, %reduce_min3A_659, %reduce_min3A_660 [1, 2] : vector<1x256x768xf32> to vector<1xf32>
    %reduce_min3A_662 = vector.shape_cast %reduce_min3A_661 : vector<1xf32> to vector<1x1x1xf32>
    %reduce_min3A_663 = vector.extract %reduce_min3A_662[0, 0, 0] : f32 from vector<1x1x1xf32>
    %min3A_664 = arith.minimumf %min3A_638, %reduce_min3A_663 : f32
    %get3A_665 = arith.constant 1280 : index
    %get3A_666 = arith.constant 1280 : index
    %get3A_667 = vector.load %arg3[%get3A_665, %get3A_666] : memref<2048x2048xf32, #tpu.memory_space<vmem>>, vector<256x256xf32>
    %iota3A_668 = tpu.iota {dimensions = array<i32: 0>} : vector<256x256xi32>
    %iota3A_669 = tpu.iota {dimensions = array<i32: 1>} : vector<256x256xi32>
    %gt3A_670 = arith.cmpi sgt, %iota3A_669, %iota3A_668 : vector<256x256xi32>
    %le3A_671 = vector.broadcast %bitcast_convert_type3A_355 : f32 to vector<256x256xf32>
    %le3A_672 = arith.cmpf ole, %get3A_667, %le3A_671 : vector<256x256xf32>
    %and3A_673 = arith.andi %le3A_672, %gt3A_670 : vector<256x256xi1>
    %convert_element_type3A_674 = arith.extui %and3A_673 : vector<256x256xi1> to vector<256x256xi32>
    %convert_element_type3A_675 = arith.sitofp %convert_element_type3A_674 : vector<256x256xi32> to vector<256x256xf32>
    %reduce_sum3A_676 = vector.shape_cast %convert_element_type3A_675 : vector<256x256xf32> to vector<1x256x256xf32>
    %reduce_sum3A_677 = arith.constant dense<0.000000e+00> : vector<1xf32>
    %reduce_sum3A_678 = vector.multi_reduction <add>, %reduce_sum3A_676, %reduce_sum3A_677 [1, 2] : vector<1x256x256xf32> to vector<1xf32>
    %reduce_sum3A_679 = vector.shape_cast %reduce_sum3A_678 : vector<1xf32> to vector<1x1x1xf32>
    %reduce_sum3A_680 = vector.extract %reduce_sum3A_679[0, 0, 0] : f32 from vector<1x1x1xf32>
    %mul3A_681 = arith.constant 2.000000e+00 : f32
    %mul3A_682 = arith.mulf %mul3A_681, %reduce_sum3A_680 : f32
    %add3A_683 = arith.addf %add3A_653, %mul3A_682 : f32
    %gt3A_684 = vector.broadcast %bitcast_convert_type3A_355 : f32 to vector<256x256xf32>
    %gt3A_685 = arith.cmpf ogt, %get3A_667, %gt3A_684 : vector<256x256xf32>
    %and3A_686 = arith.andi %gt3A_670, %gt3A_685 : vector<256x256xi1>
    %jit3A_687 = arith.constant 0x7F800000 : f32
    %broadcast_in_dim3A_688 = vector.broadcast %jit3A_687 : f32 to vector<256x256xf32>
    %select_n3A_689 = arith.select %and3A_686, %get3A_667, %broadcast_in_dim3A_688 : vector<256x256xi1>, vector<256x256xf32>
    %reduce_min3A_690 = vector.shape_cast %select_n3A_689 : vector<256x256xf32> to vector<1x256x256xf32>
    %reduce_min3A_691 = arith.constant dense<0x7F800000> : vector<1xf32>
    %reduce_min3A_692 = vector.multi_reduction <minimumf>, %reduce_min3A_690, %reduce_min3A_691 [1, 2] : vector<1x256x256xf32> to vector<1xf32>
    %reduce_min3A_693 = vector.shape_cast %reduce_min3A_692 : vector<1xf32> to vector<1x1x1xf32>
    %reduce_min3A_694 = vector.extract %reduce_min3A_693[0, 0, 0] : f32 from vector<1x1x1xf32>
    %min3A_695 = arith.minimumf %min3A_664, %reduce_min3A_694 : f32
    %get3A_696 = arith.constant 1280 : index
    %get3A_697 = arith.constant 1536 : index
    %get3A_698 = vector.load %arg3[%get3A_696, %get3A_697] : memref<2048x2048xf32, #tpu.memory_space<vmem>>, vector<256x512xf32>
    %le3A_699 = vector.broadcast %bitcast_convert_type3A_355 : f32 to vector<256x512xf32>
    %le3A_700 = arith.cmpf ole, %get3A_698, %le3A_699 : vector<256x512xf32>
    %convert_element_type3A_701 = arith.extui %le3A_700 : vector<256x512xi1> to vector<256x512xi32>
    %convert_element_type3A_702 = arith.sitofp %convert_element_type3A_701 : vector<256x512xi32> to vector<256x512xf32>
    %reduce_sum3A_703 = vector.shape_cast %convert_element_type3A_702 : vector<256x512xf32> to vector<1x256x512xf32>
    %reduce_sum3A_704 = arith.constant dense<0.000000e+00> : vector<1xf32>
    %reduce_sum3A_705 = vector.multi_reduction <add>, %reduce_sum3A_703, %reduce_sum3A_704 [1, 2] : vector<1x256x512xf32> to vector<1xf32>
    %reduce_sum3A_706 = vector.shape_cast %reduce_sum3A_705 : vector<1xf32> to vector<1x1x1xf32>
    %reduce_sum3A_707 = vector.extract %reduce_sum3A_706[0, 0, 0] : f32 from vector<1x1x1xf32>
    %mul3A_708 = arith.constant 2.000000e+00 : f32
    %mul3A_709 = arith.mulf %mul3A_708, %reduce_sum3A_707 : f32
    %add3A_710 = arith.addf %add3A_683, %mul3A_709 : f32
    %gt3A_711 = vector.broadcast %bitcast_convert_type3A_355 : f32 to vector<256x512xf32>
    %gt3A_712 = arith.cmpf ogt, %get3A_698, %gt3A_711 : vector<256x512xf32>
    %jit3A_713 = arith.constant 0x7F800000 : f32
    %broadcast_in_dim3A_714 = vector.broadcast %jit3A_713 : f32 to vector<256x512xf32>
    %select_n3A_715 = arith.select %gt3A_712, %get3A_698, %broadcast_in_dim3A_714 : vector<256x512xi1>, vector<256x512xf32>
    %reduce_min3A_716 = vector.shape_cast %select_n3A_715 : vector<256x512xf32> to vector<1x256x512xf32>
    %reduce_min3A_717 = arith.constant dense<0x7F800000> : vector<1xf32>
    %reduce_min3A_718 = vector.multi_reduction <minimumf>, %reduce_min3A_716, %reduce_min3A_717 [1, 2] : vector<1x256x512xf32> to vector<1xf32>
    %reduce_min3A_719 = vector.shape_cast %reduce_min3A_718 : vector<1xf32> to vector<1x1x1xf32>
    %reduce_min3A_720 = vector.extract %reduce_min3A_719[0, 0, 0] : f32 from vector<1x1x1xf32>
    %min3A_721 = arith.minimumf %min3A_695, %reduce_min3A_720 : f32
    %get3A_722 = arith.constant 1536 : index
    %get3A_723 = arith.constant 1536 : index
    %get3A_724 = vector.load %arg3[%get3A_722, %get3A_723] : memref<2048x2048xf32, #tpu.memory_space<vmem>>, vector<256x256xf32>
    %iota3A_725 = tpu.iota {dimensions = array<i32: 0>} : vector<256x256xi32>
    %iota3A_726 = tpu.iota {dimensions = array<i32: 1>} : vector<256x256xi32>
    %gt3A_727 = arith.cmpi sgt, %iota3A_726, %iota3A_725 : vector<256x256xi32>
    %le3A_728 = vector.broadcast %bitcast_convert_type3A_355 : f32 to vector<256x256xf32>
    %le3A_729 = arith.cmpf ole, %get3A_724, %le3A_728 : vector<256x256xf32>
    %and3A_730 = arith.andi %le3A_729, %gt3A_727 : vector<256x256xi1>
    %convert_element_type3A_731 = arith.extui %and3A_730 : vector<256x256xi1> to vector<256x256xi32>
    %convert_element_type3A_732 = arith.sitofp %convert_element_type3A_731 : vector<256x256xi32> to vector<256x256xf32>
    %reduce_sum3A_733 = vector.shape_cast %convert_element_type3A_732 : vector<256x256xf32> to vector<1x256x256xf32>
    %reduce_sum3A_734 = arith.constant dense<0.000000e+00> : vector<1xf32>
    %reduce_sum3A_735 = vector.multi_reduction <add>, %reduce_sum3A_733, %reduce_sum3A_734 [1, 2] : vector<1x256x256xf32> to vector<1xf32>
    %reduce_sum3A_736 = vector.shape_cast %reduce_sum3A_735 : vector<1xf32> to vector<1x1x1xf32>
    %reduce_sum3A_737 = vector.extract %reduce_sum3A_736[0, 0, 0] : f32 from vector<1x1x1xf32>
    %mul3A_738 = arith.constant 2.000000e+00 : f32
    %mul3A_739 = arith.mulf %mul3A_738, %reduce_sum3A_737 : f32
    %add3A_740 = arith.addf %add3A_710, %mul3A_739 : f32
    %gt3A_741 = vector.broadcast %bitcast_convert_type3A_355 : f32 to vector<256x256xf32>
    %gt3A_742 = arith.cmpf ogt, %get3A_724, %gt3A_741 : vector<256x256xf32>
    %and3A_743 = arith.andi %gt3A_727, %gt3A_742 : vector<256x256xi1>
    %jit3A_744 = arith.constant 0x7F800000 : f32
    %broadcast_in_dim3A_745 = vector.broadcast %jit3A_744 : f32 to vector<256x256xf32>
    %select_n3A_746 = arith.select %and3A_743, %get3A_724, %broadcast_in_dim3A_745 : vector<256x256xi1>, vector<256x256xf32>
    %reduce_min3A_747 = vector.shape_cast %select_n3A_746 : vector<256x256xf32> to vector<1x256x256xf32>
    %reduce_min3A_748 = arith.constant dense<0x7F800000> : vector<1xf32>
    %reduce_min3A_749 = vector.multi_reduction <minimumf>, %reduce_min3A_747, %reduce_min3A_748 [1, 2] : vector<1x256x256xf32> to vector<1xf32>
    %reduce_min3A_750 = vector.shape_cast %reduce_min3A_749 : vector<1xf32> to vector<1x1x1xf32>
    %reduce_min3A_751 = vector.extract %reduce_min3A_750[0, 0, 0] : f32 from vector<1x1x1xf32>
    %min3A_752 = arith.minimumf %min3A_721, %reduce_min3A_751 : f32
    %get3A_753 = arith.constant 1536 : index
    %get3A_754 = arith.constant 1792 : index
    %get3A_755 = vector.load %arg3[%get3A_753, %get3A_754] : memref<2048x2048xf32, #tpu.memory_space<vmem>>, vector<256x256xf32>
    %le3A_756 = vector.broadcast %bitcast_convert_type3A_355 : f32 to vector<256x256xf32>
    %le3A_757 = arith.cmpf ole, %get3A_755, %le3A_756 : vector<256x256xf32>
    %convert_element_type3A_758 = arith.extui %le3A_757 : vector<256x256xi1> to vector<256x256xi32>
    %convert_element_type3A_759 = arith.sitofp %convert_element_type3A_758 : vector<256x256xi32> to vector<256x256xf32>
    %reduce_sum3A_760 = vector.shape_cast %convert_element_type3A_759 : vector<256x256xf32> to vector<1x256x256xf32>
    %reduce_sum3A_761 = arith.constant dense<0.000000e+00> : vector<1xf32>
    %reduce_sum3A_762 = vector.multi_reduction <add>, %reduce_sum3A_760, %reduce_sum3A_761 [1, 2] : vector<1x256x256xf32> to vector<1xf32>
    %reduce_sum3A_763 = vector.shape_cast %reduce_sum3A_762 : vector<1xf32> to vector<1x1x1xf32>
    %reduce_sum3A_764 = vector.extract %reduce_sum3A_763[0, 0, 0] : f32 from vector<1x1x1xf32>
    %mul3A_765 = arith.constant 2.000000e+00 : f32
    %mul3A_766 = arith.mulf %mul3A_765, %reduce_sum3A_764 : f32
    %add3A_767 = arith.addf %add3A_740, %mul3A_766 : f32
    %gt3A_768 = vector.broadcast %bitcast_convert_type3A_355 : f32 to vector<256x256xf32>
    %gt3A_769 = arith.cmpf ogt, %get3A_755, %gt3A_768 : vector<256x256xf32>
    %jit3A_770 = arith.constant 0x7F800000 : f32
    %broadcast_in_dim3A_771 = vector.broadcast %jit3A_770 : f32 to vector<256x256xf32>
    %select_n3A_772 = arith.select %gt3A_769, %get3A_755, %broadcast_in_dim3A_771 : vector<256x256xi1>, vector<256x256xf32>
    %reduce_min3A_773 = vector.shape_cast %select_n3A_772 : vector<256x256xf32> to vector<1x256x256xf32>
    %reduce_min3A_774 = arith.constant dense<0x7F800000> : vector<1xf32>
    %reduce_min3A_775 = vector.multi_reduction <minimumf>, %reduce_min3A_773, %reduce_min3A_774 [1, 2] : vector<1x256x256xf32> to vector<1xf32>
    %reduce_min3A_776 = vector.shape_cast %reduce_min3A_775 : vector<1xf32> to vector<1x1x1xf32>
    %reduce_min3A_777 = vector.extract %reduce_min3A_776[0, 0, 0] : f32 from vector<1x1x1xf32>
    %min3A_778 = arith.minimumf %min3A_752, %reduce_min3A_777 : f32
    %get3A_779 = arith.constant 1792 : index
    %get3A_780 = arith.constant 1792 : index
    %get3A_781 = vector.load %arg3[%get3A_779, %get3A_780] : memref<2048x2048xf32, #tpu.memory_space<vmem>>, vector<256x256xf32>
    %iota3A_782 = tpu.iota {dimensions = array<i32: 0>} : vector<256x256xi32>
    %iota3A_783 = tpu.iota {dimensions = array<i32: 1>} : vector<256x256xi32>
    %gt3A_784 = arith.cmpi sgt, %iota3A_783, %iota3A_782 : vector<256x256xi32>
    %le3A_785 = vector.broadcast %bitcast_convert_type3A_355 : f32 to vector<256x256xf32>
    %le3A_786 = arith.cmpf ole, %get3A_781, %le3A_785 : vector<256x256xf32>
    %and3A_787 = arith.andi %le3A_786, %gt3A_784 : vector<256x256xi1>
    %convert_element_type3A_788 = arith.extui %and3A_787 : vector<256x256xi1> to vector<256x256xi32>
    %convert_element_type3A_789 = arith.sitofp %convert_element_type3A_788 : vector<256x256xi32> to vector<256x256xf32>
    %reduce_sum3A_790 = vector.shape_cast %convert_element_type3A_789 : vector<256x256xf32> to vector<1x256x256xf32>
    %reduce_sum3A_791 = arith.constant dense<0.000000e+00> : vector<1xf32>
    %reduce_sum3A_792 = vector.multi_reduction <add>, %reduce_sum3A_790, %reduce_sum3A_791 [1, 2] : vector<1x256x256xf32> to vector<1xf32>
    %reduce_sum3A_793 = vector.shape_cast %reduce_sum3A_792 : vector<1xf32> to vector<1x1x1xf32>
    %reduce_sum3A_794 = vector.extract %reduce_sum3A_793[0, 0, 0] : f32 from vector<1x1x1xf32>
    %mul3A_795 = arith.constant 2.000000e+00 : f32
    %mul3A_796 = arith.mulf %mul3A_795, %reduce_sum3A_794 : f32
    %add3A_797 = arith.addf %add3A_767, %mul3A_796 : f32
    %gt3A_798 = vector.broadcast %bitcast_convert_type3A_355 : f32 to vector<256x256xf32>
    %gt3A_799 = arith.cmpf ogt, %get3A_781, %gt3A_798 : vector<256x256xf32>
    %and3A_800 = arith.andi %gt3A_784, %gt3A_799 : vector<256x256xi1>
    %jit3A_801 = arith.constant 0x7F800000 : f32
    %broadcast_in_dim3A_802 = vector.broadcast %jit3A_801 : f32 to vector<256x256xf32>
    %select_n3A_803 = arith.select %and3A_800, %get3A_781, %broadcast_in_dim3A_802 : vector<256x256xi1>, vector<256x256xf32>
    %reduce_min3A_804 = vector.shape_cast %select_n3A_803 : vector<256x256xf32> to vector<1x256x256xf32>
    %reduce_min3A_805 = arith.constant dense<0x7F800000> : vector<1xf32>
    %reduce_min3A_806 = vector.multi_reduction <minimumf>, %reduce_min3A_804, %reduce_min3A_805 [1, 2] : vector<1x256x256xf32> to vector<1xf32>
    %reduce_min3A_807 = vector.shape_cast %reduce_min3A_806 : vector<1xf32> to vector<1x1x1xf32>
    %reduce_min3A_808 = vector.extract %reduce_min3A_807[0, 0, 0] : f32 from vector<1x1x1xf32>
    %min3A_809 = arith.minimumf %min3A_778, %reduce_min3A_808 : f32
    %ge3A = arith.constant 0x4A000004 : f32
    %ge3A_810 = arith.cmpf oge, %add3A_797, %ge3A : f32
    %select_n3A_811 = arith.select %ge3A_810, %bitcast_convert_type3A_355, %min3A_809 : f32
    %add3A_812 = arith.addf %bitcast_convert_type3A_355, %select_n3A_811 : f32
    %mul3A_813 = arith.constant 5.000000e-01 : f32
    %mul3A_814 = arith.mulf %add3A_812, %mul3A_813 : f32
    %mul3A_815 = arith.constant 5.000000e-01 : f32
    %mul3A_816 = arith.mulf %mul3A_814, %mul3A_815 : f32
    %lt3A = arith.constant 9.99999997E-7 : f32
    %lt3A_817 = arith.cmpf olt, %mul3A_816, %lt3A : f32
    %jit3A_818 = arith.constant 1.000000e+00 : f32
    %select_n3A_819 = arith.select %lt3A_817, %jit3A_818, %mul3A_816 : f32
    %add3A_820 = arith.constant 9.99999993E-9 : f32
    %add3A_821 = arith.addf %select_n3A_819, %add3A_820 : f32
    %div3A = arith.constant 1.000000e+00 : f32
    %div3A_822 = arith.divf %div3A, %add3A_821 : f32
    %get3A_823 = arith.constant 0 : index
    %get3A_824 = arith.constant 0 : index
    %get3A_825 = vector.load %arg4[%get3A_823, %get3A_824] : memref<2048x1xf32, #tpu.memory_space<vmem>>, vector<2048x1xf32>
    %neg3A = arith.constant 0.000000e+00 : f32
    %neg3A_826 = arith.subf %neg3A, %div3A_822 : f32
    %slice3A_827 = vector.extract_strided_slice %get3A_825 {offsets = [0, 0], sizes = [1024, 1], strides = [1, 1]} : vector<2048x1xf32> to vector<1024x1xf32>
    %mul3A_828 = vector.broadcast %neg3A_826 : f32 to vector<1024x1xf32>
    %mul3A_829 = arith.mulf %mul3A_828, %slice3A_827 : vector<1024x1xf32>
    %exp3A = math.exp %mul3A_829 : vector<1024x1xf32>
    %reduce_sum3A_830 = vector.shape_cast %exp3A : vector<1024x1xf32> to vector<1x1024x1xf32>
    %reduce_sum3A_831 = arith.constant dense<0.000000e+00> : vector<1xf32>
    %reduce_sum3A_832 = vector.multi_reduction <add>, %reduce_sum3A_830, %reduce_sum3A_831 [1, 2] : vector<1x1024x1xf32> to vector<1xf32>
    %reduce_sum3A_833 = vector.shape_cast %reduce_sum3A_832 : vector<1xf32> to vector<1x1x1xf32>
    %reduce_sum3A_834 = vector.extract %reduce_sum3A_833[0, 0, 0] : f32 from vector<1x1x1xf32>
    %neg3A_835 = arith.constant 0.000000e+00 : f32
    %neg3A_836 = arith.subf %neg3A_835, %div3A_822 : f32
    %slice3A_837 = vector.extract_strided_slice %get3A_825 {offsets = [1024, 0], sizes = [1024, 1], strides = [1, 1]} : vector<2048x1xf32> to vector<1024x1xf32>
    %mul3A_838 = vector.broadcast %neg3A_836 : f32 to vector<1024x1xf32>
    %mul3A_839 = arith.mulf %mul3A_838, %slice3A_837 : vector<1024x1xf32>
    %exp3A_840 = math.exp %mul3A_839 : vector<1024x1xf32>
    %reduce_sum3A_841 = vector.shape_cast %exp3A_840 : vector<1024x1xf32> to vector<1x1024x1xf32>
    %reduce_sum3A_842 = arith.constant dense<0.000000e+00> : vector<1xf32>
    %reduce_sum3A_843 = vector.multi_reduction <add>, %reduce_sum3A_841, %reduce_sum3A_842 [1, 2] : vector<1x1024x1xf32> to vector<1xf32>
    %reduce_sum3A_844 = vector.shape_cast %reduce_sum3A_843 : vector<1xf32> to vector<1x1x1xf32>
    %reduce_sum3A_845 = vector.extract %reduce_sum3A_844[0, 0, 0] : f32 from vector<1x1x1xf32>
    %neg3A_846 = arith.constant 0.000000e+00 : f32
    %neg3A_847 = arith.subf %neg3A_846, %div3A_822 : f32
    %get3A_848 = arith.constant 0 : index
    %get3A_849 = arith.constant 1024 : index
    %get3A_850 = vector.load %arg3[%get3A_848, %get3A_849] : memref<2048x2048xf32, #tpu.memory_space<vmem>>, vector<1024x1024xf32>
    %mul3A_851 = vector.broadcast %neg3A_847 : f32 to vector<1024x1024xf32>
    %mul3A_852 = arith.mulf %mul3A_851, %get3A_850 : vector<1024x1024xf32>
    %exp3A_853 = math.exp %mul3A_852 : vector<1024x1024xf32>
    %reduce_sum3A_854 = vector.shape_cast %exp3A_853 : vector<1024x1024xf32> to vector<1x1024x1024xf32>
    %reduce_sum3A_855 = arith.constant dense<0.000000e+00> : vector<1xf32>
    %reduce_sum3A_856 = vector.multi_reduction <add>, %reduce_sum3A_854, %reduce_sum3A_855 [1, 2] : vector<1x1024x1024xf32> to vector<1xf32>
    %reduce_sum3A_857 = vector.shape_cast %reduce_sum3A_856 : vector<1xf32> to vector<1x1x1xf32>
    %reduce_sum3A_858 = vector.extract %reduce_sum3A_857[0, 0, 0] : f32 from vector<1x1x1xf32>
    %iota3A_859 = tpu.iota {dimensions = array<i32: 0>} : vector<256x256xi32>
    %iota3A_860 = tpu.iota {dimensions = array<i32: 1>} : vector<256x256xi32>
    %gt3A_861 = arith.cmpi sgt, %iota3A_860, %iota3A_859 : vector<256x256xi32>
    %neg3A_862 = arith.constant 0.000000e+00 : f32
    %neg3A_863 = arith.subf %neg3A_862, %div3A_822 : f32
    %get3A_864 = arith.constant 0 : index
    %get3A_865 = arith.constant 0 : index
    %get3A_866 = vector.load %arg3[%get3A_864, %get3A_865] : memref<2048x2048xf32, #tpu.memory_space<vmem>>, vector<256x256xf32>
    %mul3A_867 = vector.broadcast %neg3A_863 : f32 to vector<256x256xf32>
    %mul3A_868 = arith.mulf %mul3A_867, %get3A_866 : vector<256x256xf32>
    %exp3A_869 = math.exp %mul3A_868 : vector<256x256xf32>
    %jit3A_870 = arith.constant 0.000000e+00 : f32
    %broadcast_in_dim3A_871 = vector.broadcast %jit3A_870 : f32 to vector<256x256xf32>
    %select_n3A_872 = arith.select %gt3A_861, %exp3A_869, %broadcast_in_dim3A_871 : vector<256x256xi1>, vector<256x256xf32>
    %reduce_sum3A_873 = vector.shape_cast %select_n3A_872 : vector<256x256xf32> to vector<1x256x256xf32>
    %reduce_sum3A_874 = arith.constant dense<0.000000e+00> : vector<1xf32>
    %reduce_sum3A_875 = vector.multi_reduction <add>, %reduce_sum3A_873, %reduce_sum3A_874 [1, 2] : vector<1x256x256xf32> to vector<1xf32>
    %reduce_sum3A_876 = vector.shape_cast %reduce_sum3A_875 : vector<1xf32> to vector<1x1x1xf32>
    %reduce_sum3A_877 = vector.extract %reduce_sum3A_876[0, 0, 0] : f32 from vector<1x1x1xf32>
    %mul3A_878 = arith.constant 2.000000e+00 : f32
    %mul3A_879 = arith.mulf %mul3A_878, %reduce_sum3A_877 : f32
    %add3A_880 = arith.addf %reduce_sum3A_834, %mul3A_879 : f32
    %neg3A_881 = arith.constant 0.000000e+00 : f32
    %neg3A_882 = arith.subf %neg3A_881, %div3A_822 : f32
    %get3A_883 = arith.constant 0 : index
    %get3A_884 = arith.constant 256 : index
    %get3A_885 = vector.load %arg3[%get3A_883, %get3A_884] : memref<2048x2048xf32, #tpu.memory_space<vmem>>, vector<256x768xf32>
    %mul3A_886 = vector.broadcast %neg3A_882 : f32 to vector<256x768xf32>
    %mul3A_887 = arith.mulf %mul3A_886, %get3A_885 : vector<256x768xf32>
    %exp3A_888 = math.exp %mul3A_887 : vector<256x768xf32>
    %reduce_sum3A_889 = vector.shape_cast %exp3A_888 : vector<256x768xf32> to vector<1x256x768xf32>
    %reduce_sum3A_890 = arith.constant dense<0.000000e+00> : vector<1xf32>
    %reduce_sum3A_891 = vector.multi_reduction <add>, %reduce_sum3A_889, %reduce_sum3A_890 [1, 2] : vector<1x256x768xf32> to vector<1xf32>
    %reduce_sum3A_892 = vector.shape_cast %reduce_sum3A_891 : vector<1xf32> to vector<1x1x1xf32>
    %reduce_sum3A_893 = vector.extract %reduce_sum3A_892[0, 0, 0] : f32 from vector<1x1x1xf32>
    %mul3A_894 = arith.constant 2.000000e+00 : f32
    %mul3A_895 = arith.mulf %mul3A_894, %reduce_sum3A_893 : f32
    %add3A_896 = arith.addf %add3A_880, %mul3A_895 : f32
    %neg3A_897 = arith.constant 0.000000e+00 : f32
    %neg3A_898 = arith.subf %neg3A_897, %div3A_822 : f32
    %get3A_899 = arith.constant 1024 : index
    %get3A_900 = arith.constant 1024 : index
    %get3A_901 = vector.load %arg3[%get3A_899, %get3A_900] : memref<2048x2048xf32, #tpu.memory_space<vmem>>, vector<256x256xf32>
    %mul3A_902 = vector.broadcast %neg3A_898 : f32 to vector<256x256xf32>
    %mul3A_903 = arith.mulf %mul3A_902, %get3A_901 : vector<256x256xf32>
    %exp3A_904 = math.exp %mul3A_903 : vector<256x256xf32>
    %jit3A_905 = arith.constant 0.000000e+00 : f32
    %broadcast_in_dim3A_906 = vector.broadcast %jit3A_905 : f32 to vector<256x256xf32>
    %select_n3A_907 = arith.select %gt3A_861, %exp3A_904, %broadcast_in_dim3A_906 : vector<256x256xi1>, vector<256x256xf32>
    %reduce_sum3A_908 = vector.shape_cast %select_n3A_907 : vector<256x256xf32> to vector<1x256x256xf32>
    %reduce_sum3A_909 = arith.constant dense<0.000000e+00> : vector<1xf32>
    %reduce_sum3A_910 = vector.multi_reduction <add>, %reduce_sum3A_908, %reduce_sum3A_909 [1, 2] : vector<1x256x256xf32> to vector<1xf32>
    %reduce_sum3A_911 = vector.shape_cast %reduce_sum3A_910 : vector<1xf32> to vector<1x1x1xf32>
    %reduce_sum3A_912 = vector.extract %reduce_sum3A_911[0, 0, 0] : f32 from vector<1x1x1xf32>
    %mul3A_913 = arith.constant 2.000000e+00 : f32
    %mul3A_914 = arith.mulf %mul3A_913, %reduce_sum3A_912 : f32
    %add3A_915 = arith.addf %reduce_sum3A_845, %mul3A_914 : f32
    %neg3A_916 = arith.constant 0.000000e+00 : f32
    %neg3A_917 = arith.subf %neg3A_916, %div3A_822 : f32
    %get3A_918 = arith.constant 1024 : index
    %get3A_919 = arith.constant 1280 : index
    %get3A_920 = vector.load %arg3[%get3A_918, %get3A_919] : memref<2048x2048xf32, #tpu.memory_space<vmem>>, vector<256x768xf32>
    %mul3A_921 = vector.broadcast %neg3A_917 : f32 to vector<256x768xf32>
    %mul3A_922 = arith.mulf %mul3A_921, %get3A_920 : vector<256x768xf32>
    %exp3A_923 = math.exp %mul3A_922 : vector<256x768xf32>
    %reduce_sum3A_924 = vector.shape_cast %exp3A_923 : vector<256x768xf32> to vector<1x256x768xf32>
    %reduce_sum3A_925 = arith.constant dense<0.000000e+00> : vector<1xf32>
    %reduce_sum3A_926 = vector.multi_reduction <add>, %reduce_sum3A_924, %reduce_sum3A_925 [1, 2] : vector<1x256x768xf32> to vector<1xf32>
    %reduce_sum3A_927 = vector.shape_cast %reduce_sum3A_926 : vector<1xf32> to vector<1x1x1xf32>
    %reduce_sum3A_928 = vector.extract %reduce_sum3A_927[0, 0, 0] : f32 from vector<1x1x1xf32>
    %mul3A_929 = arith.constant 2.000000e+00 : f32
    %mul3A_930 = arith.mulf %mul3A_929, %reduce_sum3A_928 : f32
    %add3A_931 = arith.addf %add3A_915, %mul3A_930 : f32
    %iota3A_932 = tpu.iota {dimensions = array<i32: 0>} : vector<256x256xi32>
    %iota3A_933 = tpu.iota {dimensions = array<i32: 1>} : vector<256x256xi32>
    %gt3A_934 = arith.cmpi sgt, %iota3A_933, %iota3A_932 : vector<256x256xi32>
    %neg3A_935 = arith.constant 0.000000e+00 : f32
    %neg3A_936 = arith.subf %neg3A_935, %div3A_822 : f32
    %get3A_937 = arith.constant 256 : index
    %get3A_938 = arith.constant 256 : index
    %get3A_939 = vector.load %arg3[%get3A_937, %get3A_938] : memref<2048x2048xf32, #tpu.memory_space<vmem>>, vector<256x256xf32>
    %mul3A_940 = vector.broadcast %neg3A_936 : f32 to vector<256x256xf32>
    %mul3A_941 = arith.mulf %mul3A_940, %get3A_939 : vector<256x256xf32>
    %exp3A_942 = math.exp %mul3A_941 : vector<256x256xf32>
    %jit3A_943 = arith.constant 0.000000e+00 : f32
    %broadcast_in_dim3A_944 = vector.broadcast %jit3A_943 : f32 to vector<256x256xf32>
    %select_n3A_945 = arith.select %gt3A_934, %exp3A_942, %broadcast_in_dim3A_944 : vector<256x256xi1>, vector<256x256xf32>
    %reduce_sum3A_946 = vector.shape_cast %select_n3A_945 : vector<256x256xf32> to vector<1x256x256xf32>
    %reduce_sum3A_947 = arith.constant dense<0.000000e+00> : vector<1xf32>
    %reduce_sum3A_948 = vector.multi_reduction <add>, %reduce_sum3A_946, %reduce_sum3A_947 [1, 2] : vector<1x256x256xf32> to vector<1xf32>
    %reduce_sum3A_949 = vector.shape_cast %reduce_sum3A_948 : vector<1xf32> to vector<1x1x1xf32>
    %reduce_sum3A_950 = vector.extract %reduce_sum3A_949[0, 0, 0] : f32 from vector<1x1x1xf32>
    %mul3A_951 = arith.constant 2.000000e+00 : f32
    %mul3A_952 = arith.mulf %mul3A_951, %reduce_sum3A_950 : f32
    %add3A_953 = arith.addf %add3A_896, %mul3A_952 : f32
    %neg3A_954 = arith.constant 0.000000e+00 : f32
    %neg3A_955 = arith.subf %neg3A_954, %div3A_822 : f32
    %get3A_956 = arith.constant 256 : index
    %get3A_957 = arith.constant 512 : index
    %get3A_958 = vector.load %arg3[%get3A_956, %get3A_957] : memref<2048x2048xf32, #tpu.memory_space<vmem>>, vector<256x512xf32>
    %mul3A_959 = vector.broadcast %neg3A_955 : f32 to vector<256x512xf32>
    %mul3A_960 = arith.mulf %mul3A_959, %get3A_958 : vector<256x512xf32>
    %exp3A_961 = math.exp %mul3A_960 : vector<256x512xf32>
    %reduce_sum3A_962 = vector.shape_cast %exp3A_961 : vector<256x512xf32> to vector<1x256x512xf32>
    %reduce_sum3A_963 = arith.constant dense<0.000000e+00> : vector<1xf32>
    %reduce_sum3A_964 = vector.multi_reduction <add>, %reduce_sum3A_962, %reduce_sum3A_963 [1, 2] : vector<1x256x512xf32> to vector<1xf32>
    %reduce_sum3A_965 = vector.shape_cast %reduce_sum3A_964 : vector<1xf32> to vector<1x1x1xf32>
    %reduce_sum3A_966 = vector.extract %reduce_sum3A_965[0, 0, 0] : f32 from vector<1x1x1xf32>
    %mul3A_967 = arith.constant 2.000000e+00 : f32
    %mul3A_968 = arith.mulf %mul3A_967, %reduce_sum3A_966 : f32
    %add3A_969 = arith.addf %add3A_953, %mul3A_968 : f32
    %neg3A_970 = arith.constant 0.000000e+00 : f32
    %neg3A_971 = arith.subf %neg3A_970, %div3A_822 : f32
    %get3A_972 = arith.constant 1280 : index
    %get3A_973 = arith.constant 1280 : index
    %get3A_974 = vector.load %arg3[%get3A_972, %get3A_973] : memref<2048x2048xf32, #tpu.memory_space<vmem>>, vector<256x256xf32>
    %mul3A_975 = vector.broadcast %neg3A_971 : f32 to vector<256x256xf32>
    %mul3A_976 = arith.mulf %mul3A_975, %get3A_974 : vector<256x256xf32>
    %exp3A_977 = math.exp %mul3A_976 : vector<256x256xf32>
    %jit3A_978 = arith.constant 0.000000e+00 : f32
    %broadcast_in_dim3A_979 = vector.broadcast %jit3A_978 : f32 to vector<256x256xf32>
    %select_n3A_980 = arith.select %gt3A_934, %exp3A_977, %broadcast_in_dim3A_979 : vector<256x256xi1>, vector<256x256xf32>
    %reduce_sum3A_981 = vector.shape_cast %select_n3A_980 : vector<256x256xf32> to vector<1x256x256xf32>
    %reduce_sum3A_982 = arith.constant dense<0.000000e+00> : vector<1xf32>
    %reduce_sum3A_983 = vector.multi_reduction <add>, %reduce_sum3A_981, %reduce_sum3A_982 [1, 2] : vector<1x256x256xf32> to vector<1xf32>
    %reduce_sum3A_984 = vector.shape_cast %reduce_sum3A_983 : vector<1xf32> to vector<1x1x1xf32>
    %reduce_sum3A_985 = vector.extract %reduce_sum3A_984[0, 0, 0] : f32 from vector<1x1x1xf32>
    %mul3A_986 = arith.constant 2.000000e+00 : f32
    %mul3A_987 = arith.mulf %mul3A_986, %reduce_sum3A_985 : f32
    %add3A_988 = arith.addf %add3A_931, %mul3A_987 : f32
    %neg3A_989 = arith.constant 0.000000e+00 : f32
    %neg3A_990 = arith.subf %neg3A_989, %div3A_822 : f32
    %get3A_991 = arith.constant 1280 : index
    %get3A_992 = arith.constant 1536 : index
    %get3A_993 = vector.load %arg3[%get3A_991, %get3A_992] : memref<2048x2048xf32, #tpu.memory_space<vmem>>, vector<256x512xf32>
    %mul3A_994 = vector.broadcast %neg3A_990 : f32 to vector<256x512xf32>
    %mul3A_995 = arith.mulf %mul3A_994, %get3A_993 : vector<256x512xf32>
    %exp3A_996 = math.exp %mul3A_995 : vector<256x512xf32>
    %reduce_sum3A_997 = vector.shape_cast %exp3A_996 : vector<256x512xf32> to vector<1x256x512xf32>
    %reduce_sum3A_998 = arith.constant dense<0.000000e+00> : vector<1xf32>
    %reduce_sum3A_999 = vector.multi_reduction <add>, %reduce_sum3A_997, %reduce_sum3A_998 [1, 2] : vector<1x256x512xf32> to vector<1xf32>
    %reduce_sum3A_1000 = vector.shape_cast %reduce_sum3A_999 : vector<1xf32> to vector<1x1x1xf32>
    %reduce_sum3A_1001 = vector.extract %reduce_sum3A_1000[0, 0, 0] : f32 from vector<1x1x1xf32>
    %mul3A_1002 = arith.constant 2.000000e+00 : f32
    %mul3A_1003 = arith.mulf %mul3A_1002, %reduce_sum3A_1001 : f32
    %add3A_1004 = arith.addf %add3A_988, %mul3A_1003 : f32
    %iota3A_1005 = tpu.iota {dimensions = array<i32: 0>} : vector<256x256xi32>
    %iota3A_1006 = tpu.iota {dimensions = array<i32: 1>} : vector<256x256xi32>
    %gt3A_1007 = arith.cmpi sgt, %iota3A_1006, %iota3A_1005 : vector<256x256xi32>
    %neg3A_1008 = arith.constant 0.000000e+00 : f32
    %neg3A_1009 = arith.subf %neg3A_1008, %div3A_822 : f32
    %get3A_1010 = arith.constant 512 : index
    %get3A_1011 = arith.constant 512 : index
    %get3A_1012 = vector.load %arg3[%get3A_1010, %get3A_1011] : memref<2048x2048xf32, #tpu.memory_space<vmem>>, vector<256x256xf32>
    %mul3A_1013 = vector.broadcast %neg3A_1009 : f32 to vector<256x256xf32>
    %mul3A_1014 = arith.mulf %mul3A_1013, %get3A_1012 : vector<256x256xf32>
    %exp3A_1015 = math.exp %mul3A_1014 : vector<256x256xf32>
    %jit3A_1016 = arith.constant 0.000000e+00 : f32
    %broadcast_in_dim3A_1017 = vector.broadcast %jit3A_1016 : f32 to vector<256x256xf32>
    %select_n3A_1018 = arith.select %gt3A_1007, %exp3A_1015, %broadcast_in_dim3A_1017 : vector<256x256xi1>, vector<256x256xf32>
    %reduce_sum3A_1019 = vector.shape_cast %select_n3A_1018 : vector<256x256xf32> to vector<1x256x256xf32>
    %reduce_sum3A_1020 = arith.constant dense<0.000000e+00> : vector<1xf32>
    %reduce_sum3A_1021 = vector.multi_reduction <add>, %reduce_sum3A_1019, %reduce_sum3A_1020 [1, 2] : vector<1x256x256xf32> to vector<1xf32>
    %reduce_sum3A_1022 = vector.shape_cast %reduce_sum3A_1021 : vector<1xf32> to vector<1x1x1xf32>
    %reduce_sum3A_1023 = vector.extract %reduce_sum3A_1022[0, 0, 0] : f32 from vector<1x1x1xf32>
    %mul3A_1024 = arith.constant 2.000000e+00 : f32
    %mul3A_1025 = arith.mulf %mul3A_1024, %reduce_sum3A_1023 : f32
    %add3A_1026 = arith.addf %add3A_969, %mul3A_1025 : f32
    %neg3A_1027 = arith.constant 0.000000e+00 : f32
    %neg3A_1028 = arith.subf %neg3A_1027, %div3A_822 : f32
    %get3A_1029 = arith.constant 512 : index
    %get3A_1030 = arith.constant 768 : index
    %get3A_1031 = vector.load %arg3[%get3A_1029, %get3A_1030] : memref<2048x2048xf32, #tpu.memory_space<vmem>>, vector<256x256xf32>
    %mul3A_1032 = vector.broadcast %neg3A_1028 : f32 to vector<256x256xf32>
    %mul3A_1033 = arith.mulf %mul3A_1032, %get3A_1031 : vector<256x256xf32>
    %exp3A_1034 = math.exp %mul3A_1033 : vector<256x256xf32>
    %reduce_sum3A_1035 = vector.shape_cast %exp3A_1034 : vector<256x256xf32> to vector<1x256x256xf32>
    %reduce_sum3A_1036 = arith.constant dense<0.000000e+00> : vector<1xf32>
    %reduce_sum3A_1037 = vector.multi_reduction <add>, %reduce_sum3A_1035, %reduce_sum3A_1036 [1, 2] : vector<1x256x256xf32> to vector<1xf32>
    %reduce_sum3A_1038 = vector.shape_cast %reduce_sum3A_1037 : vector<1xf32> to vector<1x1x1xf32>
    %reduce_sum3A_1039 = vector.extract %reduce_sum3A_1038[0, 0, 0] : f32 from vector<1x1x1xf32>
    %mul3A_1040 = arith.constant 2.000000e+00 : f32
    %mul3A_1041 = arith.mulf %mul3A_1040, %reduce_sum3A_1039 : f32
    %add3A_1042 = arith.addf %add3A_1026, %mul3A_1041 : f32
    %neg3A_1043 = arith.constant 0.000000e+00 : f32
    %neg3A_1044 = arith.subf %neg3A_1043, %div3A_822 : f32
    %get3A_1045 = arith.constant 1536 : index
    %get3A_1046 = arith.constant 1536 : index
    %get3A_1047 = vector.load %arg3[%get3A_1045, %get3A_1046] : memref<2048x2048xf32, #tpu.memory_space<vmem>>, vector<256x256xf32>
    %mul3A_1048 = vector.broadcast %neg3A_1044 : f32 to vector<256x256xf32>
    %mul3A_1049 = arith.mulf %mul3A_1048, %get3A_1047 : vector<256x256xf32>
    %exp3A_1050 = math.exp %mul3A_1049 : vector<256x256xf32>
    %jit3A_1051 = arith.constant 0.000000e+00 : f32
    %broadcast_in_dim3A_1052 = vector.broadcast %jit3A_1051 : f32 to vector<256x256xf32>
    %select_n3A_1053 = arith.select %gt3A_1007, %exp3A_1050, %broadcast_in_dim3A_1052 : vector<256x256xi1>, vector<256x256xf32>
    %reduce_sum3A_1054 = vector.shape_cast %select_n3A_1053 : vector<256x256xf32> to vector<1x256x256xf32>
    %reduce_sum3A_1055 = arith.constant dense<0.000000e+00> : vector<1xf32>
    %reduce_sum3A_1056 = vector.multi_reduction <add>, %reduce_sum3A_1054, %reduce_sum3A_1055 [1, 2] : vector<1x256x256xf32> to vector<1xf32>
    %reduce_sum3A_1057 = vector.shape_cast %reduce_sum3A_1056 : vector<1xf32> to vector<1x1x1xf32>
    %reduce_sum3A_1058 = vector.extract %reduce_sum3A_1057[0, 0, 0] : f32 from vector<1x1x1xf32>
    %mul3A_1059 = arith.constant 2.000000e+00 : f32
    %mul3A_1060 = arith.mulf %mul3A_1059, %reduce_sum3A_1058 : f32
    %add3A_1061 = arith.addf %add3A_1004, %mul3A_1060 : f32
    %neg3A_1062 = arith.constant 0.000000e+00 : f32
    %neg3A_1063 = arith.subf %neg3A_1062, %div3A_822 : f32
    %get3A_1064 = arith.constant 1536 : index
    %get3A_1065 = arith.constant 1792 : index
    %get3A_1066 = vector.load %arg3[%get3A_1064, %get3A_1065] : memref<2048x2048xf32, #tpu.memory_space<vmem>>, vector<256x256xf32>
    %mul3A_1067 = vector.broadcast %neg3A_1063 : f32 to vector<256x256xf32>
    %mul3A_1068 = arith.mulf %mul3A_1067, %get3A_1066 : vector<256x256xf32>
    %exp3A_1069 = math.exp %mul3A_1068 : vector<256x256xf32>
    %reduce_sum3A_1070 = vector.shape_cast %exp3A_1069 : vector<256x256xf32> to vector<1x256x256xf32>
    %reduce_sum3A_1071 = arith.constant dense<0.000000e+00> : vector<1xf32>
    %reduce_sum3A_1072 = vector.multi_reduction <add>, %reduce_sum3A_1070, %reduce_sum3A_1071 [1, 2] : vector<1x256x256xf32> to vector<1xf32>
    %reduce_sum3A_1073 = vector.shape_cast %reduce_sum3A_1072 : vector<1xf32> to vector<1x1x1xf32>
    %reduce_sum3A_1074 = vector.extract %reduce_sum3A_1073[0, 0, 0] : f32 from vector<1x1x1xf32>
    %mul3A_1075 = arith.constant 2.000000e+00 : f32
    %mul3A_1076 = arith.mulf %mul3A_1075, %reduce_sum3A_1074 : f32
    %add3A_1077 = arith.addf %add3A_1061, %mul3A_1076 : f32
    %iota3A_1078 = tpu.iota {dimensions = array<i32: 0>} : vector<256x256xi32>
    %iota3A_1079 = tpu.iota {dimensions = array<i32: 1>} : vector<256x256xi32>
    %gt3A_1080 = arith.cmpi sgt, %iota3A_1079, %iota3A_1078 : vector<256x256xi32>
    %neg3A_1081 = arith.constant 0.000000e+00 : f32
    %neg3A_1082 = arith.subf %neg3A_1081, %div3A_822 : f32
    %get3A_1083 = arith.constant 768 : index
    %get3A_1084 = arith.constant 768 : index
    %get3A_1085 = vector.load %arg3[%get3A_1083, %get3A_1084] : memref<2048x2048xf32, #tpu.memory_space<vmem>>, vector<256x256xf32>
    %mul3A_1086 = vector.broadcast %neg3A_1082 : f32 to vector<256x256xf32>
    %mul3A_1087 = arith.mulf %mul3A_1086, %get3A_1085 : vector<256x256xf32>
    %exp3A_1088 = math.exp %mul3A_1087 : vector<256x256xf32>
    %jit3A_1089 = arith.constant 0.000000e+00 : f32
    %broadcast_in_dim3A_1090 = vector.broadcast %jit3A_1089 : f32 to vector<256x256xf32>
    %select_n3A_1091 = arith.select %gt3A_1080, %exp3A_1088, %broadcast_in_dim3A_1090 : vector<256x256xi1>, vector<256x256xf32>
    %reduce_sum3A_1092 = vector.shape_cast %select_n3A_1091 : vector<256x256xf32> to vector<1x256x256xf32>
    %reduce_sum3A_1093 = arith.constant dense<0.000000e+00> : vector<1xf32>
    %reduce_sum3A_1094 = vector.multi_reduction <add>, %reduce_sum3A_1092, %reduce_sum3A_1093 [1, 2] : vector<1x256x256xf32> to vector<1xf32>
    %reduce_sum3A_1095 = vector.shape_cast %reduce_sum3A_1094 : vector<1xf32> to vector<1x1x1xf32>
    %reduce_sum3A_1096 = vector.extract %reduce_sum3A_1095[0, 0, 0] : f32 from vector<1x1x1xf32>
    %mul3A_1097 = arith.constant 2.000000e+00 : f32
    %mul3A_1098 = arith.mulf %mul3A_1097, %reduce_sum3A_1096 : f32
    %add3A_1099 = arith.addf %add3A_1042, %mul3A_1098 : f32
    %neg3A_1100 = arith.constant 0.000000e+00 : f32
    %neg3A_1101 = arith.subf %neg3A_1100, %div3A_822 : f32
    %get3A_1102 = arith.constant 1792 : index
    %get3A_1103 = arith.constant 1792 : index
    %get3A_1104 = vector.load %arg3[%get3A_1102, %get3A_1103] : memref<2048x2048xf32, #tpu.memory_space<vmem>>, vector<256x256xf32>
    %mul3A_1105 = vector.broadcast %neg3A_1101 : f32 to vector<256x256xf32>
    %mul3A_1106 = arith.mulf %mul3A_1105, %get3A_1104 : vector<256x256xf32>
    %exp3A_1107 = math.exp %mul3A_1106 : vector<256x256xf32>
    %jit3A_1108 = arith.constant 0.000000e+00 : f32
    %broadcast_in_dim3A_1109 = vector.broadcast %jit3A_1108 : f32 to vector<256x256xf32>
    %select_n3A_1110 = arith.select %gt3A_1080, %exp3A_1107, %broadcast_in_dim3A_1109 : vector<256x256xi1>, vector<256x256xf32>
    %reduce_sum3A_1111 = vector.shape_cast %select_n3A_1110 : vector<256x256xf32> to vector<1x256x256xf32>
    %reduce_sum3A_1112 = arith.constant dense<0.000000e+00> : vector<1xf32>
    %reduce_sum3A_1113 = vector.multi_reduction <add>, %reduce_sum3A_1111, %reduce_sum3A_1112 [1, 2] : vector<1x256x256xf32> to vector<1xf32>
    %reduce_sum3A_1114 = vector.shape_cast %reduce_sum3A_1113 : vector<1xf32> to vector<1x1x1xf32>
    %reduce_sum3A_1115 = vector.extract %reduce_sum3A_1114[0, 0, 0] : f32 from vector<1x1x1xf32>
    %mul3A_1116 = arith.constant 2.000000e+00 : f32
    %mul3A_1117 = arith.mulf %mul3A_1116, %reduce_sum3A_1115 : f32
    %add3A_1118 = arith.addf %add3A_1077, %mul3A_1117 : f32
    %add3A_1119 = arith.addf %add3A_1099, %add3A_1118 : f32
    %mul3A_1120 = arith.constant 2.000000e+00 : f32
    %mul3A_1121 = arith.mulf %mul3A_1120, %reduce_sum3A_858 : f32
    %sub3A_1122 = arith.subf %add3A_1119, %mul3A_1121 : f32
    %div3A_1123 = arith.constant 0x49800000 : f32
    %div3A_1124 = arith.divf %sub3A_1122, %div3A_1123 : f32
    %max3A_1125 = arith.constant 0.000000e+00 : f32
    %max3A_1126 = arith.maximumf %div3A_1124, %max3A_1125 : f32
    %iota3A_1127 = tpu.iota {dimensions = array<i32: 1>} : vector<1x128xi32>
    %eq3A_1128 = arith.constant 0 : i32
    %eq3A_1129 = vector.broadcast %eq3A_1128 : i32 to vector<1x128xi32>
    %eq3A_1130 = arith.cmpi eq, %iota3A_1127, %eq3A_1129 : vector<1x128xi32>
    %jit3A_1131 = arith.constant 0.000000e+00 : f32
    %broadcast_in_dim3A_1132 = vector.broadcast %max3A_1126 : f32 to vector<1x128xf32>
    %broadcast_in_dim3A_1133 = vector.broadcast %jit3A_1131 : f32 to vector<1x128xf32>
    %select_n3A_1134 = arith.select %eq3A_1130, %broadcast_in_dim3A_1132, %broadcast_in_dim3A_1133 : vector<1x128xi1>, vector<1x128xf32>
    %swap3A_1135 = arith.constant 0 : index
    %swap3A_1136 = arith.constant 0 : index
    %swap3A_1137 = vector.load %arg2[%swap3A_1135, %swap3A_1136] : memref<1x128xf32, #tpu.memory_space<vmem>>, vector<1x128xf32>
    tpu.vector_store %arg2[%swap3A_1135, %swap3A_1136], %select_n3A_1134 {strides = array<i32>} : memref<1x128xf32, #tpu.memory_space<vmem>>, vector<1x128xf32>,
    return
  }
}

module attributes {stable_mosaic.version = 14 : i64} {
  func.func @_kl_body(%arg0: memref<1024x32xf32, #tpu.memory_space<vmem>>, %arg1: memref<1024x320xf32, #tpu.memory_space<vmem>>, %arg2: memref<1024x16xi32, #tpu.memory_space<vmem>>, %arg3: memref<1024x16xf32, #tpu.memory_space<vmem>>, %arg4: memref<1024x16xi32, #tpu.memory_space<vmem>>, %arg5: memref<1x128xf32, #tpu.memory_space<vmem>>) attributes {dimension_semantics = [], scalar_prefetch = 0 : i64, scratch_operands = 0 : i64, tpu.core_type = #tpu.core_type<tc>} {
    %get3A = arith.constant 0 : index
    %get3A_0 = arith.constant 0 : index
    %get3A_1 = vector.load %arg0[%get3A, %get3A_0] : memref<1024x32xf32, #tpu.memory_space<vmem>>, vector<1024x32xf32>
    %get3A_2 = arith.constant 0 : index
    %get3A_3 = arith.constant 0 : index
    %get3A_4 = vector.load %arg1[%get3A_2, %get3A_3] : memref<1024x320xf32, #tpu.memory_space<vmem>>, vector<1024x32xf32>
    %sub3A = arith.subf %get3A_1, %get3A_4 : vector<1024x32xf32>
    %mul3A = arith.mulf %sub3A, %sub3A : vector<1024x32xf32>
    %reduce_sum3A = arith.constant dense<0.000000e+00> : vector<1024xf32>
    %reduce_sum3A_5 = vector.multi_reduction <add>, %mul3A, %reduce_sum3A [1] : vector<1024x32xf32> to vector<1024xf32>
    %broadcast_in_dim3A = vector.shape_cast %reduce_sum3A_5 : vector<1024xf32> to vector<1024x1xf32>
    %get3A_6 = arith.constant 0 : index
    %get3A_7 = arith.constant 32 : index
    %get3A_8 = vector.load %arg1[%get3A_6, %get3A_7] : memref<1024x320xf32, #tpu.memory_space<vmem>>, vector<1024x32xf32>
    %sub3A_9 = arith.subf %get3A_1, %get3A_8 : vector<1024x32xf32>
    %mul3A_10 = arith.mulf %sub3A_9, %sub3A_9 : vector<1024x32xf32>
    %reduce_sum3A_11 = arith.constant dense<0.000000e+00> : vector<1024xf32>
    %reduce_sum3A_12 = vector.multi_reduction <add>, %mul3A_10, %reduce_sum3A_11 [1] : vector<1024x32xf32> to vector<1024xf32>
    %broadcast_in_dim3A_13 = vector.shape_cast %reduce_sum3A_12 : vector<1024xf32> to vector<1024x1xf32>
    %get3A_14 = arith.constant 0 : index
    %get3A_15 = arith.constant 64 : index
    %get3A_16 = vector.load %arg1[%get3A_14, %get3A_15] : memref<1024x320xf32, #tpu.memory_space<vmem>>, vector<1024x32xf32>
    %sub3A_17 = arith.subf %get3A_1, %get3A_16 : vector<1024x32xf32>
    %mul3A_18 = arith.mulf %sub3A_17, %sub3A_17 : vector<1024x32xf32>
    %reduce_sum3A_19 = arith.constant dense<0.000000e+00> : vector<1024xf32>
    %reduce_sum3A_20 = vector.multi_reduction <add>, %mul3A_18, %reduce_sum3A_19 [1] : vector<1024x32xf32> to vector<1024xf32>
    %broadcast_in_dim3A_21 = vector.shape_cast %reduce_sum3A_20 : vector<1024xf32> to vector<1024x1xf32>
    %get3A_22 = arith.constant 0 : index
    %get3A_23 = arith.constant 96 : index
    %get3A_24 = vector.load %arg1[%get3A_22, %get3A_23] : memref<1024x320xf32, #tpu.memory_space<vmem>>, vector<1024x32xf32>
    %sub3A_25 = arith.subf %get3A_1, %get3A_24 : vector<1024x32xf32>
    %mul3A_26 = arith.mulf %sub3A_25, %sub3A_25 : vector<1024x32xf32>
    %reduce_sum3A_27 = arith.constant dense<0.000000e+00> : vector<1024xf32>
    %reduce_sum3A_28 = vector.multi_reduction <add>, %mul3A_26, %reduce_sum3A_27 [1] : vector<1024x32xf32> to vector<1024xf32>
    %broadcast_in_dim3A_29 = vector.shape_cast %reduce_sum3A_28 : vector<1024xf32> to vector<1024x1xf32>
    %get3A_30 = arith.constant 0 : index
    %get3A_31 = arith.constant 128 : index
    %get3A_32 = vector.load %arg1[%get3A_30, %get3A_31] : memref<1024x320xf32, #tpu.memory_space<vmem>>, vector<1024x32xf32>
    %sub3A_33 = arith.subf %get3A_1, %get3A_32 : vector<1024x32xf32>
    %mul3A_34 = arith.mulf %sub3A_33, %sub3A_33 : vector<1024x32xf32>
    %reduce_sum3A_35 = arith.constant dense<0.000000e+00> : vector<1024xf32>
    %reduce_sum3A_36 = vector.multi_reduction <add>, %mul3A_34, %reduce_sum3A_35 [1] : vector<1024x32xf32> to vector<1024xf32>
    %broadcast_in_dim3A_37 = vector.shape_cast %reduce_sum3A_36 : vector<1024xf32> to vector<1024x1xf32>
    %get3A_38 = arith.constant 0 : index
    %get3A_39 = arith.constant 160 : index
    %get3A_40 = vector.load %arg1[%get3A_38, %get3A_39] : memref<1024x320xf32, #tpu.memory_space<vmem>>, vector<1024x32xf32>
    %sub3A_41 = arith.subf %get3A_1, %get3A_40 : vector<1024x32xf32>
    %mul3A_42 = arith.mulf %sub3A_41, %sub3A_41 : vector<1024x32xf32>
    %reduce_sum3A_43 = arith.constant dense<0.000000e+00> : vector<1024xf32>
    %reduce_sum3A_44 = vector.multi_reduction <add>, %mul3A_42, %reduce_sum3A_43 [1] : vector<1024x32xf32> to vector<1024xf32>
    %broadcast_in_dim3A_45 = vector.shape_cast %reduce_sum3A_44 : vector<1024xf32> to vector<1024x1xf32>
    %get3A_46 = arith.constant 0 : index
    %get3A_47 = arith.constant 192 : index
    %get3A_48 = vector.load %arg1[%get3A_46, %get3A_47] : memref<1024x320xf32, #tpu.memory_space<vmem>>, vector<1024x32xf32>
    %sub3A_49 = arith.subf %get3A_1, %get3A_48 : vector<1024x32xf32>
    %mul3A_50 = arith.mulf %sub3A_49, %sub3A_49 : vector<1024x32xf32>
    %reduce_sum3A_51 = arith.constant dense<0.000000e+00> : vector<1024xf32>
    %reduce_sum3A_52 = vector.multi_reduction <add>, %mul3A_50, %reduce_sum3A_51 [1] : vector<1024x32xf32> to vector<1024xf32>
    %broadcast_in_dim3A_53 = vector.shape_cast %reduce_sum3A_52 : vector<1024xf32> to vector<1024x1xf32>
    %get3A_54 = arith.constant 0 : index
    %get3A_55 = arith.constant 224 : index
    %get3A_56 = vector.load %arg1[%get3A_54, %get3A_55] : memref<1024x320xf32, #tpu.memory_space<vmem>>, vector<1024x32xf32>
    %sub3A_57 = arith.subf %get3A_1, %get3A_56 : vector<1024x32xf32>
    %mul3A_58 = arith.mulf %sub3A_57, %sub3A_57 : vector<1024x32xf32>
    %reduce_sum3A_59 = arith.constant dense<0.000000e+00> : vector<1024xf32>
    %reduce_sum3A_60 = vector.multi_reduction <add>, %mul3A_58, %reduce_sum3A_59 [1] : vector<1024x32xf32> to vector<1024xf32>
    %broadcast_in_dim3A_61 = vector.shape_cast %reduce_sum3A_60 : vector<1024xf32> to vector<1024x1xf32>
    %get3A_62 = arith.constant 0 : index
    %get3A_63 = arith.constant 256 : index
    %get3A_64 = vector.load %arg1[%get3A_62, %get3A_63] : memref<1024x320xf32, #tpu.memory_space<vmem>>, vector<1024x32xf32>
    %sub3A_65 = arith.subf %get3A_1, %get3A_64 : vector<1024x32xf32>
    %mul3A_66 = arith.mulf %sub3A_65, %sub3A_65 : vector<1024x32xf32>
    %reduce_sum3A_67 = arith.constant dense<0.000000e+00> : vector<1024xf32>
    %reduce_sum3A_68 = vector.multi_reduction <add>, %mul3A_66, %reduce_sum3A_67 [1] : vector<1024x32xf32> to vector<1024xf32>
    %broadcast_in_dim3A_69 = vector.shape_cast %reduce_sum3A_68 : vector<1024xf32> to vector<1024x1xf32>
    %get3A_70 = arith.constant 0 : index
    %get3A_71 = arith.constant 288 : index
    %get3A_72 = vector.load %arg1[%get3A_70, %get3A_71] : memref<1024x320xf32, #tpu.memory_space<vmem>>, vector<1024x32xf32>
    %sub3A_73 = arith.subf %get3A_1, %get3A_72 : vector<1024x32xf32>
    %mul3A_74 = arith.mulf %sub3A_73, %sub3A_73 : vector<1024x32xf32>
    %reduce_sum3A_75 = arith.constant dense<0.000000e+00> : vector<1024xf32>
    %reduce_sum3A_76 = vector.multi_reduction <add>, %mul3A_74, %reduce_sum3A_75 [1] : vector<1024x32xf32> to vector<1024xf32>
    %broadcast_in_dim3A_77 = vector.shape_cast %reduce_sum3A_76 : vector<1024xf32> to vector<1024x1xf32>
    %concatenate3A = tpu.concatenate %broadcast_in_dim3A, %broadcast_in_dim3A_13, %broadcast_in_dim3A_21, %broadcast_in_dim3A_29, %broadcast_in_dim3A_37, %broadcast_in_dim3A_45, %broadcast_in_dim3A_53, %broadcast_in_dim3A_61, %broadcast_in_dim3A_69, %broadcast_in_dim3A_77 in 1 : vector<1024x1xf32>, vector<1024x1xf32>, vector<1024x1xf32>, vector<1024x1xf32>, vector<1024x1xf32>, vector<1024x1xf32>, vector<1024x1xf32>, vector<1024x1xf32>, vector<1024x1xf32>, vector<1024x1xf32> -> vector<1024x10xf32>
    %neg3A = arith.constant 0.000000e+00 : f32
    %neg3A_78 = vector.broadcast %neg3A : f32 to vector<1024x10xf32>
    %neg3A_79 = arith.subf %neg3A_78, %concatenate3A : vector<1024x10xf32>
    %div3A = arith.constant 1.000000e+00 : f32
    %div3A_80 = vector.broadcast %div3A : f32 to vector<1024x10xf32>
    %div3A_81 = arith.divf %neg3A_79, %div3A_80 : vector<1024x10xf32>
    %reduce_max3A = arith.constant dense<0xFF800000> : vector<1024xf32>
    %reduce_max3A_82 = vector.multi_reduction <maximumf>, %div3A_81, %reduce_max3A [1] : vector<1024x10xf32> to vector<1024xf32>
    %broadcast_in_dim3A_83 = vector.shape_cast %reduce_max3A_82 : vector<1024xf32> to vector<1024x1xf32>
    %sub3A_84 = vector.broadcast %broadcast_in_dim3A_83 : vector<1024x1xf32> to vector<1024x10xf32>
    %sub3A_85 = arith.subf %div3A_81, %sub3A_84 : vector<1024x10xf32>
    %exp3A = math.exp %sub3A_85 : vector<1024x10xf32>
    %reduce_sum3A_86 = arith.constant dense<0.000000e+00> : vector<1024xf32>
    %reduce_sum3A_87 = vector.multi_reduction <add>, %exp3A, %reduce_sum3A_86 [1] : vector<1024x10xf32> to vector<1024xf32>
    %broadcast_in_dim3A_88 = vector.shape_cast %reduce_sum3A_87 : vector<1024xf32> to vector<1024x1xf32>
    %div3A_89 = vector.broadcast %broadcast_in_dim3A_88 : vector<1024x1xf32> to vector<1024x10xf32>
    %div3A_90 = arith.divf %exp3A, %div3A_89 : vector<1024x10xf32>
    %get3A_91 = arith.constant 0 : index
    %get3A_92 = arith.constant 0 : index
    %get3A_93 = vector.load %arg2[%get3A_91, %get3A_92] : memref<1024x16xi32, #tpu.memory_space<vmem>>, vector<1024x16xi32>
    %slice3A = vector.extract_strided_slice %get3A_93 {offsets = [0, 0], sizes = [1024, 10], strides = [1, 1]} : vector<1024x16xi32> to vector<1024x10xi32>
    %get3A_94 = arith.constant 0 : index
    %get3A_95 = arith.constant 0 : index
    %get3A_96 = vector.load %arg3[%get3A_94, %get3A_95] : memref<1024x16xf32, #tpu.memory_space<vmem>>, vector<1024x16xf32>
    %slice3A_97 = vector.extract_strided_slice %get3A_96 {offsets = [0, 0], sizes = [1024, 10], strides = [1, 1]} : vector<1024x16xf32> to vector<1024x10xf32>
    %get3A_98 = arith.constant 0 : index
    %get3A_99 = arith.constant 0 : index
    %get3A_100 = vector.load %arg4[%get3A_98, %get3A_99] : memref<1024x16xi32, #tpu.memory_space<vmem>>, vector<1024x16xi32>
    %slice3A_101 = vector.extract_strided_slice %get3A_100 {offsets = [0, 0], sizes = [1024, 10], strides = [1, 1]} : vector<1024x16xi32> to vector<1024x10xi32>
    %concatenate3A_102 = tpu.concatenate %slice3A, %slice3A_101 in 1 : vector<1024x10xi32>, vector<1024x10xi32> -> vector<1024x20xi32>
    %slice3A_103 = vector.extract_strided_slice %concatenate3A_102 {offsets = [0, 0], sizes = [1024, 1], strides = [1, 1]} : vector<1024x20xi32> to vector<1024x1xi32>
    %eq3A = vector.broadcast %slice3A_103 : vector<1024x1xi32> to vector<1024x10xi32>
    %eq3A_104 = arith.cmpi eq, %eq3A, %slice3A : vector<1024x10xi32>
    %jit3A = arith.constant 0.000000e+00 : f32
    %broadcast_in_dim3A_105 = vector.broadcast %jit3A : f32 to vector<1024x10xf32>
    %select_n3A = arith.select %eq3A_104, %slice3A_97, %broadcast_in_dim3A_105 : vector<1024x10xi1>, vector<1024x10xf32>
    %reduce_sum3A_106 = arith.constant dense<0.000000e+00> : vector<1024xf32>
    %reduce_sum3A_107 = vector.multi_reduction <add>, %select_n3A, %reduce_sum3A_106 [1] : vector<1024x10xf32> to vector<1024xf32>
    %broadcast_in_dim3A_108 = vector.shape_cast %reduce_sum3A_107 : vector<1024xf32> to vector<1024x1xf32>
    %eq3A_109 = vector.broadcast %slice3A_103 : vector<1024x1xi32> to vector<1024x10xi32>
    %eq3A_110 = arith.cmpi eq, %eq3A_109, %slice3A_101 : vector<1024x10xi32>
    %jit3A_111 = arith.constant 0.000000e+00 : f32
    %broadcast_in_dim3A_112 = vector.broadcast %jit3A_111 : f32 to vector<1024x10xf32>
    %select_n3A_113 = arith.select %eq3A_110, %div3A_90, %broadcast_in_dim3A_112 : vector<1024x10xi1>, vector<1024x10xf32>
    %reduce_sum3A_114 = arith.constant dense<0.000000e+00> : vector<1024xf32>
    %reduce_sum3A_115 = vector.multi_reduction <add>, %select_n3A_113, %reduce_sum3A_114 [1] : vector<1024x10xf32> to vector<1024xf32>
    %broadcast_in_dim3A_116 = vector.shape_cast %reduce_sum3A_115 : vector<1024xf32> to vector<1024x1xf32>
    %broadcast_in_dim3A_117 = arith.constant 0.000000e+00 : f32
    %broadcast_in_dim3A_118 = vector.broadcast %broadcast_in_dim3A_117 : f32 to vector<1024x1xf32>
    %slice3A_119 = vector.extract_strided_slice %concatenate3A_102 {offsets = [0, 1], sizes = [1024, 1], strides = [1, 1]} : vector<1024x20xi32> to vector<1024x1xi32>
    %eq3A_120 = vector.broadcast %slice3A_119 : vector<1024x1xi32> to vector<1024x10xi32>
    %eq3A_121 = arith.cmpi eq, %eq3A_120, %slice3A : vector<1024x10xi32>
    %jit3A_122 = arith.constant 0.000000e+00 : f32
    %broadcast_in_dim3A_123 = vector.broadcast %jit3A_122 : f32 to vector<1024x10xf32>
    %select_n3A_124 = arith.select %eq3A_121, %slice3A_97, %broadcast_in_dim3A_123 : vector<1024x10xi1>, vector<1024x10xf32>
    %reduce_sum3A_125 = arith.constant dense<0.000000e+00> : vector<1024xf32>
    %reduce_sum3A_126 = vector.multi_reduction <add>, %select_n3A_124, %reduce_sum3A_125 [1] : vector<1024x10xf32> to vector<1024xf32>
    %broadcast_in_dim3A_127 = vector.shape_cast %reduce_sum3A_126 : vector<1024xf32> to vector<1024x1xf32>
    %eq3A_128 = vector.broadcast %slice3A_119 : vector<1024x1xi32> to vector<1024x10xi32>
    %eq3A_129 = arith.cmpi eq, %eq3A_128, %slice3A_101 : vector<1024x10xi32>
    %jit3A_130 = arith.constant 0.000000e+00 : f32
    %broadcast_in_dim3A_131 = vector.broadcast %jit3A_130 : f32 to vector<1024x10xf32>
    %select_n3A_132 = arith.select %eq3A_129, %div3A_90, %broadcast_in_dim3A_131 : vector<1024x10xi1>, vector<1024x10xf32>
    %reduce_sum3A_133 = arith.constant dense<0.000000e+00> : vector<1024xf32>
    %reduce_sum3A_134 = vector.multi_reduction <add>, %select_n3A_132, %reduce_sum3A_133 [1] : vector<1024x10xf32> to vector<1024xf32>
    %broadcast_in_dim3A_135 = vector.shape_cast %reduce_sum3A_134 : vector<1024xf32> to vector<1024x1xf32>
    %slice3A_136 = vector.extract_strided_slice %concatenate3A_102 {offsets = [0, 0], sizes = [1024, 1], strides = [1, 1]} : vector<1024x20xi32> to vector<1024x1xi32>
    %eq3A_137 = arith.cmpi eq, %slice3A_136, %slice3A_119 : vector<1024x1xi32>
    %convert_element_type3A = arith.extui %eq3A_137 : vector<1024x1xi1> to vector<1024x1xi32>
    %convert_element_type3A_138 = arith.sitofp %convert_element_type3A : vector<1024x1xi32> to vector<1024x1xf32>
    %reduce_sum3A_139 = arith.constant dense<0.000000e+00> : vector<1024xf32>
    %reduce_sum3A_140 = vector.multi_reduction <add>, %convert_element_type3A_138, %reduce_sum3A_139 [1] : vector<1024x1xf32> to vector<1024xf32>
    %broadcast_in_dim3A_141 = vector.shape_cast %reduce_sum3A_140 : vector<1024xf32> to vector<1024x1xf32>
    %slice3A_142 = vector.extract_strided_slice %concatenate3A_102 {offsets = [0, 2], sizes = [1024, 1], strides = [1, 1]} : vector<1024x20xi32> to vector<1024x1xi32>
    %eq3A_143 = vector.broadcast %slice3A_142 : vector<1024x1xi32> to vector<1024x10xi32>
    %eq3A_144 = arith.cmpi eq, %eq3A_143, %slice3A : vector<1024x10xi32>
    %jit3A_145 = arith.constant 0.000000e+00 : f32
    %broadcast_in_dim3A_146 = vector.broadcast %jit3A_145 : f32 to vector<1024x10xf32>
    %select_n3A_147 = arith.select %eq3A_144, %slice3A_97, %broadcast_in_dim3A_146 : vector<1024x10xi1>, vector<1024x10xf32>
    %reduce_sum3A_148 = arith.constant dense<0.000000e+00> : vector<1024xf32>
    %reduce_sum3A_149 = vector.multi_reduction <add>, %select_n3A_147, %reduce_sum3A_148 [1] : vector<1024x10xf32> to vector<1024xf32>
    %broadcast_in_dim3A_150 = vector.shape_cast %reduce_sum3A_149 : vector<1024xf32> to vector<1024x1xf32>
    %eq3A_151 = vector.broadcast %slice3A_142 : vector<1024x1xi32> to vector<1024x10xi32>
    %eq3A_152 = arith.cmpi eq, %eq3A_151, %slice3A_101 : vector<1024x10xi32>
    %jit3A_153 = arith.constant 0.000000e+00 : f32
    %broadcast_in_dim3A_154 = vector.broadcast %jit3A_153 : f32 to vector<1024x10xf32>
    %select_n3A_155 = arith.select %eq3A_152, %div3A_90, %broadcast_in_dim3A_154 : vector<1024x10xi1>, vector<1024x10xf32>
    %reduce_sum3A_156 = arith.constant dense<0.000000e+00> : vector<1024xf32>
    %reduce_sum3A_157 = vector.multi_reduction <add>, %select_n3A_155, %reduce_sum3A_156 [1] : vector<1024x10xf32> to vector<1024xf32>
    %broadcast_in_dim3A_158 = vector.shape_cast %reduce_sum3A_157 : vector<1024xf32> to vector<1024x1xf32>
    %slice3A_159 = vector.extract_strided_slice %concatenate3A_102 {offsets = [0, 0], sizes = [1024, 2], strides = [1, 1]} : vector<1024x20xi32> to vector<1024x2xi32>
    %eq3A_160 = vector.broadcast %slice3A_142 : vector<1024x1xi32> to vector<1024x2xi32>
    %eq3A_161 = arith.cmpi eq, %slice3A_159, %eq3A_160 : vector<1024x2xi32>
    %convert_element_type3A_162 = arith.extui %eq3A_161 : vector<1024x2xi1> to vector<1024x2xi32>
    %convert_element_type3A_163 = arith.sitofp %convert_element_type3A_162 : vector<1024x2xi32> to vector<1024x2xf32>
    %reduce_sum3A_164 = arith.constant dense<0.000000e+00> : vector<1024xf32>
    %reduce_sum3A_165 = vector.multi_reduction <add>, %convert_element_type3A_163, %reduce_sum3A_164 [1] : vector<1024x2xf32> to vector<1024xf32>
    %broadcast_in_dim3A_166 = vector.shape_cast %reduce_sum3A_165 : vector<1024xf32> to vector<1024x1xf32>
    %slice3A_167 = vector.extract_strided_slice %concatenate3A_102 {offsets = [0, 3], sizes = [1024, 1], strides = [1, 1]} : vector<1024x20xi32> to vector<1024x1xi32>
    %eq3A_168 = vector.broadcast %slice3A_167 : vector<1024x1xi32> to vector<1024x10xi32>
    %eq3A_169 = arith.cmpi eq, %eq3A_168, %slice3A : vector<1024x10xi32>
    %jit3A_170 = arith.constant 0.000000e+00 : f32
    %broadcast_in_dim3A_171 = vector.broadcast %jit3A_170 : f32 to vector<1024x10xf32>
    %select_n3A_172 = arith.select %eq3A_169, %slice3A_97, %broadcast_in_dim3A_171 : vector<1024x10xi1>, vector<1024x10xf32>
    %reduce_sum3A_173 = arith.constant dense<0.000000e+00> : vector<1024xf32>
    %reduce_sum3A_174 = vector.multi_reduction <add>, %select_n3A_172, %reduce_sum3A_173 [1] : vector<1024x10xf32> to vector<1024xf32>
    %broadcast_in_dim3A_175 = vector.shape_cast %reduce_sum3A_174 : vector<1024xf32> to vector<1024x1xf32>
    %eq3A_176 = vector.broadcast %slice3A_167 : vector<1024x1xi32> to vector<1024x10xi32>
    %eq3A_177 = arith.cmpi eq, %eq3A_176, %slice3A_101 : vector<1024x10xi32>
    %jit3A_178 = arith.constant 0.000000e+00 : f32
    %broadcast_in_dim3A_179 = vector.broadcast %jit3A_178 : f32 to vector<1024x10xf32>
    %select_n3A_180 = arith.select %eq3A_177, %div3A_90, %broadcast_in_dim3A_179 : vector<1024x10xi1>, vector<1024x10xf32>
    %reduce_sum3A_181 = arith.constant dense<0.000000e+00> : vector<1024xf32>
    %reduce_sum3A_182 = vector.multi_reduction <add>, %select_n3A_180, %reduce_sum3A_181 [1] : vector<1024x10xf32> to vector<1024xf32>
    %broadcast_in_dim3A_183 = vector.shape_cast %reduce_sum3A_182 : vector<1024xf32> to vector<1024x1xf32>
    %slice3A_184 = vector.extract_strided_slice %concatenate3A_102 {offsets = [0, 0], sizes = [1024, 3], strides = [1, 1]} : vector<1024x20xi32> to vector<1024x3xi32>
    %eq3A_185 = vector.broadcast %slice3A_167 : vector<1024x1xi32> to vector<1024x3xi32>
    %eq3A_186 = arith.cmpi eq, %slice3A_184, %eq3A_185 : vector<1024x3xi32>
    %convert_element_type3A_187 = arith.extui %eq3A_186 : vector<1024x3xi1> to vector<1024x3xi32>
    %convert_element_type3A_188 = arith.sitofp %convert_element_type3A_187 : vector<1024x3xi32> to vector<1024x3xf32>
    %reduce_sum3A_189 = arith.constant dense<0.000000e+00> : vector<1024xf32>
    %reduce_sum3A_190 = vector.multi_reduction <add>, %convert_element_type3A_188, %reduce_sum3A_189 [1] : vector<1024x3xf32> to vector<1024xf32>
    %broadcast_in_dim3A_191 = vector.shape_cast %reduce_sum3A_190 : vector<1024xf32> to vector<1024x1xf32>
    %slice3A_192 = vector.extract_strided_slice %concatenate3A_102 {offsets = [0, 4], sizes = [1024, 1], strides = [1, 1]} : vector<1024x20xi32> to vector<1024x1xi32>
    %eq3A_193 = vector.broadcast %slice3A_192 : vector<1024x1xi32> to vector<1024x10xi32>
    %eq3A_194 = arith.cmpi eq, %eq3A_193, %slice3A : vector<1024x10xi32>
    %jit3A_195 = arith.constant 0.000000e+00 : f32
    %broadcast_in_dim3A_196 = vector.broadcast %jit3A_195 : f32 to vector<1024x10xf32>
    %select_n3A_197 = arith.select %eq3A_194, %slice3A_97, %broadcast_in_dim3A_196 : vector<1024x10xi1>, vector<1024x10xf32>
    %reduce_sum3A_198 = arith.constant dense<0.000000e+00> : vector<1024xf32>
    %reduce_sum3A_199 = vector.multi_reduction <add>, %select_n3A_197, %reduce_sum3A_198 [1] : vector<1024x10xf32> to vector<1024xf32>
    %broadcast_in_dim3A_200 = vector.shape_cast %reduce_sum3A_199 : vector<1024xf32> to vector<1024x1xf32>
    %eq3A_201 = vector.broadcast %slice3A_192 : vector<1024x1xi32> to vector<1024x10xi32>
    %eq3A_202 = arith.cmpi eq, %eq3A_201, %slice3A_101 : vector<1024x10xi32>
    %jit3A_203 = arith.constant 0.000000e+00 : f32
    %broadcast_in_dim3A_204 = vector.broadcast %jit3A_203 : f32 to vector<1024x10xf32>
    %select_n3A_205 = arith.select %eq3A_202, %div3A_90, %broadcast_in_dim3A_204 : vector<1024x10xi1>, vector<1024x10xf32>
    %reduce_sum3A_206 = arith.constant dense<0.000000e+00> : vector<1024xf32>
    %reduce_sum3A_207 = vector.multi_reduction <add>, %select_n3A_205, %reduce_sum3A_206 [1] : vector<1024x10xf32> to vector<1024xf32>
    %broadcast_in_dim3A_208 = vector.shape_cast %reduce_sum3A_207 : vector<1024xf32> to vector<1024x1xf32>
    %slice3A_209 = vector.extract_strided_slice %concatenate3A_102 {offsets = [0, 0], sizes = [1024, 4], strides = [1, 1]} : vector<1024x20xi32> to vector<1024x4xi32>
    %eq3A_210 = vector.broadcast %slice3A_192 : vector<1024x1xi32> to vector<1024x4xi32>
    %eq3A_211 = arith.cmpi eq, %slice3A_209, %eq3A_210 : vector<1024x4xi32>
    %convert_element_type3A_212 = arith.extui %eq3A_211 : vector<1024x4xi1> to vector<1024x4xi32>
    %convert_element_type3A_213 = arith.sitofp %convert_element_type3A_212 : vector<1024x4xi32> to vector<1024x4xf32>
    %reduce_sum3A_214 = arith.constant dense<0.000000e+00> : vector<1024xf32>
    %reduce_sum3A_215 = vector.multi_reduction <add>, %convert_element_type3A_213, %reduce_sum3A_214 [1] : vector<1024x4xf32> to vector<1024xf32>
    %broadcast_in_dim3A_216 = vector.shape_cast %reduce_sum3A_215 : vector<1024xf32> to vector<1024x1xf32>
    %slice3A_217 = vector.extract_strided_slice %concatenate3A_102 {offsets = [0, 5], sizes = [1024, 1], strides = [1, 1]} : vector<1024x20xi32> to vector<1024x1xi32>
    %eq3A_218 = vector.broadcast %slice3A_217 : vector<1024x1xi32> to vector<1024x10xi32>
    %eq3A_219 = arith.cmpi eq, %eq3A_218, %slice3A : vector<1024x10xi32>
    %jit3A_220 = arith.constant 0.000000e+00 : f32
    %broadcast_in_dim3A_221 = vector.broadcast %jit3A_220 : f32 to vector<1024x10xf32>
    %select_n3A_222 = arith.select %eq3A_219, %slice3A_97, %broadcast_in_dim3A_221 : vector<1024x10xi1>, vector<1024x10xf32>
    %reduce_sum3A_223 = arith.constant dense<0.000000e+00> : vector<1024xf32>
    %reduce_sum3A_224 = vector.multi_reduction <add>, %select_n3A_222, %reduce_sum3A_223 [1] : vector<1024x10xf32> to vector<1024xf32>
    %broadcast_in_dim3A_225 = vector.shape_cast %reduce_sum3A_224 : vector<1024xf32> to vector<1024x1xf32>
    %eq3A_226 = vector.broadcast %slice3A_217 : vector<1024x1xi32> to vector<1024x10xi32>
    %eq3A_227 = arith.cmpi eq, %eq3A_226, %slice3A_101 : vector<1024x10xi32>
    %jit3A_228 = arith.constant 0.000000e+00 : f32
    %broadcast_in_dim3A_229 = vector.broadcast %jit3A_228 : f32 to vector<1024x10xf32>
    %select_n3A_230 = arith.select %eq3A_227, %div3A_90, %broadcast_in_dim3A_229 : vector<1024x10xi1>, vector<1024x10xf32>
    %reduce_sum3A_231 = arith.constant dense<0.000000e+00> : vector<1024xf32>
    %reduce_sum3A_232 = vector.multi_reduction <add>, %select_n3A_230, %reduce_sum3A_231 [1] : vector<1024x10xf32> to vector<1024xf32>
    %broadcast_in_dim3A_233 = vector.shape_cast %reduce_sum3A_232 : vector<1024xf32> to vector<1024x1xf32>
    %slice3A_234 = vector.extract_strided_slice %concatenate3A_102 {offsets = [0, 0], sizes = [1024, 5], strides = [1, 1]} : vector<1024x20xi32> to vector<1024x5xi32>
    %eq3A_235 = vector.broadcast %slice3A_217 : vector<1024x1xi32> to vector<1024x5xi32>
    %eq3A_236 = arith.cmpi eq, %slice3A_234, %eq3A_235 : vector<1024x5xi32>
    %convert_element_type3A_237 = arith.extui %eq3A_236 : vector<1024x5xi1> to vector<1024x5xi32>
    %convert_element_type3A_238 = arith.sitofp %convert_element_type3A_237 : vector<1024x5xi32> to vector<1024x5xf32>
    %reduce_sum3A_239 = arith.constant dense<0.000000e+00> : vector<1024xf32>
    %reduce_sum3A_240 = vector.multi_reduction <add>, %convert_element_type3A_238, %reduce_sum3A_239 [1] : vector<1024x5xf32> to vector<1024xf32>
    %broadcast_in_dim3A_241 = vector.shape_cast %reduce_sum3A_240 : vector<1024xf32> to vector<1024x1xf32>
    %slice3A_242 = vector.extract_strided_slice %concatenate3A_102 {offsets = [0, 6], sizes = [1024, 1], strides = [1, 1]} : vector<1024x20xi32> to vector<1024x1xi32>
    %eq3A_243 = vector.broadcast %slice3A_242 : vector<1024x1xi32> to vector<1024x10xi32>
    %eq3A_244 = arith.cmpi eq, %eq3A_243, %slice3A : vector<1024x10xi32>
    %jit3A_245 = arith.constant 0.000000e+00 : f32
    %broadcast_in_dim3A_246 = vector.broadcast %jit3A_245 : f32 to vector<1024x10xf32>
    %select_n3A_247 = arith.select %eq3A_244, %slice3A_97, %broadcast_in_dim3A_246 : vector<1024x10xi1>, vector<1024x10xf32>
    %reduce_sum3A_248 = arith.constant dense<0.000000e+00> : vector<1024xf32>
    %reduce_sum3A_249 = vector.multi_reduction <add>, %select_n3A_247, %reduce_sum3A_248 [1] : vector<1024x10xf32> to vector<1024xf32>
    %broadcast_in_dim3A_250 = vector.shape_cast %reduce_sum3A_249 : vector<1024xf32> to vector<1024x1xf32>
    %eq3A_251 = vector.broadcast %slice3A_242 : vector<1024x1xi32> to vector<1024x10xi32>
    %eq3A_252 = arith.cmpi eq, %eq3A_251, %slice3A_101 : vector<1024x10xi32>
    %jit3A_253 = arith.constant 0.000000e+00 : f32
    %broadcast_in_dim3A_254 = vector.broadcast %jit3A_253 : f32 to vector<1024x10xf32>
    %select_n3A_255 = arith.select %eq3A_252, %div3A_90, %broadcast_in_dim3A_254 : vector<1024x10xi1>, vector<1024x10xf32>
    %reduce_sum3A_256 = arith.constant dense<0.000000e+00> : vector<1024xf32>
    %reduce_sum3A_257 = vector.multi_reduction <add>, %select_n3A_255, %reduce_sum3A_256 [1] : vector<1024x10xf32> to vector<1024xf32>
    %broadcast_in_dim3A_258 = vector.shape_cast %reduce_sum3A_257 : vector<1024xf32> to vector<1024x1xf32>
    %slice3A_259 = vector.extract_strided_slice %concatenate3A_102 {offsets = [0, 0], sizes = [1024, 6], strides = [1, 1]} : vector<1024x20xi32> to vector<1024x6xi32>
    %eq3A_260 = vector.broadcast %slice3A_242 : vector<1024x1xi32> to vector<1024x6xi32>
    %eq3A_261 = arith.cmpi eq, %slice3A_259, %eq3A_260 : vector<1024x6xi32>
    %convert_element_type3A_262 = arith.extui %eq3A_261 : vector<1024x6xi1> to vector<1024x6xi32>
    %convert_element_type3A_263 = arith.sitofp %convert_element_type3A_262 : vector<1024x6xi32> to vector<1024x6xf32>
    %reduce_sum3A_264 = arith.constant dense<0.000000e+00> : vector<1024xf32>
    %reduce_sum3A_265 = vector.multi_reduction <add>, %convert_element_type3A_263, %reduce_sum3A_264 [1] : vector<1024x6xf32> to vector<1024xf32>
    %broadcast_in_dim3A_266 = vector.shape_cast %reduce_sum3A_265 : vector<1024xf32> to vector<1024x1xf32>
    %slice3A_267 = vector.extract_strided_slice %concatenate3A_102 {offsets = [0, 7], sizes = [1024, 1], strides = [1, 1]} : vector<1024x20xi32> to vector<1024x1xi32>
    %eq3A_268 = vector.broadcast %slice3A_267 : vector<1024x1xi32> to vector<1024x10xi32>
    %eq3A_269 = arith.cmpi eq, %eq3A_268, %slice3A : vector<1024x10xi32>
    %jit3A_270 = arith.constant 0.000000e+00 : f32
    %broadcast_in_dim3A_271 = vector.broadcast %jit3A_270 : f32 to vector<1024x10xf32>
    %select_n3A_272 = arith.select %eq3A_269, %slice3A_97, %broadcast_in_dim3A_271 : vector<1024x10xi1>, vector<1024x10xf32>
    %reduce_sum3A_273 = arith.constant dense<0.000000e+00> : vector<1024xf32>
    %reduce_sum3A_274 = vector.multi_reduction <add>, %select_n3A_272, %reduce_sum3A_273 [1] : vector<1024x10xf32> to vector<1024xf32>
    %broadcast_in_dim3A_275 = vector.shape_cast %reduce_sum3A_274 : vector<1024xf32> to vector<1024x1xf32>
    %eq3A_276 = vector.broadcast %slice3A_267 : vector<1024x1xi32> to vector<1024x10xi32>
    %eq3A_277 = arith.cmpi eq, %eq3A_276, %slice3A_101 : vector<1024x10xi32>
    %jit3A_278 = arith.constant 0.000000e+00 : f32
    %broadcast_in_dim3A_279 = vector.broadcast %jit3A_278 : f32 to vector<1024x10xf32>
    %select_n3A_280 = arith.select %eq3A_277, %div3A_90, %broadcast_in_dim3A_279 : vector<1024x10xi1>, vector<1024x10xf32>
    %reduce_sum3A_281 = arith.constant dense<0.000000e+00> : vector<1024xf32>
    %reduce_sum3A_282 = vector.multi_reduction <add>, %select_n3A_280, %reduce_sum3A_281 [1] : vector<1024x10xf32> to vector<1024xf32>
    %broadcast_in_dim3A_283 = vector.shape_cast %reduce_sum3A_282 : vector<1024xf32> to vector<1024x1xf32>
    %slice3A_284 = vector.extract_strided_slice %concatenate3A_102 {offsets = [0, 0], sizes = [1024, 7], strides = [1, 1]} : vector<1024x20xi32> to vector<1024x7xi32>
    %eq3A_285 = vector.broadcast %slice3A_267 : vector<1024x1xi32> to vector<1024x7xi32>
    %eq3A_286 = arith.cmpi eq, %slice3A_284, %eq3A_285 : vector<1024x7xi32>
    %convert_element_type3A_287 = arith.extui %eq3A_286 : vector<1024x7xi1> to vector<1024x7xi32>
    %convert_element_type3A_288 = arith.sitofp %convert_element_type3A_287 : vector<1024x7xi32> to vector<1024x7xf32>
    %reduce_sum3A_289 = arith.constant dense<0.000000e+00> : vector<1024xf32>
    %reduce_sum3A_290 = vector.multi_reduction <add>, %convert_element_type3A_288, %reduce_sum3A_289 [1] : vector<1024x7xf32> to vector<1024xf32>
    %broadcast_in_dim3A_291 = vector.shape_cast %reduce_sum3A_290 : vector<1024xf32> to vector<1024x1xf32>
    %slice3A_292 = vector.extract_strided_slice %concatenate3A_102 {offsets = [0, 8], sizes = [1024, 1], strides = [1, 1]} : vector<1024x20xi32> to vector<1024x1xi32>
    %eq3A_293 = vector.broadcast %slice3A_292 : vector<1024x1xi32> to vector<1024x10xi32>
    %eq3A_294 = arith.cmpi eq, %eq3A_293, %slice3A : vector<1024x10xi32>
    %jit3A_295 = arith.constant 0.000000e+00 : f32
    %broadcast_in_dim3A_296 = vector.broadcast %jit3A_295 : f32 to vector<1024x10xf32>
    %select_n3A_297 = arith.select %eq3A_294, %slice3A_97, %broadcast_in_dim3A_296 : vector<1024x10xi1>, vector<1024x10xf32>
    %reduce_sum3A_298 = arith.constant dense<0.000000e+00> : vector<1024xf32>
    %reduce_sum3A_299 = vector.multi_reduction <add>, %select_n3A_297, %reduce_sum3A_298 [1] : vector<1024x10xf32> to vector<1024xf32>
    %broadcast_in_dim3A_300 = vector.shape_cast %reduce_sum3A_299 : vector<1024xf32> to vector<1024x1xf32>
    %eq3A_301 = vector.broadcast %slice3A_292 : vector<1024x1xi32> to vector<1024x10xi32>
    %eq3A_302 = arith.cmpi eq, %eq3A_301, %slice3A_101 : vector<1024x10xi32>
    %jit3A_303 = arith.constant 0.000000e+00 : f32
    %broadcast_in_dim3A_304 = vector.broadcast %jit3A_303 : f32 to vector<1024x10xf32>
    %select_n3A_305 = arith.select %eq3A_302, %div3A_90, %broadcast_in_dim3A_304 : vector<1024x10xi1>, vector<1024x10xf32>
    %reduce_sum3A_306 = arith.constant dense<0.000000e+00> : vector<1024xf32>
    %reduce_sum3A_307 = vector.multi_reduction <add>, %select_n3A_305, %reduce_sum3A_306 [1] : vector<1024x10xf32> to vector<1024xf32>
    %broadcast_in_dim3A_308 = vector.shape_cast %reduce_sum3A_307 : vector<1024xf32> to vector<1024x1xf32>
    %slice3A_309 = vector.extract_strided_slice %concatenate3A_102 {offsets = [0, 0], sizes = [1024, 8], strides = [1, 1]} : vector<1024x20xi32> to vector<1024x8xi32>
    %eq3A_310 = vector.broadcast %slice3A_292 : vector<1024x1xi32> to vector<1024x8xi32>
    %eq3A_311 = arith.cmpi eq, %slice3A_309, %eq3A_310 : vector<1024x8xi32>
    %convert_element_type3A_312 = arith.extui %eq3A_311 : vector<1024x8xi1> to vector<1024x8xi32>
    %convert_element_type3A_313 = arith.sitofp %convert_element_type3A_312 : vector<1024x8xi32> to vector<1024x8xf32>
    %reduce_sum3A_314 = arith.constant dense<0.000000e+00> : vector<1024xf32>
    %reduce_sum3A_315 = vector.multi_reduction <add>, %convert_element_type3A_313, %reduce_sum3A_314 [1] : vector<1024x8xf32> to vector<1024xf32>
    %broadcast_in_dim3A_316 = vector.shape_cast %reduce_sum3A_315 : vector<1024xf32> to vector<1024x1xf32>
    %slice3A_317 = vector.extract_strided_slice %concatenate3A_102 {offsets = [0, 9], sizes = [1024, 1], strides = [1, 1]} : vector<1024x20xi32> to vector<1024x1xi32>
    %eq3A_318 = vector.broadcast %slice3A_317 : vector<1024x1xi32> to vector<1024x10xi32>
    %eq3A_319 = arith.cmpi eq, %eq3A_318, %slice3A : vector<1024x10xi32>
    %jit3A_320 = arith.constant 0.000000e+00 : f32
    %broadcast_in_dim3A_321 = vector.broadcast %jit3A_320 : f32 to vector<1024x10xf32>
    %select_n3A_322 = arith.select %eq3A_319, %slice3A_97, %broadcast_in_dim3A_321 : vector<1024x10xi1>, vector<1024x10xf32>
    %reduce_sum3A_323 = arith.constant dense<0.000000e+00> : vector<1024xf32>
    %reduce_sum3A_324 = vector.multi_reduction <add>, %select_n3A_322, %reduce_sum3A_323 [1] : vector<1024x10xf32> to vector<1024xf32>
    %broadcast_in_dim3A_325 = vector.shape_cast %reduce_sum3A_324 : vector<1024xf32> to vector<1024x1xf32>
    %eq3A_326 = vector.broadcast %slice3A_317 : vector<1024x1xi32> to vector<1024x10xi32>
    %eq3A_327 = arith.cmpi eq, %eq3A_326, %slice3A_101 : vector<1024x10xi32>
    %jit3A_328 = arith.constant 0.000000e+00 : f32
    %broadcast_in_dim3A_329 = vector.broadcast %jit3A_328 : f32 to vector<1024x10xf32>
    %select_n3A_330 = arith.select %eq3A_327, %div3A_90, %broadcast_in_dim3A_329 : vector<1024x10xi1>, vector<1024x10xf32>
    %reduce_sum3A_331 = arith.constant dense<0.000000e+00> : vector<1024xf32>
    %reduce_sum3A_332 = vector.multi_reduction <add>, %select_n3A_330, %reduce_sum3A_331 [1] : vector<1024x10xf32> to vector<1024xf32>
    %broadcast_in_dim3A_333 = vector.shape_cast %reduce_sum3A_332 : vector<1024xf32> to vector<1024x1xf32>
    %slice3A_334 = vector.extract_strided_slice %concatenate3A_102 {offsets = [0, 0], sizes = [1024, 9], strides = [1, 1]} : vector<1024x20xi32> to vector<1024x9xi32>
    %eq3A_335 = vector.broadcast %slice3A_317 : vector<1024x1xi32> to vector<1024x9xi32>
    %eq3A_336 = arith.cmpi eq, %slice3A_334, %eq3A_335 : vector<1024x9xi32>
    %convert_element_type3A_337 = arith.extui %eq3A_336 : vector<1024x9xi1> to vector<1024x9xi32>
    %convert_element_type3A_338 = arith.sitofp %convert_element_type3A_337 : vector<1024x9xi32> to vector<1024x9xf32>
    %reduce_sum3A_339 = arith.constant dense<0.000000e+00> : vector<1024xf32>
    %reduce_sum3A_340 = vector.multi_reduction <add>, %convert_element_type3A_338, %reduce_sum3A_339 [1] : vector<1024x9xf32> to vector<1024xf32>
    %broadcast_in_dim3A_341 = vector.shape_cast %reduce_sum3A_340 : vector<1024xf32> to vector<1024x1xf32>
    %slice3A_342 = vector.extract_strided_slice %concatenate3A_102 {offsets = [0, 10], sizes = [1024, 1], strides = [1, 1]} : vector<1024x20xi32> to vector<1024x1xi32>
    %eq3A_343 = vector.broadcast %slice3A_342 : vector<1024x1xi32> to vector<1024x10xi32>
    %eq3A_344 = arith.cmpi eq, %eq3A_343, %slice3A : vector<1024x10xi32>
    %jit3A_345 = arith.constant 0.000000e+00 : f32
    %broadcast_in_dim3A_346 = vector.broadcast %jit3A_345 : f32 to vector<1024x10xf32>
    %select_n3A_347 = arith.select %eq3A_344, %slice3A_97, %broadcast_in_dim3A_346 : vector<1024x10xi1>, vector<1024x10xf32>
    %reduce_sum3A_348 = arith.constant dense<0.000000e+00> : vector<1024xf32>
    %reduce_sum3A_349 = vector.multi_reduction <add>, %select_n3A_347, %reduce_sum3A_348 [1] : vector<1024x10xf32> to vector<1024xf32>
    %broadcast_in_dim3A_350 = vector.shape_cast %reduce_sum3A_349 : vector<1024xf32> to vector<1024x1xf32>
    %eq3A_351 = vector.broadcast %slice3A_342 : vector<1024x1xi32> to vector<1024x10xi32>
    %eq3A_352 = arith.cmpi eq, %eq3A_351, %slice3A_101 : vector<1024x10xi32>
    %jit3A_353 = arith.constant 0.000000e+00 : f32
    %broadcast_in_dim3A_354 = vector.broadcast %jit3A_353 : f32 to vector<1024x10xf32>
    %select_n3A_355 = arith.select %eq3A_352, %div3A_90, %broadcast_in_dim3A_354 : vector<1024x10xi1>, vector<1024x10xf32>
    %reduce_sum3A_356 = arith.constant dense<0.000000e+00> : vector<1024xf32>
    %reduce_sum3A_357 = vector.multi_reduction <add>, %select_n3A_355, %reduce_sum3A_356 [1] : vector<1024x10xf32> to vector<1024xf32>
    %broadcast_in_dim3A_358 = vector.shape_cast %reduce_sum3A_357 : vector<1024xf32> to vector<1024x1xf32>
    %slice3A_359 = vector.extract_strided_slice %concatenate3A_102 {offsets = [0, 0], sizes = [1024, 10], strides = [1, 1]} : vector<1024x20xi32> to vector<1024x10xi32>
    %eq3A_360 = vector.broadcast %slice3A_342 : vector<1024x1xi32> to vector<1024x10xi32>
    %eq3A_361 = arith.cmpi eq, %slice3A_359, %eq3A_360 : vector<1024x10xi32>
    %convert_element_type3A_362 = arith.extui %eq3A_361 : vector<1024x10xi1> to vector<1024x10xi32>
    %convert_element_type3A_363 = arith.sitofp %convert_element_type3A_362 : vector<1024x10xi32> to vector<1024x10xf32>
    %reduce_sum3A_364 = arith.constant dense<0.000000e+00> : vector<1024xf32>
    %reduce_sum3A_365 = vector.multi_reduction <add>, %convert_element_type3A_363, %reduce_sum3A_364 [1] : vector<1024x10xf32> to vector<1024xf32>
    %broadcast_in_dim3A_366 = vector.shape_cast %reduce_sum3A_365 : vector<1024xf32> to vector<1024x1xf32>
    %slice3A_367 = vector.extract_strided_slice %concatenate3A_102 {offsets = [0, 11], sizes = [1024, 1], strides = [1, 1]} : vector<1024x20xi32> to vector<1024x1xi32>
    %eq3A_368 = vector.broadcast %slice3A_367 : vector<1024x1xi32> to vector<1024x10xi32>
    %eq3A_369 = arith.cmpi eq, %eq3A_368, %slice3A : vector<1024x10xi32>
    %jit3A_370 = arith.constant 0.000000e+00 : f32
    %broadcast_in_dim3A_371 = vector.broadcast %jit3A_370 : f32 to vector<1024x10xf32>
    %select_n3A_372 = arith.select %eq3A_369, %slice3A_97, %broadcast_in_dim3A_371 : vector<1024x10xi1>, vector<1024x10xf32>
    %reduce_sum3A_373 = arith.constant dense<0.000000e+00> : vector<1024xf32>
    %reduce_sum3A_374 = vector.multi_reduction <add>, %select_n3A_372, %reduce_sum3A_373 [1] : vector<1024x10xf32> to vector<1024xf32>
    %broadcast_in_dim3A_375 = vector.shape_cast %reduce_sum3A_374 : vector<1024xf32> to vector<1024x1xf32>
    %eq3A_376 = vector.broadcast %slice3A_367 : vector<1024x1xi32> to vector<1024x10xi32>
    %eq3A_377 = arith.cmpi eq, %eq3A_376, %slice3A_101 : vector<1024x10xi32>
    %jit3A_378 = arith.constant 0.000000e+00 : f32
    %broadcast_in_dim3A_379 = vector.broadcast %jit3A_378 : f32 to vector<1024x10xf32>
    %select_n3A_380 = arith.select %eq3A_377, %div3A_90, %broadcast_in_dim3A_379 : vector<1024x10xi1>, vector<1024x10xf32>
    %reduce_sum3A_381 = arith.constant dense<0.000000e+00> : vector<1024xf32>
    %reduce_sum3A_382 = vector.multi_reduction <add>, %select_n3A_380, %reduce_sum3A_381 [1] : vector<1024x10xf32> to vector<1024xf32>
    %broadcast_in_dim3A_383 = vector.shape_cast %reduce_sum3A_382 : vector<1024xf32> to vector<1024x1xf32>
    %slice3A_384 = vector.extract_strided_slice %concatenate3A_102 {offsets = [0, 0], sizes = [1024, 11], strides = [1, 1]} : vector<1024x20xi32> to vector<1024x11xi32>
    %eq3A_385 = vector.broadcast %slice3A_367 : vector<1024x1xi32> to vector<1024x11xi32>
    %eq3A_386 = arith.cmpi eq, %slice3A_384, %eq3A_385 : vector<1024x11xi32>
    %convert_element_type3A_387 = arith.extui %eq3A_386 : vector<1024x11xi1> to vector<1024x11xi32>
    %convert_element_type3A_388 = arith.sitofp %convert_element_type3A_387 : vector<1024x11xi32> to vector<1024x11xf32>
    %reduce_sum3A_389 = arith.constant dense<0.000000e+00> : vector<1024xf32>
    %reduce_sum3A_390 = vector.multi_reduction <add>, %convert_element_type3A_388, %reduce_sum3A_389 [1] : vector<1024x11xf32> to vector<1024xf32>
    %broadcast_in_dim3A_391 = vector.shape_cast %reduce_sum3A_390 : vector<1024xf32> to vector<1024x1xf32>
    %slice3A_392 = vector.extract_strided_slice %concatenate3A_102 {offsets = [0, 12], sizes = [1024, 1], strides = [1, 1]} : vector<1024x20xi32> to vector<1024x1xi32>
    %eq3A_393 = vector.broadcast %slice3A_392 : vector<1024x1xi32> to vector<1024x10xi32>
    %eq3A_394 = arith.cmpi eq, %eq3A_393, %slice3A : vector<1024x10xi32>
    %jit3A_395 = arith.constant 0.000000e+00 : f32
    %broadcast_in_dim3A_396 = vector.broadcast %jit3A_395 : f32 to vector<1024x10xf32>
    %select_n3A_397 = arith.select %eq3A_394, %slice3A_97, %broadcast_in_dim3A_396 : vector<1024x10xi1>, vector<1024x10xf32>
    %reduce_sum3A_398 = arith.constant dense<0.000000e+00> : vector<1024xf32>
    %reduce_sum3A_399 = vector.multi_reduction <add>, %select_n3A_397, %reduce_sum3A_398 [1] : vector<1024x10xf32> to vector<1024xf32>
    %broadcast_in_dim3A_400 = vector.shape_cast %reduce_sum3A_399 : vector<1024xf32> to vector<1024x1xf32>
    %eq3A_401 = vector.broadcast %slice3A_392 : vector<1024x1xi32> to vector<1024x10xi32>
    %eq3A_402 = arith.cmpi eq, %eq3A_401, %slice3A_101 : vector<1024x10xi32>
    %jit3A_403 = arith.constant 0.000000e+00 : f32
    %broadcast_in_dim3A_404 = vector.broadcast %jit3A_403 : f32 to vector<1024x10xf32>
    %select_n3A_405 = arith.select %eq3A_402, %div3A_90, %broadcast_in_dim3A_404 : vector<1024x10xi1>, vector<1024x10xf32>
    %reduce_sum3A_406 = arith.constant dense<0.000000e+00> : vector<1024xf32>
    %reduce_sum3A_407 = vector.multi_reduction <add>, %select_n3A_405, %reduce_sum3A_406 [1] : vector<1024x10xf32> to vector<1024xf32>
    %broadcast_in_dim3A_408 = vector.shape_cast %reduce_sum3A_407 : vector<1024xf32> to vector<1024x1xf32>
    %slice3A_409 = vector.extract_strided_slice %concatenate3A_102 {offsets = [0, 0], sizes = [1024, 12], strides = [1, 1]} : vector<1024x20xi32> to vector<1024x12xi32>
    %eq3A_410 = vector.broadcast %slice3A_392 : vector<1024x1xi32> to vector<1024x12xi32>
    %eq3A_411 = arith.cmpi eq, %slice3A_409, %eq3A_410 : vector<1024x12xi32>
    %convert_element_type3A_412 = arith.extui %eq3A_411 : vector<1024x12xi1> to vector<1024x12xi32>
    %convert_element_type3A_413 = arith.sitofp %convert_element_type3A_412 : vector<1024x12xi32> to vector<1024x12xf32>
    %reduce_sum3A_414 = arith.constant dense<0.000000e+00> : vector<1024xf32>
    %reduce_sum3A_415 = vector.multi_reduction <add>, %convert_element_type3A_413, %reduce_sum3A_414 [1] : vector<1024x12xf32> to vector<1024xf32>
    %broadcast_in_dim3A_416 = vector.shape_cast %reduce_sum3A_415 : vector<1024xf32> to vector<1024x1xf32>
    %slice3A_417 = vector.extract_strided_slice %concatenate3A_102 {offsets = [0, 13], sizes = [1024, 1], strides = [1, 1]} : vector<1024x20xi32> to vector<1024x1xi32>
    %eq3A_418 = vector.broadcast %slice3A_417 : vector<1024x1xi32> to vector<1024x10xi32>
    %eq3A_419 = arith.cmpi eq, %eq3A_418, %slice3A : vector<1024x10xi32>
    %jit3A_420 = arith.constant 0.000000e+00 : f32
    %broadcast_in_dim3A_421 = vector.broadcast %jit3A_420 : f32 to vector<1024x10xf32>
    %select_n3A_422 = arith.select %eq3A_419, %slice3A_97, %broadcast_in_dim3A_421 : vector<1024x10xi1>, vector<1024x10xf32>
    %reduce_sum3A_423 = arith.constant dense<0.000000e+00> : vector<1024xf32>
    %reduce_sum3A_424 = vector.multi_reduction <add>, %select_n3A_422, %reduce_sum3A_423 [1] : vector<1024x10xf32> to vector<1024xf32>
    %broadcast_in_dim3A_425 = vector.shape_cast %reduce_sum3A_424 : vector<1024xf32> to vector<1024x1xf32>
    %eq3A_426 = vector.broadcast %slice3A_417 : vector<1024x1xi32> to vector<1024x10xi32>
    %eq3A_427 = arith.cmpi eq, %eq3A_426, %slice3A_101 : vector<1024x10xi32>
    %jit3A_428 = arith.constant 0.000000e+00 : f32
    %broadcast_in_dim3A_429 = vector.broadcast %jit3A_428 : f32 to vector<1024x10xf32>
    %select_n3A_430 = arith.select %eq3A_427, %div3A_90, %broadcast_in_dim3A_429 : vector<1024x10xi1>, vector<1024x10xf32>
    %reduce_sum3A_431 = arith.constant dense<0.000000e+00> : vector<1024xf32>
    %reduce_sum3A_432 = vector.multi_reduction <add>, %select_n3A_430, %reduce_sum3A_431 [1] : vector<1024x10xf32> to vector<1024xf32>
    %broadcast_in_dim3A_433 = vector.shape_cast %reduce_sum3A_432 : vector<1024xf32> to vector<1024x1xf32>
    %slice3A_434 = vector.extract_strided_slice %concatenate3A_102 {offsets = [0, 0], sizes = [1024, 13], strides = [1, 1]} : vector<1024x20xi32> to vector<1024x13xi32>
    %eq3A_435 = vector.broadcast %slice3A_417 : vector<1024x1xi32> to vector<1024x13xi32>
    %eq3A_436 = arith.cmpi eq, %slice3A_434, %eq3A_435 : vector<1024x13xi32>
    %convert_element_type3A_437 = arith.extui %eq3A_436 : vector<1024x13xi1> to vector<1024x13xi32>
    %convert_element_type3A_438 = arith.sitofp %convert_element_type3A_437 : vector<1024x13xi32> to vector<1024x13xf32>
    %reduce_sum3A_439 = arith.constant dense<0.000000e+00> : vector<1024xf32>
    %reduce_sum3A_440 = vector.multi_reduction <add>, %convert_element_type3A_438, %reduce_sum3A_439 [1] : vector<1024x13xf32> to vector<1024xf32>
    %broadcast_in_dim3A_441 = vector.shape_cast %reduce_sum3A_440 : vector<1024xf32> to vector<1024x1xf32>
    %slice3A_442 = vector.extract_strided_slice %concatenate3A_102 {offsets = [0, 14], sizes = [1024, 1], strides = [1, 1]} : vector<1024x20xi32> to vector<1024x1xi32>
    %eq3A_443 = vector.broadcast %slice3A_442 : vector<1024x1xi32> to vector<1024x10xi32>
    %eq3A_444 = arith.cmpi eq, %eq3A_443, %slice3A : vector<1024x10xi32>
    %jit3A_445 = arith.constant 0.000000e+00 : f32
    %broadcast_in_dim3A_446 = vector.broadcast %jit3A_445 : f32 to vector<1024x10xf32>
    %select_n3A_447 = arith.select %eq3A_444, %slice3A_97, %broadcast_in_dim3A_446 : vector<1024x10xi1>, vector<1024x10xf32>
    %reduce_sum3A_448 = arith.constant dense<0.000000e+00> : vector<1024xf32>
    %reduce_sum3A_449 = vector.multi_reduction <add>, %select_n3A_447, %reduce_sum3A_448 [1] : vector<1024x10xf32> to vector<1024xf32>
    %broadcast_in_dim3A_450 = vector.shape_cast %reduce_sum3A_449 : vector<1024xf32> to vector<1024x1xf32>
    %eq3A_451 = vector.broadcast %slice3A_442 : vector<1024x1xi32> to vector<1024x10xi32>
    %eq3A_452 = arith.cmpi eq, %eq3A_451, %slice3A_101 : vector<1024x10xi32>
    %jit3A_453 = arith.constant 0.000000e+00 : f32
    %broadcast_in_dim3A_454 = vector.broadcast %jit3A_453 : f32 to vector<1024x10xf32>
    %select_n3A_455 = arith.select %eq3A_452, %div3A_90, %broadcast_in_dim3A_454 : vector<1024x10xi1>, vector<1024x10xf32>
    %reduce_sum3A_456 = arith.constant dense<0.000000e+00> : vector<1024xf32>
    %reduce_sum3A_457 = vector.multi_reduction <add>, %select_n3A_455, %reduce_sum3A_456 [1] : vector<1024x10xf32> to vector<1024xf32>
    %broadcast_in_dim3A_458 = vector.shape_cast %reduce_sum3A_457 : vector<1024xf32> to vector<1024x1xf32>
    %slice3A_459 = vector.extract_strided_slice %concatenate3A_102 {offsets = [0, 0], sizes = [1024, 14], strides = [1, 1]} : vector<1024x20xi32> to vector<1024x14xi32>
    %eq3A_460 = vector.broadcast %slice3A_442 : vector<1024x1xi32> to vector<1024x14xi32>
    %eq3A_461 = arith.cmpi eq, %slice3A_459, %eq3A_460 : vector<1024x14xi32>
    %convert_element_type3A_462 = arith.extui %eq3A_461 : vector<1024x14xi1> to vector<1024x14xi32>
    %convert_element_type3A_463 = arith.sitofp %convert_element_type3A_462 : vector<1024x14xi32> to vector<1024x14xf32>
    %reduce_sum3A_464 = arith.constant dense<0.000000e+00> : vector<1024xf32>
    %reduce_sum3A_465 = vector.multi_reduction <add>, %convert_element_type3A_463, %reduce_sum3A_464 [1] : vector<1024x14xf32> to vector<1024xf32>
    %broadcast_in_dim3A_466 = vector.shape_cast %reduce_sum3A_465 : vector<1024xf32> to vector<1024x1xf32>
    %slice3A_467 = vector.extract_strided_slice %concatenate3A_102 {offsets = [0, 15], sizes = [1024, 1], strides = [1, 1]} : vector<1024x20xi32> to vector<1024x1xi32>
    %eq3A_468 = vector.broadcast %slice3A_467 : vector<1024x1xi32> to vector<1024x10xi32>
    %eq3A_469 = arith.cmpi eq, %eq3A_468, %slice3A : vector<1024x10xi32>
    %jit3A_470 = arith.constant 0.000000e+00 : f32
    %broadcast_in_dim3A_471 = vector.broadcast %jit3A_470 : f32 to vector<1024x10xf32>
    %select_n3A_472 = arith.select %eq3A_469, %slice3A_97, %broadcast_in_dim3A_471 : vector<1024x10xi1>, vector<1024x10xf32>
    %reduce_sum3A_473 = arith.constant dense<0.000000e+00> : vector<1024xf32>
    %reduce_sum3A_474 = vector.multi_reduction <add>, %select_n3A_472, %reduce_sum3A_473 [1] : vector<1024x10xf32> to vector<1024xf32>
    %broadcast_in_dim3A_475 = vector.shape_cast %reduce_sum3A_474 : vector<1024xf32> to vector<1024x1xf32>
    %eq3A_476 = vector.broadcast %slice3A_467 : vector<1024x1xi32> to vector<1024x10xi32>
    %eq3A_477 = arith.cmpi eq, %eq3A_476, %slice3A_101 : vector<1024x10xi32>
    %jit3A_478 = arith.constant 0.000000e+00 : f32
    %broadcast_in_dim3A_479 = vector.broadcast %jit3A_478 : f32 to vector<1024x10xf32>
    %select_n3A_480 = arith.select %eq3A_477, %div3A_90, %broadcast_in_dim3A_479 : vector<1024x10xi1>, vector<1024x10xf32>
    %reduce_sum3A_481 = arith.constant dense<0.000000e+00> : vector<1024xf32>
    %reduce_sum3A_482 = vector.multi_reduction <add>, %select_n3A_480, %reduce_sum3A_481 [1] : vector<1024x10xf32> to vector<1024xf32>
    %broadcast_in_dim3A_483 = vector.shape_cast %reduce_sum3A_482 : vector<1024xf32> to vector<1024x1xf32>
    %slice3A_484 = vector.extract_strided_slice %concatenate3A_102 {offsets = [0, 0], sizes = [1024, 15], strides = [1, 1]} : vector<1024x20xi32> to vector<1024x15xi32>
    %eq3A_485 = vector.broadcast %slice3A_467 : vector<1024x1xi32> to vector<1024x15xi32>
    %eq3A_486 = arith.cmpi eq, %slice3A_484, %eq3A_485 : vector<1024x15xi32>
    %convert_element_type3A_487 = arith.extui %eq3A_486 : vector<1024x15xi1> to vector<1024x15xi32>
    %convert_element_type3A_488 = arith.sitofp %convert_element_type3A_487 : vector<1024x15xi32> to vector<1024x15xf32>
    %reduce_sum3A_489 = arith.constant dense<0.000000e+00> : vector<1024xf32>
    %reduce_sum3A_490 = vector.multi_reduction <add>, %convert_element_type3A_488, %reduce_sum3A_489 [1] : vector<1024x15xf32> to vector<1024xf32>
    %broadcast_in_dim3A_491 = vector.shape_cast %reduce_sum3A_490 : vector<1024xf32> to vector<1024x1xf32>
    %slice3A_492 = vector.extract_strided_slice %concatenate3A_102 {offsets = [0, 16], sizes = [1024, 1], strides = [1, 1]} : vector<1024x20xi32> to vector<1024x1xi32>
    %eq3A_493 = vector.broadcast %slice3A_492 : vector<1024x1xi32> to vector<1024x10xi32>
    %eq3A_494 = arith.cmpi eq, %eq3A_493, %slice3A : vector<1024x10xi32>
    %jit3A_495 = arith.constant 0.000000e+00 : f32
    %broadcast_in_dim3A_496 = vector.broadcast %jit3A_495 : f32 to vector<1024x10xf32>
    %select_n3A_497 = arith.select %eq3A_494, %slice3A_97, %broadcast_in_dim3A_496 : vector<1024x10xi1>, vector<1024x10xf32>
    %reduce_sum3A_498 = arith.constant dense<0.000000e+00> : vector<1024xf32>
    %reduce_sum3A_499 = vector.multi_reduction <add>, %select_n3A_497, %reduce_sum3A_498 [1] : vector<1024x10xf32> to vector<1024xf32>
    %broadcast_in_dim3A_500 = vector.shape_cast %reduce_sum3A_499 : vector<1024xf32> to vector<1024x1xf32>
    %eq3A_501 = vector.broadcast %slice3A_492 : vector<1024x1xi32> to vector<1024x10xi32>
    %eq3A_502 = arith.cmpi eq, %eq3A_501, %slice3A_101 : vector<1024x10xi32>
    %jit3A_503 = arith.constant 0.000000e+00 : f32
    %broadcast_in_dim3A_504 = vector.broadcast %jit3A_503 : f32 to vector<1024x10xf32>
    %select_n3A_505 = arith.select %eq3A_502, %div3A_90, %broadcast_in_dim3A_504 : vector<1024x10xi1>, vector<1024x10xf32>
    %reduce_sum3A_506 = arith.constant dense<0.000000e+00> : vector<1024xf32>
    %reduce_sum3A_507 = vector.multi_reduction <add>, %select_n3A_505, %reduce_sum3A_506 [1] : vector<1024x10xf32> to vector<1024xf32>
    %broadcast_in_dim3A_508 = vector.shape_cast %reduce_sum3A_507 : vector<1024xf32> to vector<1024x1xf32>
    %slice3A_509 = vector.extract_strided_slice %concatenate3A_102 {offsets = [0, 0], sizes = [1024, 16], strides = [1, 1]} : vector<1024x20xi32> to vector<1024x16xi32>
    %eq3A_510 = vector.broadcast %slice3A_492 : vector<1024x1xi32> to vector<1024x16xi32>
    %eq3A_511 = arith.cmpi eq, %slice3A_509, %eq3A_510 : vector<1024x16xi32>
    %convert_element_type3A_512 = arith.extui %eq3A_511 : vector<1024x16xi1> to vector<1024x16xi32>
    %convert_element_type3A_513 = arith.sitofp %convert_element_type3A_512 : vector<1024x16xi32> to vector<1024x16xf32>
    %reduce_sum3A_514 = arith.constant dense<0.000000e+00> : vector<1024xf32>
    %reduce_sum3A_515 = vector.multi_reduction <add>, %convert_element_type3A_513, %reduce_sum3A_514 [1] : vector<1024x16xf32> to vector<1024xf32>
    %broadcast_in_dim3A_516 = vector.shape_cast %reduce_sum3A_515 : vector<1024xf32> to vector<1024x1xf32>
    %slice3A_517 = vector.extract_strided_slice %concatenate3A_102 {offsets = [0, 17], sizes = [1024, 1], strides = [1, 1]} : vector<1024x20xi32> to vector<1024x1xi32>
    %eq3A_518 = vector.broadcast %slice3A_517 : vector<1024x1xi32> to vector<1024x10xi32>
    %eq3A_519 = arith.cmpi eq, %eq3A_518, %slice3A : vector<1024x10xi32>
    %jit3A_520 = arith.constant 0.000000e+00 : f32
    %broadcast_in_dim3A_521 = vector.broadcast %jit3A_520 : f32 to vector<1024x10xf32>
    %select_n3A_522 = arith.select %eq3A_519, %slice3A_97, %broadcast_in_dim3A_521 : vector<1024x10xi1>, vector<1024x10xf32>
    %reduce_sum3A_523 = arith.constant dense<0.000000e+00> : vector<1024xf32>
    %reduce_sum3A_524 = vector.multi_reduction <add>, %select_n3A_522, %reduce_sum3A_523 [1] : vector<1024x10xf32> to vector<1024xf32>
    %broadcast_in_dim3A_525 = vector.shape_cast %reduce_sum3A_524 : vector<1024xf32> to vector<1024x1xf32>
    %eq3A_526 = vector.broadcast %slice3A_517 : vector<1024x1xi32> to vector<1024x10xi32>
    %eq3A_527 = arith.cmpi eq, %eq3A_526, %slice3A_101 : vector<1024x10xi32>
    %jit3A_528 = arith.constant 0.000000e+00 : f32
    %broadcast_in_dim3A_529 = vector.broadcast %jit3A_528 : f32 to vector<1024x10xf32>
    %select_n3A_530 = arith.select %eq3A_527, %div3A_90, %broadcast_in_dim3A_529 : vector<1024x10xi1>, vector<1024x10xf32>
    %reduce_sum3A_531 = arith.constant dense<0.000000e+00> : vector<1024xf32>
    %reduce_sum3A_532 = vector.multi_reduction <add>, %select_n3A_530, %reduce_sum3A_531 [1] : vector<1024x10xf32> to vector<1024xf32>
    %broadcast_in_dim3A_533 = vector.shape_cast %reduce_sum3A_532 : vector<1024xf32> to vector<1024x1xf32>
    %slice3A_534 = vector.extract_strided_slice %concatenate3A_102 {offsets = [0, 0], sizes = [1024, 17], strides = [1, 1]} : vector<1024x20xi32> to vector<1024x17xi32>
    %eq3A_535 = vector.broadcast %slice3A_517 : vector<1024x1xi32> to vector<1024x17xi32>
    %eq3A_536 = arith.cmpi eq, %slice3A_534, %eq3A_535 : vector<1024x17xi32>
    %convert_element_type3A_537 = arith.extui %eq3A_536 : vector<1024x17xi1> to vector<1024x17xi32>
    %convert_element_type3A_538 = arith.sitofp %convert_element_type3A_537 : vector<1024x17xi32> to vector<1024x17xf32>
    %reduce_sum3A_539 = arith.constant dense<0.000000e+00> : vector<1024xf32>
    %reduce_sum3A_540 = vector.multi_reduction <add>, %convert_element_type3A_538, %reduce_sum3A_539 [1] : vector<1024x17xf32> to vector<1024xf32>
    %broadcast_in_dim3A_541 = vector.shape_cast %reduce_sum3A_540 : vector<1024xf32> to vector<1024x1xf32>
    %slice3A_542 = vector.extract_strided_slice %concatenate3A_102 {offsets = [0, 18], sizes = [1024, 1], strides = [1, 1]} : vector<1024x20xi32> to vector<1024x1xi32>
    %eq3A_543 = vector.broadcast %slice3A_542 : vector<1024x1xi32> to vector<1024x10xi32>
    %eq3A_544 = arith.cmpi eq, %eq3A_543, %slice3A : vector<1024x10xi32>
    %jit3A_545 = arith.constant 0.000000e+00 : f32
    %broadcast_in_dim3A_546 = vector.broadcast %jit3A_545 : f32 to vector<1024x10xf32>
    %select_n3A_547 = arith.select %eq3A_544, %slice3A_97, %broadcast_in_dim3A_546 : vector<1024x10xi1>, vector<1024x10xf32>
    %reduce_sum3A_548 = arith.constant dense<0.000000e+00> : vector<1024xf32>
    %reduce_sum3A_549 = vector.multi_reduction <add>, %select_n3A_547, %reduce_sum3A_548 [1] : vector<1024x10xf32> to vector<1024xf32>
    %broadcast_in_dim3A_550 = vector.shape_cast %reduce_sum3A_549 : vector<1024xf32> to vector<1024x1xf32>
    %eq3A_551 = vector.broadcast %slice3A_542 : vector<1024x1xi32> to vector<1024x10xi32>
    %eq3A_552 = arith.cmpi eq, %eq3A_551, %slice3A_101 : vector<1024x10xi32>
    %jit3A_553 = arith.constant 0.000000e+00 : f32
    %broadcast_in_dim3A_554 = vector.broadcast %jit3A_553 : f32 to vector<1024x10xf32>
    %select_n3A_555 = arith.select %eq3A_552, %div3A_90, %broadcast_in_dim3A_554 : vector<1024x10xi1>, vector<1024x10xf32>
    %reduce_sum3A_556 = arith.constant dense<0.000000e+00> : vector<1024xf32>
    %reduce_sum3A_557 = vector.multi_reduction <add>, %select_n3A_555, %reduce_sum3A_556 [1] : vector<1024x10xf32> to vector<1024xf32>
    %broadcast_in_dim3A_558 = vector.shape_cast %reduce_sum3A_557 : vector<1024xf32> to vector<1024x1xf32>
    %slice3A_559 = vector.extract_strided_slice %concatenate3A_102 {offsets = [0, 0], sizes = [1024, 18], strides = [1, 1]} : vector<1024x20xi32> to vector<1024x18xi32>
    %eq3A_560 = vector.broadcast %slice3A_542 : vector<1024x1xi32> to vector<1024x18xi32>
    %eq3A_561 = arith.cmpi eq, %slice3A_559, %eq3A_560 : vector<1024x18xi32>
    %convert_element_type3A_562 = arith.extui %eq3A_561 : vector<1024x18xi1> to vector<1024x18xi32>
    %convert_element_type3A_563 = arith.sitofp %convert_element_type3A_562 : vector<1024x18xi32> to vector<1024x18xf32>
    %reduce_sum3A_564 = arith.constant dense<0.000000e+00> : vector<1024xf32>
    %reduce_sum3A_565 = vector.multi_reduction <add>, %convert_element_type3A_563, %reduce_sum3A_564 [1] : vector<1024x18xf32> to vector<1024xf32>
    %broadcast_in_dim3A_566 = vector.shape_cast %reduce_sum3A_565 : vector<1024xf32> to vector<1024x1xf32>
    %slice3A_567 = vector.extract_strided_slice %concatenate3A_102 {offsets = [0, 19], sizes = [1024, 1], strides = [1, 1]} : vector<1024x20xi32> to vector<1024x1xi32>
    %eq3A_568 = vector.broadcast %slice3A_567 : vector<1024x1xi32> to vector<1024x10xi32>
    %eq3A_569 = arith.cmpi eq, %eq3A_568, %slice3A : vector<1024x10xi32>
    %jit3A_570 = arith.constant 0.000000e+00 : f32
    %broadcast_in_dim3A_571 = vector.broadcast %jit3A_570 : f32 to vector<1024x10xf32>
    %select_n3A_572 = arith.select %eq3A_569, %slice3A_97, %broadcast_in_dim3A_571 : vector<1024x10xi1>, vector<1024x10xf32>
    %reduce_sum3A_573 = arith.constant dense<0.000000e+00> : vector<1024xf32>
    %reduce_sum3A_574 = vector.multi_reduction <add>, %select_n3A_572, %reduce_sum3A_573 [1] : vector<1024x10xf32> to vector<1024xf32>
    %broadcast_in_dim3A_575 = vector.shape_cast %reduce_sum3A_574 : vector<1024xf32> to vector<1024x1xf32>
    %eq3A_576 = vector.broadcast %slice3A_567 : vector<1024x1xi32> to vector<1024x10xi32>
    %eq3A_577 = arith.cmpi eq, %eq3A_576, %slice3A_101 : vector<1024x10xi32>
    %jit3A_578 = arith.constant 0.000000e+00 : f32
    %broadcast_in_dim3A_579 = vector.broadcast %jit3A_578 : f32 to vector<1024x10xf32>
    %select_n3A_580 = arith.select %eq3A_577, %div3A_90, %broadcast_in_dim3A_579 : vector<1024x10xi1>, vector<1024x10xf32>
    %reduce_sum3A_581 = arith.constant dense<0.000000e+00> : vector<1024xf32>
    %reduce_sum3A_582 = vector.multi_reduction <add>, %select_n3A_580, %reduce_sum3A_581 [1] : vector<1024x10xf32> to vector<1024xf32>
    %broadcast_in_dim3A_583 = vector.shape_cast %reduce_sum3A_582 : vector<1024xf32> to vector<1024x1xf32>
    %slice3A_584 = vector.extract_strided_slice %concatenate3A_102 {offsets = [0, 0], sizes = [1024, 19], strides = [1, 1]} : vector<1024x20xi32> to vector<1024x19xi32>
    %eq3A_585 = vector.broadcast %slice3A_567 : vector<1024x1xi32> to vector<1024x19xi32>
    %eq3A_586 = arith.cmpi eq, %slice3A_584, %eq3A_585 : vector<1024x19xi32>
    %convert_element_type3A_587 = arith.extui %eq3A_586 : vector<1024x19xi1> to vector<1024x19xi32>
    %convert_element_type3A_588 = arith.sitofp %convert_element_type3A_587 : vector<1024x19xi32> to vector<1024x19xf32>
    %reduce_sum3A_589 = arith.constant dense<0.000000e+00> : vector<1024xf32>
    %reduce_sum3A_590 = vector.multi_reduction <add>, %convert_element_type3A_588, %reduce_sum3A_589 [1] : vector<1024x19xf32> to vector<1024xf32>
    %broadcast_in_dim3A_591 = vector.shape_cast %reduce_sum3A_590 : vector<1024xf32> to vector<1024x1xf32>
    %concatenate3A_592 = tpu.concatenate %broadcast_in_dim3A_108, %broadcast_in_dim3A_127, %broadcast_in_dim3A_150, %broadcast_in_dim3A_175, %broadcast_in_dim3A_200, %broadcast_in_dim3A_225, %broadcast_in_dim3A_250, %broadcast_in_dim3A_275, %broadcast_in_dim3A_300, %broadcast_in_dim3A_325, %broadcast_in_dim3A_350, %broadcast_in_dim3A_375, %broadcast_in_dim3A_400, %broadcast_in_dim3A_425, %broadcast_in_dim3A_450, %broadcast_in_dim3A_475, %broadcast_in_dim3A_500, %broadcast_in_dim3A_525, %broadcast_in_dim3A_550, %broadcast_in_dim3A_575 in 1 : vector<1024x1xf32>, vector<1024x1xf32>, vector<1024x1xf32>, vector<1024x1xf32>, vector<1024x1xf32>, vector<1024x1xf32>, vector<1024x1xf32>, vector<1024x1xf32>, vector<1024x1xf32>, vector<1024x1xf32>, vector<1024x1xf32>, vector<1024x1xf32>, vector<1024x1xf32>, vector<1024x1xf32>, vector<1024x1xf32>, vector<1024x1xf32>, vector<1024x1xf32>, vector<1024x1xf32>, vector<1024x1xf32>, vector<1024x1xf32> -> vector<1024x20xf32>
    %concatenate3A_593 = tpu.concatenate %broadcast_in_dim3A_116, %broadcast_in_dim3A_135, %broadcast_in_dim3A_158, %broadcast_in_dim3A_183, %broadcast_in_dim3A_208, %broadcast_in_dim3A_233, %broadcast_in_dim3A_258, %broadcast_in_dim3A_283, %broadcast_in_dim3A_308, %broadcast_in_dim3A_333, %broadcast_in_dim3A_358, %broadcast_in_dim3A_383, %broadcast_in_dim3A_408, %broadcast_in_dim3A_433, %broadcast_in_dim3A_458, %broadcast_in_dim3A_483, %broadcast_in_dim3A_508, %broadcast_in_dim3A_533, %broadcast_in_dim3A_558, %broadcast_in_dim3A_583 in 1 : vector<1024x1xf32>, vector<1024x1xf32>, vector<1024x1xf32>, vector<1024x1xf32>, vector<1024x1xf32>, vector<1024x1xf32>, vector<1024x1xf32>, vector<1024x1xf32>, vector<1024x1xf32>, vector<1024x1xf32>, vector<1024x1xf32>, vector<1024x1xf32>, vector<1024x1xf32>, vector<1024x1xf32>, vector<1024x1xf32>, vector<1024x1xf32>, vector<1024x1xf32>, vector<1024x1xf32>, vector<1024x1xf32>, vector<1024x1xf32> -> vector<1024x20xf32>
    %concatenate3A_594 = tpu.concatenate %broadcast_in_dim3A_118, %broadcast_in_dim3A_141, %broadcast_in_dim3A_166, %broadcast_in_dim3A_191, %broadcast_in_dim3A_216, %broadcast_in_dim3A_241, %broadcast_in_dim3A_266, %broadcast_in_dim3A_291, %broadcast_in_dim3A_316, %broadcast_in_dim3A_341, %broadcast_in_dim3A_366, %broadcast_in_dim3A_391, %broadcast_in_dim3A_416, %broadcast_in_dim3A_441, %broadcast_in_dim3A_466, %broadcast_in_dim3A_491, %broadcast_in_dim3A_516, %broadcast_in_dim3A_541, %broadcast_in_dim3A_566, %broadcast_in_dim3A_591 in 1 : vector<1024x1xf32>, vector<1024x1xf32>, vector<1024x1xf32>, vector<1024x1xf32>, vector<1024x1xf32>, vector<1024x1xf32>, vector<1024x1xf32>, vector<1024x1xf32>, vector<1024x1xf32>, vector<1024x1xf32>, vector<1024x1xf32>, vector<1024x1xf32>, vector<1024x1xf32>, vector<1024x1xf32>, vector<1024x1xf32>, vector<1024x1xf32>, vector<1024x1xf32>, vector<1024x1xf32>, vector<1024x1xf32>, vector<1024x1xf32> -> vector<1024x20xf32>
    %eq3A_595 = arith.constant 0.000000e+00 : f32
    %eq3A_596 = vector.broadcast %eq3A_595 : f32 to vector<1024x20xf32>
    %eq3A_597 = arith.cmpf oeq, %concatenate3A_594, %eq3A_596 : vector<1024x20xf32>
    %max3A = arith.constant 9.99999993E-9 : f32
    %max3A_598 = vector.broadcast %max3A : f32 to vector<1024x20xf32>
    %max3A_599 = arith.maximumf %concatenate3A_592, %max3A_598 : vector<1024x20xf32>
    %jit3A_600 = arith.constant 9.99999993E-9 : f32
    %broadcast_in_dim3A_601 = vector.broadcast %jit3A_600 : f32 to vector<1024x20xf32>
    %select_n3A_602 = arith.select %eq3A_597, %max3A_599, %broadcast_in_dim3A_601 : vector<1024x20xi1>, vector<1024x20xf32>
    %max3A_603 = arith.constant 9.99999993E-9 : f32
    %max3A_604 = vector.broadcast %max3A_603 : f32 to vector<1024x20xf32>
    %max3A_605 = arith.maximumf %concatenate3A_593, %max3A_604 : vector<1024x20xf32>
    %jit3A_606 = arith.constant 9.99999993E-9 : f32
    %broadcast_in_dim3A_607 = vector.broadcast %jit3A_606 : f32 to vector<1024x20xf32>
    %select_n3A_608 = arith.select %eq3A_597, %max3A_605, %broadcast_in_dim3A_607 : vector<1024x20xi1>, vector<1024x20xf32>
    %reduce_sum3A_609 = arith.constant dense<0.000000e+00> : vector<1024xf32>
    %reduce_sum3A_610 = vector.multi_reduction <add>, %select_n3A_602, %reduce_sum3A_609 [1] : vector<1024x20xf32> to vector<1024xf32>
    %broadcast_in_dim3A_611 = vector.shape_cast %reduce_sum3A_610 : vector<1024xf32> to vector<1024x1xf32>
    %div3A_612 = vector.broadcast %broadcast_in_dim3A_611 : vector<1024x1xf32> to vector<1024x20xf32>
    %div3A_613 = arith.divf %select_n3A_602, %div3A_612 : vector<1024x20xf32>
    %reduce_sum3A_614 = arith.constant dense<0.000000e+00> : vector<1024xf32>
    %reduce_sum3A_615 = vector.multi_reduction <add>, %select_n3A_608, %reduce_sum3A_614 [1] : vector<1024x20xf32> to vector<1024xf32>
    %broadcast_in_dim3A_616 = vector.shape_cast %reduce_sum3A_615 : vector<1024xf32> to vector<1024x1xf32>
    %div3A_617 = vector.broadcast %broadcast_in_dim3A_616 : vector<1024x1xf32> to vector<1024x20xf32>
    %div3A_618 = arith.divf %select_n3A_608, %div3A_617 : vector<1024x20xf32>
    %log3A = math.log %div3A_613 : vector<1024x20xf32>
    %log3A_619 = math.log %div3A_618 : vector<1024x20xf32>
    %sub3A_620 = arith.subf %log3A, %log3A_619 : vector<1024x20xf32>
    %mul3A_621 = arith.mulf %div3A_613, %sub3A_620 : vector<1024x20xf32>
    %reduce_sum3A_622 = arith.constant dense<0.000000e+00> : vector<1024xf32>
    %reduce_sum3A_623 = vector.multi_reduction <add>, %mul3A_621, %reduce_sum3A_622 [1] : vector<1024x20xf32> to vector<1024xf32>
    %reduce_sum3A_624 = vector.shape_cast %reduce_sum3A_623 : vector<1024xf32> to vector<1x1024xf32>
    %reduce_sum3A_625 = arith.constant dense<0.000000e+00> : vector<1xf32>
    %reduce_sum3A_626 = vector.multi_reduction <add>, %reduce_sum3A_624, %reduce_sum3A_625 [1] : vector<1x1024xf32> to vector<1xf32>
    %reduce_sum3A_627 = vector.shape_cast %reduce_sum3A_626 : vector<1xf32> to vector<1x1xf32>
    %reduce_sum3A_628 = vector.extract %reduce_sum3A_627[0, 0] : f32 from vector<1x1xf32>
    %div3A_629 = arith.constant 1.024000e+03 : f32
    %div3A_630 = arith.divf %reduce_sum3A_628, %div3A_629 : f32
    %iota3A = tpu.iota {dimensions = array<i32: 1>} : vector<1x128xi32>
    %eq3A_631 = arith.constant 0 : i32
    %eq3A_632 = vector.broadcast %eq3A_631 : i32 to vector<1x128xi32>
    %eq3A_633 = arith.cmpi eq, %iota3A, %eq3A_632 : vector<1x128xi32>
    %jit3A_634 = arith.constant 0.000000e+00 : f32
    %broadcast_in_dim3A_635 = vector.broadcast %div3A_630 : f32 to vector<1x128xf32>
    %broadcast_in_dim3A_636 = vector.broadcast %jit3A_634 : f32 to vector<1x128xf32>
    %select_n3A_637 = arith.select %eq3A_633, %broadcast_in_dim3A_635, %broadcast_in_dim3A_636 : vector<1x128xi1>, vector<1x128xf32>
    %swap3A = arith.constant 0 : index
    %swap3A_638 = arith.constant 0 : index
    %swap3A_639 = vector.load %arg5[%swap3A, %swap3A_638] : memref<1x128xf32, #tpu.memory_space<vmem>>, vector<1x128xf32>
    tpu.vector_store %arg5[%swap3A, %swap3A_638], %select_n3A_637 {strides = array<i32>} : memref<1x128xf32, #tpu.memory_space<vmem>>, vector<1x128xf32>,
    return
  }
}

</mosaic_0001>

<sc_bundles>
// kernel: kernel.11.cloned.1.call-start
scs
__scs_entry_jumppad:
0x0: {  	(pc) =	sbr.rel $0x88, $3  }
0x1: {  	(tag) =	ssettag $0x0;
	lr =	simm.s32 $0x1  }
0x2: {  	[smem:$0x3F9A] =	sst lr;
	_ =	strace $0xD0000000  }
0x3: {  	_ = 	snop  }
0x4: {  	_ = 	snop  }
0x5: {  	_ = 	snop  }
0x6: {  	_ = 	snop  }
0x7: {  	_ = 	snop  }
__scs_overlays_trampoline_lowered:
0x8: {  	[smem:$0x3FA9] =	sst s0  }
0x9: {  	[smem:$0x3FAA] =	sst s1  }
0xa: {  	[smem:$0x3FAB] =	sst s2  }
0xb: {  	[smem:$0x3FAC] =	sst s3  }
0xc: {  	[smem:$0x3FAD] =	sst s4  }
0xd: {  	[smem:$0x3FAE] =	sst s5  }
0xe: {  	[smem:$0x3FAF] =	sst s6  }
0xf: {  	[smem:$0x3FB0] =	sst s7  }
0x10: {  	[smem:$0x3FB1] =	sst s8  }
0x11: {  	[smem:$0x3FB2] =	sst s9;
	s0 =	simm.s32 @!p0 $0x0  }
0x12: {  	s1 =	sld [smem:$0x3F98];
	s0 =	simm.s32 @p0 $0x1  }
0x13: {  	[smem:$0x3FB3] =	sst s0;
	s0 =	simm.s32 @!p1 $0x0  }
0x14: {  	s2 =	sld [smem:$0x3F97];
	s0 =	simm.s32 @p1 $0x1  }
0x15: {  	[smem:$0x3FB4] =	sst s0;
	s0 =	simm.s32 @!p2 $0x0  }
0x16: {  	s3 =	sld [smem:$0x3FDB];
	s0 =	simm.s32 @p2 $0x1  }
0x17: {  	s4 =	simm.s32 $0x1BF5;
	[smem:$0x3FB6] =	sst s0  }
0x18: {  	s0 =	sld [smem:$0x3F99];
	_ =	swait.ge [sflag:s4], $0x0  }
0x19: {  	s7 =	sld [smem:$0x3F9A]  }
0x1a: {  	s8 =	sadd.s32 $0xFFFFE003, lr  }
0x1b: {  	s9 =	sadd.s32 $0xFFFFFEF7, lr;
	s5 =	simm.s32 $0xFFFFFFFF;
	p2 =	slt.u32 s8, $0xFFFFF086  }
0x1c: {  	p1 =	slt.u32 s9, $0xF7A;
	s5 =	simm.s32 @!p2 $0x0  }
0x1d: {  	s5 =	simm.s32 @p1 $0x1;
	p0 =	seq.s32 s7, s2  }
0x1e: {  	s7 =	smul.u32 @!p0 $0xF7A, s2;
	p2 =	seq.s32 @!p0 s5, $0x0  }
0x1f: {  	s9 =	smul.u32 $0xF7A, s1;
	s8 =	simm.s32 @!p0 $0x1BF5;
	p2 =	por !p2, p0  }
0x20: {  	[sflag:s8] =	ssyncset.s32 @!p0 $0xFFFFF086;
	s6 =	sadd.s32 @!p0 s3, s7;
	s7 =	simm.s32 @!p0 $0x108  }
0x21: {  	s3 =	sadd.s32 s3, s9;
	s6 =	sadd.s32 @!p0 $0x88, s6;
	s7 =	simm.s32 @p2 $0x1082  }
0x22: {  	[simem:s7], [sflag:s8] =	dma.local @!p0 [hbm:s6], $0xF7A  }
0x23: {  	s9 =	sor.u32 $0xD0000000, s2;
	s6 =	simm.s32 $0x108;
	_ =	swait.ge @!p0 [sflag:s8], $0x0  }
0x24: {  	s3 =	sadd.s32 $0x88, s3;
	s6 =	simm.s32 @!p1 $0x1082;
	[sflag:s4] =	ssyncset.s32 $0xFFFFF086  }
0x25: {  	[simem:s6], [sflag:s4] =	dma.local [hbm:s3], $0xF7A  }
0x26: {  	[smem:$0x3F9A] =	sst s1;
	(tag) =	ssettag s2;
	_ =	strace s9  }
0x27: {  	s1 =	sld [smem:$0x3FAA]  }
0x28: {  	s2 =	sld [smem:$0x3FAB]  }
0x29: {  	s4 =	sld [smem:$0x3FAD]  }
0x2a: {  	p0 =	seq.s32 s5, $0x0;
	s5 =	sld [smem:$0x3FAE]  }
0x2b: {  	s6 =	sld [smem:$0x3FAF]  }
0x2c: {  	s7 =	sld [smem:$0x3FB0]  }
0x2d: {  	s3 =	simm.s32 $0x108;
	s8 =	sld [smem:$0x3FB1]  }
0x2e: {  	s3 =	simm.s32 @!p0 $0x1082;
	s9 =	sld [smem:$0x3FB2]  }
0x2f: {  	lr =	sadd.s32 s0, s3;
	s0 =	sld [smem:$0x3FA9]  }
0x30: {  	s3 =	sld [smem:$0x3FAC]  }
0x31: {  	[smem:$0x3FB5] =	sst s10  }
0x32: {  	s10 =	sld [smem:$0x3FB3];
	_ =	sdelay $0x3  }
0x33: {  	p0 =	seq.s32 s10, $0x1;
	s10 =	sld [smem:$0x3FB5];
	_ =	sdelay $0x3  }
0x34: {  	[smem:$0x3FB5] =	sst s10  }
0x35: {  	s10 =	sld [smem:$0x3FB4];
	_ =	sdelay $0x3  }
0x36: {  	p1 =	seq.s32 s10, $0x1;
	s10 =	sld [smem:$0x3FB5];
	_ =	sdelay $0x3  }
0x37: {  	[smem:$0x3FB5] =	sst s10  }
0x38: {  	s10 =	sld [smem:$0x3FB6]  }
0x39: {  	_ = 	snop;
	(pc) =	sbr.ind lr, $3  }
0x3a: {  	_ = 	snop  }
0x3b: {  	_ = 	snop  }
0x3c: {  	p2 =	seq.s32 s10, $0x1;
	s10 =	sld [smem:$0x3FB5]  }
0x3d: {  	_ =	shalt  }
0x3e: {  	_ =	shalt  }
0x3f: {  	_ =	shalt  }
0x40: {  	_ =	shalt  }
0x41: {  	_ =	shalt  }
0x42: {  	_ =	shalt  }
0x43: {  	_ =	shalt  }
0x44: {  	_ =	shalt  }
0x45: {  	_ =	shalt  }
0x46: {  	_ =	shalt  }
0x47: {  	_ =	shalt  }
0x48: {  	_ =	shalt  }
0x49: {  	_ =	shalt  }
0x4a: {  	_ =	shalt  }
0x4b: {  	_ =	shalt  }
0x4c: {  	_ =	shalt  }
0x4d: {  	_ =	shalt  }
0x4e: {  	_ =	shalt  }
0x4f: {  	_ =	shalt  }
0x50: {  	_ =	shalt  }
0x51: {  	_ =	shalt  }
0x52: {  	_ =	shalt  }
0x53: {  	_ =	shalt  }
0x54: {  	_ =	shalt  }
0x55: {  	_ =	shalt  }
0x56: {  	_ =	shalt  }
0x57: {  	_ =	shalt  }
0x58: {  	_ =	shalt  }
0x59: {  	_ =	shalt  }
0x5a: {  	_ =	shalt  }
0x5b: {  	_ =	shalt  }
0x5c: {  	_ =	shalt  }
0x5d: {  	_ =	shalt  }
0x5e: {  	_ =	shalt  }
0x5f: {  	_ =	shalt  }
0x60: {  	_ =	shalt  }
0x61: {  	_ =	shalt  }
0x62: {  	_ =	shalt  }
0x63: {  	_ =	shalt  }
0x64: {  	_ =	shalt  }
0x65: {  	_ =	shalt  }
0x66: {  	_ =	shalt  }
0x67: {  	_ =	shalt  }
0x68: {  	_ =	shalt  }
0x69: {  	_ =	shalt  }
0x6a: {  	_ =	shalt  }
0x6b: {  	_ =	shalt  }
0x6c: {  	_ =	shalt  }
0x6d: {  	_ =	shalt  }
0x6e: {  	_ =	shalt  }
0x6f: {  	_ =	shalt  }
0x70: {  	_ =	shalt  }
0x71: {  	_ =	shalt  }
0x72: {  	_ =	shalt  }
0x73: {  	_ =	shalt  }
0x74: {  	_ =	shalt  }
0x75: {  	_ =	shalt  }
0x76: {  	_ =	shalt  }
0x77: {  	_ =	shalt  }
0x78: {  	_ =	shalt  }
0x79: {  	_ =	shalt  }
0x7a: {  	_ =	shalt  }
0x7b: {  	_ =	shalt  }
0x7c: {  	_ =	shalt  }
0x7d: {  	_ =	shalt  }
0x7e: {  	_ =	shalt  }
0x7f: {  	_ =	shalt  }
0x80: {  	_ =	shalt  }
0x81: {  	_ =	shalt  }
0x82: {  	_ =	shalt  }
0x83: {  	_ =	shalt  }
0x84: {  	_ =	shalt  }
0x85: {  	_ =	shalt  }
0x86: {  	_ =	shalt  }
0x87: {  	_ =	shalt  }
.Lfunc_end0:
.L_simem_size_0:
called_computation.1_lowered:
.L_overlay_start_0:
0x88: {  	s2 =	sld [smem:$0x3FD9]  }
0x89: {  	s3 =	sld [smem:$0x3FFE];
	_ =	sdelay $0x1  }
0x8a: {  	s1 =	srdreg.scid  }
0x8b: {  	s0 =	sand.u32 $0x1, s1  }
0x8c: {  	s17 =	sshll.u32 s0, $0xA;
	s2 =	sadd.s32 s3, s2  }
0x8d: {  	s2 =	sadd.s32 s2, s17  }
0x8e: {  	[smem:$0x3FC1] =	sst s2  }
0x8f: {  	_ = 	snop  }
0x90: {  	(tm) =	ssettm $0x1  }
0x91: {  	s18 =	sld [smem:$0x3FFB];
	_ =	sdelay $0x3  }
0x92: {  	_ =	strace s18  }
0x93: {  	s2 =	sld [smem:$0x3FFC];
	_ =	sdelay $0x3  }
0x94: {  	_ =	strace s2  }
0x95: {  	s2 =	sld [smem:$0x3FFD];
	_ =	sdelay $0x3  }
0x96: {  	_ =	strace s2  }
0x97: {  	_ =	strace $0x8FFFFFFF  }
0x98: {  	s19 =	sld [smem:$0x3FDB];
	_ =	sdelay $0x1  }
0x99: {  	s20 =	simm.s32 $_scs_section_size  }
0x9a: {  	s4 =	simm.s32 $_size__tile_overlayer_lowered;
	s5 =	simm.s32 $_tile_overlayer_lowered  }
0x9b: {  	s6 =	simm.s32 $0x1BFF;
	s21 =	sshll.u32 s5, $0x1;
	s3 =	sadd.s32 s20, s19  }
0x9c: {  	s22 =	simm.s32 $0x0;
	s4 =	sshll.u32 s4, $0x1;
	s5 =	sadd.s32 s21, s3  }
0x9d: {  	[timem:s22], [sflag:s6] =	dma.local [hbm:s5], s4  }
0x9e: {  	_ =	swait.ge [sflag:s6], s4  }
0x9f: {  	s4 =	ssub.s32 $0x0, s4;
	[sflag:s6] =	ssyncset.done $0x0  }
0xa0: {  	[sflag:s6] =	ssyncadd.s32 s4;
	_ =	sdelay $0x1  }
0xa1: {  	s23 =	simm.s32 $0x1B8B  }
0xa2: {  	_ =	swait.ge [sflag:s23], $0x1  }
0xa3: {  	[sflag:s23] =	ssyncset.done $0x0  }
0xa4: {  	[sflag:s23] =	ssyncadd.s32 $0xFFFFFFFF  }
0xa5: {  	s4 =	sld [smem:$0x0]  }
0xa6: {  	s5 =	sand.u32 $0xFFFFFFFE, s1  }
0xa7: {  	p0 =	sne.s32 s1, s5  }
0xa8: {  	s5 =	sshll.u32 @p0 s5, $0xE  }
0xa9: {  	s5 =	sadd.s32 @p0 $0x11B8D, s5;
	s6 =	sshll.u32 @p0 s4, $0x11  }
0xaa: {  	s5 =	sor.u32 @p0 s6, s5  }
0xab: {  	[sflag:s5] =	ssyncadd.remote.s32 @p0 $0x1;
	_ =	sdelay $0x1  }
0xac: {  	s5 =	simm.s32 @p0 $0x1B8D  }
0xad: {  	_ =	swait.eq @p0 [sflag:s5], $0x1  }
0xae: {  	[sflag:s5] =	ssyncadd.s32 @p0 $0xFFFFFFFF  }
0xaf: {  	s6 =	sshll.u32 @!p0 s1, $0xE  }
0xb0: {  	s6 =	sor.u32 @!p0 $0x4000, s6;
	s5 =	simm.s32 @!p0 $0x1B8D  }
0xb1: {  	s4 =	sshll.u32 @!p0 s4, $0x11;
	s6 =	sadd.s32 @!p0 $0x11B8D, s6;
	_ =	swait.eq @!p0 [sflag:s5], $0x1  }
0xb2: {  	s4 =	sor.u32 @!p0 s4, s6;
	[sflag:s5] =	ssyncadd.s32 @!p0 $0xFFFFFFFF  }
0xb3: {  	s25 =	simm.s32 $0x1B8E;
	s24 =	sld [smem:$0x3FFE];
	[sflag:s4] =	ssyncadd.remote.s32 @!p0 $0x1  }
0xb4: {  	s26 =	simm.s32 $execute0_lowered;
	[smem:$0x3FD2] =	sst s25  }
0xb5: {  	s5 =	sshll.u32 s26, $0x1;
	_ =	strace $0x80000049;
	[dreg:$0x1] =	wrdreg $0xFFFFFFFF  }
0xb6: {  	s28 =	simm.s32 $_size_execute0_lowered;
	s3 =	sadd.s32 s3, s5;
	[dreg:$0x0] =	wrdreg $0x0  }
0xb7: {  	s5 =	sshll.u32 s28, $0x1;
	[dreg:$0x2] =	wrdreg s3  }
0xb8: {  	[dreg:$0x3] =	wrdreg s5  }
0xb9: {  	[dreg:$0x4] =	wrdreg $0xC0  }
0xba: {  	_ =	task [dreg:s22], $0x5FFFF  }
0xbb: {  	[dreg:$0x1] =	wrdreg $0xFFFFFFFF  }
0xbc: {  	[dreg:$0x0] =	wrdreg $0x60  }
0xbd: {  	[dreg:$0x2] =	wrdreg s24  }
0xbe: {  	[dreg:$0x3] =	wrdreg $0xA  }
0xbf: {  	_ =	task.clear_ibuf [dreg:s22], $0x4FFFF;
	_ =	strace $0x90000049  }
0xc0: {  	s29 =	simm.s32 $0xA;
	_ =	strace $0x8000004B  }
0xc1: {  	_ =	swait.ge [sflag:s29], $0x1  }
0xc2: {  	[sflag:s29] =	ssyncadd.s32 $0xFFFFFFFF  }
0xc3: {  	_ =	strace $0x9000004B  }
0xc4: {  	_ =	sfence  }
0xc5: {  	s30 =	sld [smem:$0x0];
	_ =	sdelay $0x2  }
0xc6: {  	s31 =	sshll.u32 s1, $0xD;
	s1 =	sshrl.u32 s1, $0x2  }
0xc7: {  	s4 =	sand.u32 $0x4000, s31;
	s1 =	sadd.s32 s1, s30  }
0xc8: {  	s0 =	sor.u32 s4, s0;
	s1 =	sshll.u32 s1, $0x11  }
0xc9: {  	s0 =	sor.u32 s1, s0  }
0xca: {  	s0 =	sadd.s32 $0x8F2B, s0  }
0xcb: {  	[sflag:s0] =	ssyncadd.remote.s32 $0x1  }
0xcc: {  	_ =	sfence.sel $0xFFFF  }
0xcd: {  	[dreg:$0x0] =	wrdreg $0xFFFFFFFF;
	(pc) =	sbr.abs _section_cstart, $3  }
0xce: {  	[dreg:$0x1] =	wrdreg $0xFFFFFFFF  }
0xcf: {  	_ =	task.clear_ibuf [dreg:s22], $0x2FFFF;
	_ =	strace $0x9FFFFFFF  }
0xd0: {  	(tm) =	ssettm $0x7FFFFFFF  }
0xd1: {  	_ =	shalt  }
tec
execute0_lowered:
.L_overlay_start_1:
0x0: {  	(tag) =	ssettag $0x1  }
0x1: {  	s1 =	srdreg.scid;
	s0 =	stileid.u32  }
0x2: {  	s6 =	sand.u32 $0x1, s1;
	s30 =	sshll.u32 s0, $0x1  }
0x3: {  	s8 =	rddreg [dreg:$0x0];
	s7 =	sor.u32 s6, s30  }
0x4: {  	s2 =	simm.s32 $0x0;
	s1 =	rddreg [dreg:$0x1];
	s3 =	smul.u32 $0x28, s7  }
0x5: {  	[smem:$0x7FF] =	sst s2;
	s5 =	sadd.s32 $0x188800, s8  }
0x6: {  	_ =	strace $0x8000004A;
	s10 =	ssub.s32 $0x2, s6;
	s3 =	sadd.s32 s3, s8  }
0x7: {  	s6 =	simm.s32 $0x140;
	s4 =	sadd.s32 $0x1E00, s3;
	s3 =	simm.s32 $0x2  }
0x8: {  	[tilespmem:s2], [sflag:$0x2] =	stream.linear.gather [hbm4b:s4+s2], $0x140, $0x38;
	[tilespmem:$0x2940] =	vst v63  }
0x9: {  	s9 =	smul.u32 $0x500, s7;
	s11 =	sshrl.u32 s10, $0x1;
	_ =	swait.ge [sflag:s3], $0x140  }
0xa: {  	s7 =	simm.s32 $0x1;
	s31 =	ssub.s32 s10, s11;
	[sflag:s3] =	ssyncset.done $0x0  }
0xb: {  	s8 =	sadd.s32 s9, s8;
	s9 =	smax.u32 s31, $0x1;
	[sflag:s3] =	ssyncadd.s32 $0xFFFFFEC0  }
0xc: {  	[tilespmem:s6], [sflag:$0x1] =	stream.indirect.gather [hbm4b:s5+s6], $0x20, s2, s6, $0xb8;
	[tilespmem:$0x2940] =	vst v63  }
0xd: {  	p0 =	sne.s32 s9, $0x1;
	_ =	swait.ge [sflag:s7], $0x2800  }
.Ltmp0:
0xe: {  	[sflag:s7] =	ssyncset.done $0x0;
	(pc) =	sbr.rel @!p0 .LBB2_2-.Ltmp0, $4  }
0xf: {  	s8 =	sadd.s32 $0x2400, s8;
	[sflag:s7] =	ssyncadd.s32 $0xFFFFD800  }
0x10: {  	[hbm4b:s8+s2] =	stream.linear.scatter [tilespmem:s6], [sflag:$0x2], $0x2800, $0x38;
	[tilespmem:$0x2940] =	vst v63  }
0x11: {  	_ =	swait.ge [sflag:s3], $0x2800  }
0x12: {  	s9 =	sadd.s32 $0xFFFFFFFF, s9;
	[sflag:s3] =	ssyncset.done $0x0  }
.LBB2_1:
0x13: {  	p0 =	sne.s32 s9, $0x1;
	s9 =	sadd.s32 $0xFFFFFFFF, s9;
	[sflag:s3] =	ssyncadd.s32 $0xFFFFD800  }
0x14: {  	[tilespmem:s2], [sflag:$0x2] =	stream.linear.gather [hbm4b:s4+s2], $0x140, $0x38;
	[tilespmem:$0x2940] =	vst v63  }
0x15: {  	_ =	swait.ge [sflag:s3], $0x140  }
0x16: {  	[sflag:s3] =	ssyncset.done $0x0  }
0x17: {  	[sflag:s3] =	ssyncadd.s32 $0xFFFFFEC0  }
0x18: {  	[tilespmem:s6], [sflag:$0x1] =	stream.indirect.gather [hbm4b:s5+s6], $0x20, s2, s6, $0xb8;
	[tilespmem:$0x2940] =	vst v63  }
0x19: {  	_ =	swait.ge [sflag:s7], $0x2800  }
.Ltmp1:
0x1a: {  	[sflag:s7] =	ssyncset.done $0x0;
	(pc) =	sbr.rel @p0 .LBB2_1-.Ltmp1, $4  }
0x1b: {  	[sflag:s7] =	ssyncadd.s32 $0xFFFFD800  }
0x1c: {  	[hbm4b:s8+s2] =	stream.linear.scatter [tilespmem:s6], [sflag:$0x2], $0x2800, $0x38;
	[tilespmem:$0x2940] =	vst v63  }
0x1d: {  	_ =	swait.ge [sflag:s3], $0x2800  }
0x1e: {  	[sflag:s3] =	ssyncset.done $0x0  }
.LBB2_2:
0x1f: {  	[sflag:s3] =	ssyncadd.s32 $0xFFFFD800  }
0x20: {  	_ =	sfence.sel $0x180000  }
0x21: {  	[bflag:$0x0] =	sbarrier.arrive $0xFFFF  }
0x22: {  	p0 =	sne.s32 s0, $0x0;
	_ =	strace $0x9000004A  }
0x23: {  	s0 =	sadd.s32 @!p0 $0x100000, s1;
	[bflag:$0x2] =	sbarrier.arrive $0xFFFF  }
0x24: {  	[sflag:s0] =	ssyncadd.tile.s32 @!p0 $0x1;
	_ =	shalt  }
.Lfunc_end2:
_tile_overlayer_lowered:
.L_overlay_start_2:
0x25: {  	(tag) =	ssettag $0x2  }
0x26: {  	s0 =	rddreg [dreg:$0x0];
	s2 =	stileid.u32  }
0x27: {  	s1 =	rddreg [dreg:$0x1];
	p0 =	sne.s32 s2, $0x0  }
0x28: {  	s3 =	rddreg [dreg:$0x2];
	[bflag:$0x3] =	sbarrier.arrive $0xFFFF;
	s2 =	simm.s32 @!p0 $0x1C02  }
0x29: {  	[timem:s3], [sflag:s2] =	dma.local @!p0 [hbm:s0], s1  }
0x2a: {  	s0 =	simm.s32 @!p0 $0x2  }
0x2b: {  	_ =	swait.ge @!p0 [sflag:s0], s1  }
0x2c: {  	s1 =	ssub.s32 @!p0 $0x0, s1;
	[sflag:s0] =	ssyncset.done @!p0 $0x0  }
0x2d: {  	[sflag:s0] =	ssyncadd.s32 @!p0 s1  }
0x2e: {  	[bflag:$0x3] =	sbarrier.arrive $0xFFFF  }
0x2f: {  	_ =	shalt  }

// kernel: kernel.14.cloned.1.call-start
scs
__scs_entry_jumppad:
0x0: {  	(pc) =	sbr.rel $0x88, $3  }
0x1: {  	(tag) =	ssettag $0x0;
	lr =	simm.s32 $0x1  }
0x2: {  	[smem:$0x3F9A] =	sst lr;
	_ =	strace $0xD0000000  }
0x3: {  	_ = 	snop  }
0x4: {  	_ = 	snop  }
0x5: {  	_ = 	snop  }
0x6: {  	_ = 	snop  }
0x7: {  	_ = 	snop  }
__scs_overlays_trampoline_lowered:
0x8: {  	[smem:$0x3FA9] =	sst s0  }
0x9: {  	[smem:$0x3FAA] =	sst s1  }
0xa: {  	[smem:$0x3FAB] =	sst s2  }
0xb: {  	[smem:$0x3FAC] =	sst s3  }
0xc: {  	[smem:$0x3FAD] =	sst s4  }
0xd: {  	[smem:$0x3FAE] =	sst s5  }
0xe: {  	[smem:$0x3FAF] =	sst s6  }
0xf: {  	[smem:$0x3FB0] =	sst s7  }
0x10: {  	[smem:$0x3FB1] =	sst s8  }
0x11: {  	[smem:$0x3FB2] =	sst s9;
	s0 =	simm.s32 @!p0 $0x0  }
0x12: {  	s1 =	sld [smem:$0x3F98];
	s0 =	simm.s32 @p0 $0x1  }
0x13: {  	[smem:$0x3FB3] =	sst s0;
	s0 =	simm.s32 @!p1 $0x0  }
0x14: {  	s2 =	sld [smem:$0x3F97];
	s0 =	simm.s32 @p1 $0x1  }
0x15: {  	[smem:$0x3FB4] =	sst s0;
	s0 =	simm.s32 @!p2 $0x0  }
0x16: {  	s3 =	sld [smem:$0x3FDB];
	s0 =	simm.s32 @p2 $0x1  }
0x17: {  	s4 =	simm.s32 $0x1BF5;
	[smem:$0x3FB6] =	sst s0  }
0x18: {  	s0 =	sld [smem:$0x3F99];
	_ =	swait.ge [sflag:s4], $0x0  }
0x19: {  	s7 =	sld [smem:$0x3F9A]  }
0x1a: {  	s8 =	sadd.s32 $0xFFFFE003, lr  }
0x1b: {  	s9 =	sadd.s32 $0xFFFFFEF7, lr;
	s5 =	simm.s32 $0xFFFFFFFF;
	p2 =	slt.u32 s8, $0xFFFFF086  }
0x1c: {  	p1 =	slt.u32 s9, $0xF7A;
	s5 =	simm.s32 @!p2 $0x0  }
0x1d: {  	s5 =	simm.s32 @p1 $0x1;
	p0 =	seq.s32 s7, s2  }
0x1e: {  	s7 =	smul.u32 @!p0 $0xF7A, s2;
	p2 =	seq.s32 @!p0 s5, $0x0  }
0x1f: {  	s9 =	smul.u32 $0xF7A, s1;
	s8 =	simm.s32 @!p0 $0x1BF5;
	p2 =	por !p2, p0  }
0x20: {  	[sflag:s8] =	ssyncset.s32 @!p0 $0xFFFFF086;
	s6 =	sadd.s32 @!p0 s3, s7;
	s7 =	simm.s32 @!p0 $0x108  }
0x21: {  	s3 =	sadd.s32 s3, s9;
	s6 =	sadd.s32 @!p0 $0x88, s6;
	s7 =	simm.s32 @p2 $0x1082  }
0x22: {  	[simem:s7], [sflag:s8] =	dma.local @!p0 [hbm:s6], $0xF7A  }
0x23: {  	s9 =	sor.u32 $0xD0000000, s2;
	s6 =	simm.s32 $0x108;
	_ =	swait.ge @!p0 [sflag:s8], $0x0  }
0x24: {  	s3 =	sadd.s32 $0x88, s3;
	s6 =	simm.s32 @!p1 $0x1082;
	[sflag:s4] =	ssyncset.s32 $0xFFFFF086  }
0x25: {  	[simem:s6], [sflag:s4] =	dma.local [hbm:s3], $0xF7A  }
0x26: {  	[smem:$0x3F9A] =	sst s1;
	(tag) =	ssettag s2;
	_ =	strace s9  }
0x27: {  	s1 =	sld [smem:$0x3FAA]  }
0x28: {  	s2 =	sld [smem:$0x3FAB]  }
0x29: {  	s4 =	sld [smem:$0x3FAD]  }
0x2a: {  	p0 =	seq.s32 s5, $0x0;
	s5 =	sld [smem:$0x3FAE]  }
0x2b: {  	s6 =	sld [smem:$0x3FAF]  }
0x2c: {  	s7 =	sld [smem:$0x3FB0]  }
0x2d: {  	s3 =	simm.s32 $0x108;
	s8 =	sld [smem:$0x3FB1]  }
0x2e: {  	s3 =	simm.s32 @!p0 $0x1082;
	s9 =	sld [smem:$0x3FB2]  }
0x2f: {  	lr =	sadd.s32 s0, s3;
	s0 =	sld [smem:$0x3FA9]  }
0x30: {  	s3 =	sld [smem:$0x3FAC]  }
0x31: {  	[smem:$0x3FB5] =	sst s10  }
0x32: {  	s10 =	sld [smem:$0x3FB3];
	_ =	sdelay $0x3  }
0x33: {  	p0 =	seq.s32 s10, $0x1;
	s10 =	sld [smem:$0x3FB5];
	_ =	sdelay $0x3  }
0x34: {  	[smem:$0x3FB5] =	sst s10  }
0x35: {  	s10 =	sld [smem:$0x3FB4];
	_ =	sdelay $0x3  }
0x36: {  	p1 =	seq.s32 s10, $0x1;
	s10 =	sld [smem:$0x3FB5];
	_ =	sdelay $0x3  }
0x37: {  	[smem:$0x3FB5] =	sst s10  }
0x38: {  	s10 =	sld [smem:$0x3FB6]  }
0x39: {  	_ = 	snop;
	(pc) =	sbr.ind lr, $3  }
0x3a: {  	_ = 	snop  }
0x3b: {  	_ = 	snop  }
0x3c: {  	p2 =	seq.s32 s10, $0x1;
	s10 =	sld [smem:$0x3FB5]  }
0x3d: {  	_ =	shalt  }
0x3e: {  	_ =	shalt  }
0x3f: {  	_ =	shalt  }
0x40: {  	_ =	shalt  }
0x41: {  	_ =	shalt  }
0x42: {  	_ =	shalt  }
0x43: {  	_ =	shalt  }
0x44: {  	_ =	shalt  }
0x45: {  	_ =	shalt  }
0x46: {  	_ =	shalt  }
0x47: {  	_ =	shalt  }
0x48: {  	_ =	shalt  }
0x49: {  	_ =	shalt  }
0x4a: {  	_ =	shalt  }
0x4b: {  	_ =	shalt  }
0x4c: {  	_ =	shalt  }
0x4d: {  	_ =	shalt  }
0x4e: {  	_ =	shalt  }
0x4f: {  	_ =	shalt  }
0x50: {  	_ =	shalt  }
0x51: {  	_ =	shalt  }
0x52: {  	_ =	shalt  }
0x53: {  	_ =	shalt  }
0x54: {  	_ =	shalt  }
0x55: {  	_ =	shalt  }
0x56: {  	_ =	shalt  }
0x57: {  	_ =	shalt  }
0x58: {  	_ =	shalt  }
0x59: {  	_ =	shalt  }
0x5a: {  	_ =	shalt  }
0x5b: {  	_ =	shalt  }
0x5c: {  	_ =	shalt  }
0x5d: {  	_ =	shalt  }
0x5e: {  	_ =	shalt  }
0x5f: {  	_ =	shalt  }
0x60: {  	_ =	shalt  }
0x61: {  	_ =	shalt  }
0x62: {  	_ =	shalt  }
0x63: {  	_ =	shalt  }
0x64: {  	_ =	shalt  }
0x65: {  	_ =	shalt  }
0x66: {  	_ =	shalt  }
0x67: {  	_ =	shalt  }
0x68: {  	_ =	shalt  }
0x69: {  	_ =	shalt  }
0x6a: {  	_ =	shalt  }
0x6b: {  	_ =	shalt  }
0x6c: {  	_ =	shalt  }
0x6d: {  	_ =	shalt  }
0x6e: {  	_ =	shalt  }
0x6f: {  	_ =	shalt  }
0x70: {  	_ =	shalt  }
0x71: {  	_ =	shalt  }
0x72: {  	_ =	shalt  }
0x73: {  	_ =	shalt  }
0x74: {  	_ =	shalt  }
0x75: {  	_ =	shalt  }
0x76: {  	_ =	shalt  }
0x77: {  	_ =	shalt  }
0x78: {  	_ =	shalt  }
0x79: {  	_ =	shalt  }
0x7a: {  	_ =	shalt  }
0x7b: {  	_ =	shalt  }
0x7c: {  	_ =	shalt  }
0x7d: {  	_ =	shalt  }
0x7e: {  	_ =	shalt  }
0x7f: {  	_ =	shalt  }
0x80: {  	_ =	shalt  }
0x81: {  	_ =	shalt  }
0x82: {  	_ =	shalt  }
0x83: {  	_ =	shalt  }
0x84: {  	_ =	shalt  }
0x85: {  	_ =	shalt  }
0x86: {  	_ =	shalt  }
0x87: {  	_ =	shalt  }
.Lfunc_end0:
.L_simem_size_0:
called_computation.2_lowered:
.L_overlay_start_0:
0x88: {  	s2 =	sld [smem:$0x3FD9]  }
0x89: {  	s3 =	sld [smem:$0x3FFE];
	_ =	sdelay $0x1  }
0x8a: {  	s1 =	srdreg.scid  }
0x8b: {  	s0 =	sand.u32 $0x1, s1  }
0x8c: {  	s17 =	sshll.u32 s0, $0xA;
	s2 =	sadd.s32 s3, s2  }
0x8d: {  	s2 =	sadd.s32 s2, s17  }
0x8e: {  	[smem:$0x3FC1] =	sst s2  }
0x8f: {  	_ = 	snop  }
0x90: {  	s18 =	sld [smem:$0x3FC8];
	(tm) =	ssettm $0x1  }
0x91: {  	s19 =	sld [smem:$0x3FFB];
	_ =	sdelay $0x3  }
0x92: {  	_ =	strace s19  }
0x93: {  	s2 =	sld [smem:$0x3FFC];
	_ =	sdelay $0x3  }
0x94: {  	_ =	strace s2  }
0x95: {  	s2 =	sld [smem:$0x3FFD];
	_ =	sdelay $0x3  }
0x96: {  	_ =	strace s2  }
0x97: {  	_ =	strace $0x8FFFFFFF  }
0x98: {  	s20 =	sld [smem:$0x3FDB];
	_ =	sdelay $0x1  }
0x99: {  	s4 =	simm.s32 $_scs_section_size  }
0x9a: {  	s5 =	simm.s32 $_size__tile_overlayer_lowered;
	s6 =	simm.s32 $_tile_overlayer_lowered  }
0x9b: {  	s7 =	simm.s32 $0x1BFF;
	s21 =	sshll.u32 s6, $0x1;
	s4 =	sadd.s32 s4, s20  }
0x9c: {  	s22 =	simm.s32 $0x0;
	s5 =	sshll.u32 s5, $0x1;
	s6 =	sadd.s32 s21, s4  }
0x9d: {  	[timem:s22], [sflag:s7] =	dma.local [hbm:s6], s5  }
0x9e: {  	_ =	swait.ge [sflag:s7], s5  }
0x9f: {  	s5 =	ssub.s32 $0x0, s5;
	[sflag:s7] =	ssyncset.done $0x0  }
0xa0: {  	[sflag:s7] =	ssyncadd.s32 s5;
	_ =	sdelay $0x1  }
0xa1: {  	s23 =	simm.s32 $0x1B8B  }
0xa2: {  	_ =	swait.ge [sflag:s23], $0x1  }
0xa3: {  	[sflag:s23] =	ssyncset.done $0x0  }
0xa4: {  	[sflag:s23] =	ssyncadd.s32 $0xFFFFFFFF  }
0xa5: {  	s5 =	sld [smem:$0x0]  }
0xa6: {  	s6 =	sand.u32 $0xFFFFFFFE, s1  }
0xa7: {  	p0 =	sne.s32 s1, s6  }
0xa8: {  	s6 =	sshll.u32 @p0 s6, $0xE  }
0xa9: {  	s6 =	sadd.s32 @p0 $0x11B8D, s6;
	s7 =	sshll.u32 @p0 s5, $0x11  }
0xaa: {  	s6 =	sor.u32 @p0 s7, s6  }
0xab: {  	[sflag:s6] =	ssyncadd.remote.s32 @p0 $0x1;
	_ =	sdelay $0x1  }
0xac: {  	s6 =	simm.s32 @p0 $0x1B8D  }
0xad: {  	_ =	swait.eq @p0 [sflag:s6], $0x1  }
0xae: {  	[sflag:s6] =	ssyncadd.s32 @p0 $0xFFFFFFFF  }
0xaf: {  	s7 =	sshll.u32 @!p0 s1, $0xE  }
0xb0: {  	s7 =	sor.u32 @!p0 $0x4000, s7;
	s6 =	simm.s32 @!p0 $0x1B8D  }
0xb1: {  	s5 =	sshll.u32 @!p0 s5, $0x11;
	s7 =	sadd.s32 @!p0 $0x11B8D, s7;
	_ =	swait.eq @!p0 [sflag:s6], $0x1  }
0xb2: {  	s5 =	sor.u32 @!p0 s5, s7;
	[sflag:s6] =	ssyncadd.s32 @!p0 $0xFFFFFFFF  }
0xb3: {  	s25 =	simm.s32 $0x1B8E;
	s24 =	sld [smem:$0x3FFE];
	[sflag:s5] =	ssyncadd.remote.s32 @!p0 $0x1  }
0xb4: {  	s26 =	simm.s32 $execute0_lowered;
	[smem:$0x3FD2] =	sst s25  }
0xb5: {  	s6 =	sshll.u32 s26, $0x1;
	_ =	strace $0x8000004C;
	[dreg:$0x1] =	wrdreg $0xFFFFFFFF  }
0xb6: {  	s28 =	simm.s32 $_size_execute0_lowered;
	s4 =	sadd.s32 s4, s6;
	[dreg:$0x0] =	wrdreg $0x0  }
0xb7: {  	s6 =	sshll.u32 s28, $0x1;
	[dreg:$0x2] =	wrdreg s4  }
0xb8: {  	[dreg:$0x3] =	wrdreg s6  }
0xb9: {  	[dreg:$0x4] =	wrdreg $0xC0  }
0xba: {  	_ =	task [dreg:s22], $0x5FFFF  }
0xbb: {  	[dreg:$0x1] =	wrdreg $0xFFFFFFFF  }
0xbc: {  	[dreg:$0x0] =	wrdreg $0x60  }
0xbd: {  	[dreg:$0x2] =	wrdreg s24  }
0xbe: {  	[dreg:$0x3] =	wrdreg s18  }
0xbf: {  	[dreg:$0x4] =	wrdreg $0xB  }
0xc0: {  	_ =	task.clear_ibuf [dreg:s22], $0x5FFFF;
	_ =	strace $0x9000004C  }
0xc1: {  	s29 =	simm.s32 $0xB;
	_ =	strace $0x8000004E  }
0xc2: {  	_ =	swait.ge [sflag:s29], $0x1  }
0xc3: {  	[sflag:s29] =	ssyncadd.s32 $0xFFFFFFFF  }
0xc4: {  	_ =	strace $0x9000004E  }
0xc5: {  	_ =	sfence  }
0xc6: {  	s30 =	sld [smem:$0x0];
	_ =	sdelay $0x2  }
0xc7: {  	s31 =	sshll.u32 s1, $0xD;
	s1 =	sshrl.u32 s1, $0x2  }
0xc8: {  	s4 =	sand.u32 $0x4000, s31;
	s1 =	sadd.s32 s1, s30  }
0xc9: {  	s0 =	sor.u32 s4, s0;
	s1 =	sshll.u32 s1, $0x11  }
0xca: {  	s0 =	sor.u32 s1, s0  }
0xcb: {  	s0 =	sadd.s32 $0x8F2B, s0  }
0xcc: {  	[sflag:s0] =	ssyncadd.remote.s32 $0x1  }
0xcd: {  	_ =	sfence.sel $0xFFFF  }
0xce: {  	[dreg:$0x0] =	wrdreg $0xFFFFFFFF;
	(pc) =	sbr.abs _section_cstart, $3  }
0xcf: {  	[dreg:$0x1] =	wrdreg $0xFFFFFFFF  }
0xd0: {  	_ =	task.clear_ibuf [dreg:s22], $0x2FFFF;
	_ =	strace $0x9FFFFFFF  }
0xd1: {  	(tm) =	ssettm $0x7FFFFFFF  }
tec
execute0_lowered:
.L_overlay_start_1:
0x0: {  	(tag) =	ssettag $0x1  }
0x1: {  	s1 =	srdreg.scid  }
0x2: {  	s8 =	rddreg [dreg:$0x0];
	s0 =	stileid.u32  }
0x3: {  	s3 =	rddreg [dreg:$0x1];
	s2 =	simm.s32 $0x0;
	s6 =	sand.u32 $0x1, s1  }
0x4: {  	s4 =	sshll.u32 s0, $0x6;
	s1 =	rddreg [dreg:$0x2];
	s5 =	sshll.u32 s6, $0x5  }
0x5: {  	s7 =	simm.s32 $0x1;
	[smem:$0x7FF] =	sst s2;
	s9 =	sor.u32 s5, s4  }
0x6: {  	_ =	strace $0x8000004D;
	s10 =	ssub.s32 $0x2, s6;
	s4 =	sshrl.u32 s9, $0x3  }
0x7: {  	s6 =	simm.s32 $0x20;
	s4 =	sadd.s32 s3, s4;
	s3 =	simm.s32 $0x2  }
0x8: {  	[tilespmem:s2], [sflag:$0x2] =	stream.linear.gather [hbm4b:s4+s2], $0x20, $0x38;
	[tilespmem:$0x420] =	vst v63  }
0x9: {  	s5 =	sadd.s32 $0xC400, s8;
	s11 =	sshrl.u32 s10, $0x1;
	_ =	swait.ge [sflag:s3], $0x20  }
0xa: {  	s9 =	sshll.u32 s9, $0x2;
	s31 =	ssub.s32 s10, s11;
	[sflag:s3] =	ssyncset.done $0x0  }
0xb: {  	s8 =	sadd.s32 s9, s8;
	s9 =	smax.u32 s31, $0x1;
	[sflag:s3] =	ssyncadd.s32 $0xFFFFFFE0  }
0xc: {  	[tilespmem:s6], [sflag:$0x1] =	stream.indirect.gather [hbm4b:s5+s6], $0x20, s2, s6, $0xb8;
	[tilespmem:$0x420] =	vst v63  }
0xd: {  	p0 =	sne.s32 s9, $0x1;
	_ =	swait.ge [sflag:s7], $0x400  }
.Ltmp0:
0xe: {  	[sflag:s7] =	ssyncset.done $0x0;
	(pc) =	sbr.rel @!p0 .LBB2_2-.Ltmp0, $4  }
0xf: {  	s8 =	sadd.s32 $0x10400, s8;
	[sflag:s7] =	ssyncadd.s32 $0xFFFFFC00  }
0x10: {  	[hbm4b:s8+s2] =	stream.linear.scatter [tilespmem:s6], [sflag:$0x2], $0x400, $0x38;
	[tilespmem:$0x420] =	vst v63  }
0x11: {  	_ =	swait.ge [sflag:s3], $0x400  }
0x12: {  	s9 =	sadd.s32 $0xFFFFFFFF, s9;
	[sflag:s3] =	ssyncset.done $0x0  }
.LBB2_1:
0x13: {  	p0 =	sne.s32 s9, $0x1;
	s9 =	sadd.s32 $0xFFFFFFFF, s9;
	[sflag:s3] =	ssyncadd.s32 $0xFFFFFC00  }
0x14: {  	[tilespmem:s2], [sflag:$0x2] =	stream.linear.gather [hbm4b:s4+s2], $0x20, $0x38;
	[tilespmem:$0x420] =	vst v63  }
0x15: {  	_ =	swait.ge [sflag:s3], $0x20  }
0x16: {  	[sflag:s3] =	ssyncset.done $0x0  }
0x17: {  	[sflag:s3] =	ssyncadd.s32 $0xFFFFFFE0  }
0x18: {  	[tilespmem:s6], [sflag:$0x1] =	stream.indirect.gather [hbm4b:s5+s6], $0x20, s2, s6, $0xb8;
	[tilespmem:$0x420] =	vst v63  }
0x19: {  	_ =	swait.ge [sflag:s7], $0x400  }
.Ltmp1:
0x1a: {  	[sflag:s7] =	ssyncset.done $0x0;
	(pc) =	sbr.rel @p0 .LBB2_1-.Ltmp1, $4  }
0x1b: {  	[sflag:s7] =	ssyncadd.s32 $0xFFFFFC00  }
0x1c: {  	[hbm4b:s8+s2] =	stream.linear.scatter [tilespmem:s6], [sflag:$0x2], $0x400, $0x38;
	[tilespmem:$0x420] =	vst v63  }
0x1d: {  	_ =	swait.ge [sflag:s3], $0x400  }
0x1e: {  	[sflag:s3] =	ssyncset.done $0x0  }
.LBB2_2:
0x1f: {  	[sflag:s3] =	ssyncadd.s32 $0xFFFFFC00  }
0x20: {  	_ =	sfence.sel $0x180000  }
0x21: {  	[bflag:$0x0] =	sbarrier.arrive $0xFFFF  }
0x22: {  	p0 =	sne.s32 s0, $0x0;
	_ =	strace $0x9000004D  }
0x23: {  	s0 =	sadd.s32 @!p0 $0x100000, s1;
	[bflag:$0x2] =	sbarrier.arrive $0xFFFF  }
0x24: {  	[sflag:s0] =	ssyncadd.tile.s32 @!p0 $0x1;
	_ =	shalt  }
.Lfunc_end2:
_tile_overlayer_lowered:
.L_overlay_start_2:
0x25: {  	(tag) =	ssettag $0x2  }
0x26: {  	s0 =	rddreg [dreg:$0x0];
	s2 =	stileid.u32  }
0x27: {  	s1 =	rddreg [dreg:$0x1];
	p0 =	sne.s32 s2, $0x0  }
0x28: {  	s3 =	rddreg [dreg:$0x2];
	[bflag:$0x3] =	sbarrier.arrive $0xFFFF;
	s2 =	simm.s32 @!p0 $0x1C02  }
0x29: {  	[timem:s3], [sflag:s2] =	dma.local @!p0 [hbm:s0], s1  }
0x2a: {  	s0 =	simm.s32 @!p0 $0x2  }
0x2b: {  	_ =	swait.ge @!p0 [sflag:s0], s1  }
0x2c: {  	s1 =	ssub.s32 @!p0 $0x0, s1;
	[sflag:s0] =	ssyncset.done @!p0 $0x0  }
0x2d: {  	[sflag:s0] =	ssyncadd.s32 @!p0 s1  }
0x2e: {  	[bflag:$0x3] =	sbarrier.arrive $0xFFFF  }
0x2f: {  	_ =	shalt  }

// kernel: kernel.8.cloned.1.call-start
scs
__scs_entry_jumppad:
0x0: {  	(pc) =	sbr.rel $0x88, $3  }
0x1: {  	(tag) =	ssettag $0x0;
	lr =	simm.s32 $0x1  }
0x2: {  	[smem:$0x3F9A] =	sst lr;
	_ =	strace $0xD0000000  }
0x3: {  	_ = 	snop  }
0x4: {  	_ = 	snop  }
0x5: {  	_ = 	snop  }
0x6: {  	_ = 	snop  }
0x7: {  	_ = 	snop  }
__scs_overlays_trampoline_lowered:
0x8: {  	[smem:$0x3FA9] =	sst s0  }
0x9: {  	[smem:$0x3FAA] =	sst s1  }
0xa: {  	[smem:$0x3FAB] =	sst s2  }
0xb: {  	[smem:$0x3FAC] =	sst s3  }
0xc: {  	[smem:$0x3FAD] =	sst s4  }
0xd: {  	[smem:$0x3FAE] =	sst s5  }
0xe: {  	[smem:$0x3FAF] =	sst s6  }
0xf: {  	[smem:$0x3FB0] =	sst s7  }
0x10: {  	[smem:$0x3FB1] =	sst s8  }
0x11: {  	[smem:$0x3FB2] =	sst s9;
	s0 =	simm.s32 @!p0 $0x0  }
0x12: {  	s1 =	sld [smem:$0x3F98];
	s0 =	simm.s32 @p0 $0x1  }
0x13: {  	[smem:$0x3FB3] =	sst s0;
	s0 =	simm.s32 @!p1 $0x0  }
0x14: {  	s2 =	sld [smem:$0x3F97];
	s0 =	simm.s32 @p1 $0x1  }
0x15: {  	[smem:$0x3FB4] =	sst s0;
	s0 =	simm.s32 @!p2 $0x0  }
0x16: {  	s3 =	sld [smem:$0x3FDB];
	s0 =	simm.s32 @p2 $0x1  }
0x17: {  	s4 =	simm.s32 $0x1BF5;
	[smem:$0x3FB6] =	sst s0  }
0x18: {  	s0 =	sld [smem:$0x3F99];
	_ =	swait.ge [sflag:s4], $0x0  }
0x19: {  	s7 =	sld [smem:$0x3F9A]  }
0x1a: {  	s8 =	sadd.s32 $0xFFFFE003, lr  }
0x1b: {  	s9 =	sadd.s32 $0xFFFFFEF7, lr;
	s5 =	simm.s32 $0xFFFFFFFF;
	p2 =	slt.u32 s8, $0xFFFFF086  }
0x1c: {  	p1 =	slt.u32 s9, $0xF7A;
	s5 =	simm.s32 @!p2 $0x0  }
0x1d: {  	s5 =	simm.s32 @p1 $0x1;
	p0 =	seq.s32 s7, s2  }
0x1e: {  	s7 =	smul.u32 @!p0 $0xF7A, s2;
	p2 =	seq.s32 @!p0 s5, $0x0  }
0x1f: {  	s9 =	smul.u32 $0xF7A, s1;
	s8 =	simm.s32 @!p0 $0x1BF5;
	p2 =	por !p2, p0  }
0x20: {  	[sflag:s8] =	ssyncset.s32 @!p0 $0xFFFFF086;
	s6 =	sadd.s32 @!p0 s3, s7;
	s7 =	simm.s32 @!p0 $0x108  }
0x21: {  	s3 =	sadd.s32 s3, s9;
	s6 =	sadd.s32 @!p0 $0x88, s6;
	s7 =	simm.s32 @p2 $0x1082  }
0x22: {  	[simem:s7], [sflag:s8] =	dma.local @!p0 [hbm:s6], $0xF7A  }
0x23: {  	s9 =	sor.u32 $0xD0000000, s2;
	s6 =	simm.s32 $0x108;
	_ =	swait.ge @!p0 [sflag:s8], $0x0  }
0x24: {  	s3 =	sadd.s32 $0x88, s3;
	s6 =	simm.s32 @!p1 $0x1082;
	[sflag:s4] =	ssyncset.s32 $0xFFFFF086  }
0x25: {  	[simem:s6], [sflag:s4] =	dma.local [hbm:s3], $0xF7A  }
0x26: {  	[smem:$0x3F9A] =	sst s1;
	(tag) =	ssettag s2;
	_ =	strace s9  }
0x27: {  	s1 =	sld [smem:$0x3FAA]  }
0x28: {  	s2 =	sld [smem:$0x3FAB]  }
0x29: {  	s4 =	sld [smem:$0x3FAD]  }
0x2a: {  	p0 =	seq.s32 s5, $0x0;
	s5 =	sld [smem:$0x3FAE]  }
0x2b: {  	s6 =	sld [smem:$0x3FAF]  }
0x2c: {  	s7 =	sld [smem:$0x3FB0]  }
0x2d: {  	s3 =	simm.s32 $0x108;
	s8 =	sld [smem:$0x3FB1]  }
0x2e: {  	s3 =	simm.s32 @!p0 $0x1082;
	s9 =	sld [smem:$0x3FB2]  }
0x2f: {  	lr =	sadd.s32 s0, s3;
	s0 =	sld [smem:$0x3FA9]  }
0x30: {  	s3 =	sld [smem:$0x3FAC]  }
0x31: {  	[smem:$0x3FB5] =	sst s10  }
0x32: {  	s10 =	sld [smem:$0x3FB3];
	_ =	sdelay $0x3  }
0x33: {  	p0 =	seq.s32 s10, $0x1;
	s10 =	sld [smem:$0x3FB5];
	_ =	sdelay $0x3  }
0x34: {  	[smem:$0x3FB5] =	sst s10  }
0x35: {  	s10 =	sld [smem:$0x3FB4];
	_ =	sdelay $0x3  }
0x36: {  	p1 =	seq.s32 s10, $0x1;
	s10 =	sld [smem:$0x3FB5];
	_ =	sdelay $0x3  }
0x37: {  	[smem:$0x3FB5] =	sst s10  }
0x38: {  	s10 =	sld [smem:$0x3FB6]  }
0x39: {  	_ = 	snop;
	(pc) =	sbr.ind lr, $3  }
0x3a: {  	_ = 	snop  }
0x3b: {  	_ = 	snop  }
0x3c: {  	p2 =	seq.s32 s10, $0x1;
	s10 =	sld [smem:$0x3FB5]  }
0x3d: {  	_ =	shalt  }
0x3e: {  	_ =	shalt  }
0x3f: {  	_ =	shalt  }
0x40: {  	_ =	shalt  }
0x41: {  	_ =	shalt  }
0x42: {  	_ =	shalt  }
0x43: {  	_ =	shalt  }
0x44: {  	_ =	shalt  }
0x45: {  	_ =	shalt  }
0x46: {  	_ =	shalt  }
0x47: {  	_ =	shalt  }
0x48: {  	_ =	shalt  }
0x49: {  	_ =	shalt  }
0x4a: {  	_ =	shalt  }
0x4b: {  	_ =	shalt  }
0x4c: {  	_ =	shalt  }
0x4d: {  	_ =	shalt  }
0x4e: {  	_ =	shalt  }
0x4f: {  	_ =	shalt  }
0x50: {  	_ =	shalt  }
0x51: {  	_ =	shalt  }
0x52: {  	_ =	shalt  }
0x53: {  	_ =	shalt  }
0x54: {  	_ =	shalt  }
0x55: {  	_ =	shalt  }
0x56: {  	_ =	shalt  }
0x57: {  	_ =	shalt  }
0x58: {  	_ =	shalt  }
0x59: {  	_ =	shalt  }
0x5a: {  	_ =	shalt  }
0x5b: {  	_ =	shalt  }
0x5c: {  	_ =	shalt  }
0x5d: {  	_ =	shalt  }
0x5e: {  	_ =	shalt  }
0x5f: {  	_ =	shalt  }
0x60: {  	_ =	shalt  }
0x61: {  	_ =	shalt  }
0x62: {  	_ =	shalt  }
0x63: {  	_ =	shalt  }
0x64: {  	_ =	shalt  }
0x65: {  	_ =	shalt  }
0x66: {  	_ =	shalt  }
0x67: {  	_ =	shalt  }
0x68: {  	_ =	shalt  }
0x69: {  	_ =	shalt  }
0x6a: {  	_ =	shalt  }
0x6b: {  	_ =	shalt  }
0x6c: {  	_ =	shalt  }
0x6d: {  	_ =	shalt  }
0x6e: {  	_ =	shalt  }
0x6f: {  	_ =	shalt  }
0x70: {  	_ =	shalt  }
0x71: {  	_ =	shalt  }
0x72: {  	_ =	shalt  }
0x73: {  	_ =	shalt  }
0x74: {  	_ =	shalt  }
0x75: {  	_ =	shalt  }
0x76: {  	_ =	shalt  }
0x77: {  	_ =	shalt  }
0x78: {  	_ =	shalt  }
0x79: {  	_ =	shalt  }
0x7a: {  	_ =	shalt  }
0x7b: {  	_ =	shalt  }
0x7c: {  	_ =	shalt  }
0x7d: {  	_ =	shalt  }
0x7e: {  	_ =	shalt  }
0x7f: {  	_ =	shalt  }
0x80: {  	_ =	shalt  }
0x81: {  	_ =	shalt  }
0x82: {  	_ =	shalt  }
0x83: {  	_ =	shalt  }
0x84: {  	_ =	shalt  }
0x85: {  	_ =	shalt  }
0x86: {  	_ =	shalt  }
0x87: {  	_ =	shalt  }
.Lfunc_end0:
.L_simem_size_0:
called_computation_lowered:
.L_overlay_start_0:
0x88: {  	s2 =	sld [smem:$0x3FD9]  }
0x89: {  	s3 =	sld [smem:$0x3FFE];
	_ =	sdelay $0x1  }
0x8a: {  	s1 =	srdreg.scid  }
0x8b: {  	s0 =	sand.u32 $0x1, s1  }
0x8c: {  	s16 =	sshll.u32 s0, $0xA;
	s2 =	sadd.s32 s3, s2  }
0x8d: {  	s2 =	sadd.s32 s2, s16  }
0x8e: {  	[smem:$0x3FC1] =	sst s2  }
0x8f: {  	_ = 	snop  }
0x90: {  	(tm) =	ssettm $0x1  }
0x91: {  	s17 =	sld [smem:$0x3FFB];
	_ =	sdelay $0x3  }
0x92: {  	_ =	strace s17  }
0x93: {  	s2 =	sld [smem:$0x3FFC];
	_ =	sdelay $0x3  }
0x94: {  	_ =	strace s2  }
0x95: {  	s2 =	sld [smem:$0x3FFD];
	_ =	sdelay $0x3  }
0x96: {  	_ =	strace s2  }
0x97: {  	_ =	strace $0x8FFFFFFF  }
0x98: {  	s18 =	sld [smem:$0x3FDB];
	_ =	sdelay $0x1  }
0x99: {  	s19 =	simm.s32 $_scs_section_size  }
0x9a: {  	s4 =	simm.s32 $_size__tile_overlayer_lowered;
	s5 =	simm.s32 $_tile_overlayer_lowered  }
0x9b: {  	s22 =	simm.s32 $0x1BFF;
	s21 =	sshll.u32 s5, $0x1;
	s2 =	sadd.s32 s19, s18  }
0x9c: {  	s6 =	simm.s32 $0x0;
	s20 =	sshll.u32 s4, $0x1;
	s4 =	sadd.s32 s21, s2  }
0x9d: {  	[timem:s6], [sflag:s22] =	dma.local [hbm:s4], s20  }
0x9e: {  	_ =	swait.ge [sflag:s22], s20  }
0x9f: {  	s3 =	ssub.s32 $0x0, s20;
	[sflag:s22] =	ssyncset.done $0x0  }
0xa0: {  	[sflag:s22] =	ssyncadd.s32 s3;
	_ =	sdelay $0x1  }
0xa1: {  	s23 =	simm.s32 $0x1B8B  }
0xa2: {  	_ =	swait.ge [sflag:s23], $0x1  }
0xa3: {  	[sflag:s23] =	ssyncset.done $0x0  }
0xa4: {  	s25 =	simm.s32 $0x1B8E;
	s24 =	sld [smem:$0x3FFE];
	[sflag:s23] =	ssyncadd.s32 $0xFFFFFFFF  }
0xa5: {  	s26 =	simm.s32 $execute0_lowered;
	[smem:$0x3FD2] =	sst s25  }
0xa6: {  	s4 =	sshll.u32 s26, $0x1;
	_ =	strace $0x80000046;
	[dreg:$0x1] =	wrdreg $0xFFFFFFFF  }
0xa7: {  	s28 =	simm.s32 $_size_execute0_lowered;
	s2 =	sadd.s32 s2, s4;
	[dreg:$0x0] =	wrdreg $0x0  }
0xa8: {  	s4 =	sshll.u32 s28, $0x1;
	[dreg:$0x2] =	wrdreg s2  }
0xa9: {  	[dreg:$0x3] =	wrdreg s4  }
0xaa: {  	[dreg:$0x4] =	wrdreg $0xC0  }
0xab: {  	_ =	task [dreg:s6], $0x5FFFF  }
0xac: {  	[dreg:$0x1] =	wrdreg $0xFFFFFFFF  }
0xad: {  	[dreg:$0x0] =	wrdreg $0x60  }
0xae: {  	[dreg:$0x2] =	wrdreg s24  }
0xaf: {  	[dreg:$0x3] =	wrdreg $0x9  }
0xb0: {  	_ =	task.clear_ibuf [dreg:s6], $0x4FFFF;
	_ =	strace $0x90000046  }
0xb1: {  	s29 =	simm.s32 $0x9;
	_ =	strace $0x80000048  }
0xb2: {  	_ =	swait.ge [sflag:s29], $0x1  }
0xb3: {  	[sflag:s29] =	ssyncadd.s32 $0xFFFFFFFF  }
0xb4: {  	_ =	strace $0x90000048  }
0xb5: {  	_ =	sfence  }
0xb6: {  	s30 =	sld [smem:$0x0];
	_ =	sdelay $0x2  }
0xb7: {  	s31 =	sshll.u32 s1, $0xD;
	s1 =	sshrl.u32 s1, $0x2  }
0xb8: {  	s3 =	sand.u32 $0x4000, s31;
	s1 =	sadd.s32 s1, s30  }
0xb9: {  	s0 =	sor.u32 s3, s0;
	s1 =	sshll.u32 s1, $0x11  }
0xba: {  	s0 =	sor.u32 s1, s0  }
0xbb: {  	s0 =	sadd.s32 $0x8F2B, s0  }
0xbc: {  	[sflag:s0] =	ssyncadd.remote.s32 $0x1  }
0xbd: {  	_ =	sfence.sel $0xFFFF  }
0xbe: {  	[dreg:$0x0] =	wrdreg $0xFFFFFFFF;
	(pc) =	sbr.abs _section_cstart, $3  }
0xbf: {  	[dreg:$0x1] =	wrdreg $0xFFFFFFFF  }
0xc0: {  	_ =	task.clear_ibuf [dreg:s6], $0x2FFFF;
	_ =	strace $0x9FFFFFFF  }
0xc1: {  	(tm) =	ssettm $0x7FFFFFFF  }
tec
execute0_lowered:
.L_overlay_start_1:
0x0: {  	(tag) =	ssettag $0x1  }
0x1: {  	s1 =	srdreg.scid  }
0x2: {  	s0 =	stileid.u32;
	s6 =	sand.u32 $0x1, s1  }
0x3: {  	s8 =	rddreg [dreg:$0x0];
	s30 =	sshll.u32 s0, $0x6;
	s2 =	sshll.u32 s6, $0x5  }
0x4: {  	s7 =	simm.s32 $0x1;
	s1 =	rddreg [dreg:$0x1];
	s9 =	sor.u32 s2, s30  }
0x5: {  	s5 =	sadd.s32 $0x188800, s8;
	s2 =	simm.s32 $0x0;
	s3 =	sshrl.u32 s9, $0x3  }
0x6: {  	s10 =	ssub.s32 $0x2, s6;
	[smem:$0x7FF] =	sst s2;
	s3 =	sadd.s32 s3, s8  }
0x7: {  	_ =	strace $0x80000047;
	s4 =	sadd.s32 $0x1EA400, s3;
	s3 =	simm.s32 $0x2  }
0x8: {  	[tilespmem:s2], [sflag:$0x2] =	stream.linear.gather [hbm4b:s4+s2], $0x20, $0x38;
	[tilespmem:$0x420] =	vst v63  }
0x9: {  	s6 =	simm.s32 $0x20;
	s11 =	sshrl.u32 s10, $0x1;
	_ =	swait.ge [sflag:s3], $0x20  }
0xa: {  	s9 =	sshll.u32 s9, $0x2;
	s31 =	ssub.s32 s10, s11;
	[sflag:s3] =	ssyncset.done $0x0  }
0xb: {  	s8 =	sadd.s32 s9, s8;
	s9 =	smax.u32 s31, $0x1;
	[sflag:s3] =	ssyncadd.s32 $0xFFFFFFE0  }
0xc: {  	[tilespmem:s6], [sflag:$0x1] =	stream.indirect.gather [hbm4b:s5+s6], $0x20, s2, s6, $0xb8;
	[tilespmem:$0x420] =	vst v63  }
0xd: {  	p0 =	sne.s32 s9, $0x1;
	_ =	swait.ge [sflag:s7], $0x400  }
.Ltmp0:
0xe: {  	[sflag:s7] =	ssyncset.done $0x0;
	(pc) =	sbr.rel @!p0 .LBB2_2-.Ltmp0, $4  }
0xf: {  	s8 =	sadd.s32 $0x1EA600, s8;
	[sflag:s7] =	ssyncadd.s32 $0xFFFFFC00  }
0x10: {  	[hbm4b:s8+s2] =	stream.linear.scatter [tilespmem:s6], [sflag:$0x2], $0x400, $0x38;
	[tilespmem:$0x420] =	vst v63  }
0x11: {  	_ =	swait.ge [sflag:s3], $0x400  }
0x12: {  	s9 =	sadd.s32 $0xFFFFFFFF, s9;
	[sflag:s3] =	ssyncset.done $0x0  }
.LBB2_1:
0x13: {  	p0 =	sne.s32 s9, $0x1;
	s9 =	sadd.s32 $0xFFFFFFFF, s9;
	[sflag:s3] =	ssyncadd.s32 $0xFFFFFC00  }
0x14: {  	[tilespmem:s2], [sflag:$0x2] =	stream.linear.gather [hbm4b:s4+s2], $0x20, $0x38;
	[tilespmem:$0x420] =	vst v63  }
0x15: {  	_ =	swait.ge [sflag:s3], $0x20  }
0x16: {  	[sflag:s3] =	ssyncset.done $0x0  }
0x17: {  	[sflag:s3] =	ssyncadd.s32 $0xFFFFFFE0  }
0x18: {  	[tilespmem:s6], [sflag:$0x1] =	stream.indirect.gather [hbm4b:s5+s6], $0x20, s2, s6, $0xb8;
	[tilespmem:$0x420] =	vst v63  }
0x19: {  	_ =	swait.ge [sflag:s7], $0x400  }
.Ltmp1:
0x1a: {  	[sflag:s7] =	ssyncset.done $0x0;
	(pc) =	sbr.rel @p0 .LBB2_1-.Ltmp1, $4  }
0x1b: {  	[sflag:s7] =	ssyncadd.s32 $0xFFFFFC00  }
0x1c: {  	[hbm4b:s8+s2] =	stream.linear.scatter [tilespmem:s6], [sflag:$0x2], $0x400, $0x38;
	[tilespmem:$0x420] =	vst v63  }
0x1d: {  	_ =	swait.ge [sflag:s3], $0x400  }
0x1e: {  	[sflag:s3] =	ssyncset.done $0x0  }
.LBB2_2:
0x1f: {  	[sflag:s3] =	ssyncadd.s32 $0xFFFFFC00  }
0x20: {  	_ =	sfence.sel $0x180000  }
0x21: {  	[bflag:$0x0] =	sbarrier.arrive $0xFFFF  }
0x22: {  	p0 =	sne.s32 s0, $0x0;
	_ =	strace $0x90000047  }
0x23: {  	s0 =	sadd.s32 @!p0 $0x100000, s1;
	[bflag:$0x2] =	sbarrier.arrive $0xFFFF  }
0x24: {  	[sflag:s0] =	ssyncadd.tile.s32 @!p0 $0x1;
	_ =	shalt  }
.Lfunc_end2:
_tile_overlayer_lowered:
.L_overlay_start_2:
0x25: {  	(tag) =	ssettag $0x2  }
0x26: {  	s0 =	rddreg [dreg:$0x0];
	s2 =	stileid.u32  }
0x27: {  	s1 =	rddreg [dreg:$0x1];
	p0 =	sne.s32 s2, $0x0  }
0x28: {  	s3 =	rddreg [dreg:$0x2];
	[bflag:$0x3] =	sbarrier.arrive $0xFFFF;
	s2 =	simm.s32 @!p0 $0x1C02  }
0x29: {  	[timem:s3], [sflag:s2] =	dma.local @!p0 [hbm:s0], s1  }
0x2a: {  	s0 =	simm.s32 @!p0 $0x2  }
0x2b: {  	_ =	swait.ge @!p0 [sflag:s0], s1  }
0x2c: {  	s1 =	ssub.s32 @!p0 $0x0, s1;
	[sflag:s0] =	ssyncset.done @!p0 $0x0  }
0x2d: {  	[sflag:s0] =	ssyncadd.s32 @!p0 s1  }
0x2e: {  	[bflag:$0x3] =	sbarrier.arrive $0xFFFF  }
0x2f: {  	_ =	shalt  }

</sc_bundles>
